<compile_context>
chip_gen: v7x
topology: tpu7x:2x2x1
jax: 0.10.2.dev20260603
libtpu: 0.0.44.dev20260713+nightly
codegen_flags: <defaults>
</compile_context>

<pallas_src>
import functools

import jax
import jax.numpy as jnp
from jax import lax
from jax.experimental import pallas as pl
from jax.experimental.pallas import tpu as pltpu
from jax.experimental.pallas import tpu_sc as plsc

N = 10000
E = 320000
D = 128

NC = 2
NS = 16
NW = NC * NS
NPAD = 10240
RPT = NPAD // NS
NPAD2 = 10112
RPT2 = NPAD2 // NS
CHUNK1 = 120
CPT1 = 86
EPT1 = CHUNK1 * CPT1

def _sc_agg1_body(x_hbm, edges_hbm, out_hbm, deg_hbm,
                  ibuf0, ibuf1, ibuf2, buf0, buf1, buf2, ones_v, zvec_v,
                  acc_sh, deg_sh,
                  semi0, semi1, semi2, semg0, semg1, semg2):
  ibuf = (ibuf0, ibuf1, ibuf2)
  rbuf = (buf0, buf1, buf2)
  semi = (semi0, semi1, semi2)
  semg = (semg0, semg1, semg2)

  c = lax.axis_index("c")
  s = lax.axis_index("s")
  w = c * NS + s

  def start_idx(j, b):
    pltpu.async_copy(edges_hbm.at[w, j], ibuf[b], semi[b])

  def wait_idx(j, b):
    pltpu.make_async_copy(edges_hbm.at[w, j], ibuf[b], semi[b]).wait()

  def start_gather(b):
    pltpu.async_copy(x_hbm.at[ibuf[b].at[0]], rbuf[b], semg[b])

  def wait_gather(b):
    pltpu.make_async_copy(x_hbm.at[ibuf[b].at[0]], rbuf[b],
                          semg[b]).wait()

  def scatter(b):
    pltpu.sync_copy(rbuf[b], acc_sh.at[ibuf[b].at[1]], add=True)
    pltpu.sync_copy(ones_v.at[pl.ds(0, CHUNK1)], deg_sh.at[ibuf[b].at[1]],
                    add=True)

  pltpu.sync_copy(edges_hbm.at[w, 0], ibuf0)
  start_idx(1, 1)
  start_idx(2, 2)

  z16 = jnp.zeros((16,), jnp.float32)
  o16 = jnp.ones((16,), jnp.float32)
  for kk in range(8):
    ones_v[pl.ds(kk * 16, 16)] = o16
    zvec_v[pl.ds(kk * 16, 16)] = z16

  def zrow(r, _):
    for kk in range(D // 16):
      buf0[r, pl.ds(kk * 16, 16)] = z16
    return 0
  lax.fori_loop(0, CHUNK1, zrow, 0)

  base = s * RPT2
  for k in range(5):
    pltpu.sync_copy(buf0, acc_sh.at[pl.ds(base + k * CHUNK1, CHUNK1)])
  pltpu.sync_copy(buf0.at[pl.ds(0, RPT2 - 5 * CHUNK1)],
                  acc_sh.at[pl.ds(base + 5 * CHUNK1, RPT2 - 5 * CHUNK1)])
  dbase = s * RPT
  for k in range(RPT // 128):
    pltpu.sync_copy(zvec_v, deg_sh.at[pl.ds(dbase + k * 128, 128)])

  start_gather(0)
  wait_idx(1, 1)
  start_gather(1)

  plsc.subcore_barrier()

  def outer(it, _):
    j0 = it * 3
    for b in range(3):
      j = j0 + b
      wait_gather(b)
      scatter(b)
      wait_idx(j + 2, (b + 2) % 3)
      start_gather((b + 2) % 3)
      @pl.when(j + 3 < CPT1)
      def _():
        start_idx(j + 3, b)
    return 0

  lax.fori_loop(0, (CPT1 - 2) // 3, outer, 0)

  wait_gather(0)
  scatter(0)
  wait_gather(1)
  scatter(1)

  plsc.subcore_barrier()

  pltpu.sync_copy(acc_sh.at[pl.ds(base, RPT2)],
                  out_hbm.at[c, pl.ds(base, RPT2)])
  pltpu.sync_copy(deg_sh.at[pl.ds(dbase, RPT)],
                  deg_hbm.at[pl.ds(c * NPAD + dbase, RPT)])


_sc_agg1 = pl.kernel(
    _sc_agg1_body,
    out_type=(jax.ShapeDtypeStruct((NC, NPAD2, D), jnp.float32),
              jax.ShapeDtypeStruct((NC * NPAD,), jnp.float32)),
    mesh=plsc.VectorSubcoreMesh(core_axis_name="c", subcore_axis_name="s"),
    scratch_types=(
        [pltpu.VMEM((2, CHUNK1), jnp.int32)] * 3 +
        [pltpu.VMEM((CHUNK1, D), jnp.float32)] * 3 +
        [pltpu.VMEM((128,), jnp.float32),
         pltpu.VMEM((128,), jnp.float32),
         pltpu.VMEM_SHARED((NPAD2, D), jnp.float32),
         pltpu.VMEM_SHARED((NPAD,), jnp.float32)] +
        [pltpu.SemaphoreType.DMA] * 6
    ),
    name="sage_sc_agg1",
)


def _sc_agg3_body(x_hbm, edges_hbm, out_hbm, ibuf0, ibuf1, ibuf2,
                  buf0, buf1, buf2, acc_sh,
                  semi0, semi1, semi2, semg0, semg1, semg2):
  ibuf = (ibuf0, ibuf1, ibuf2)
  rbuf = (buf0, buf1, buf2)
  semi = (semi0, semi1, semi2)
  semg = (semg0, semg1, semg2)

  c = lax.axis_index("c")
  s = lax.axis_index("s")
  w = c * NS + s

  def start_idx(j, b):
    pltpu.async_copy(edges_hbm.at[w, j], ibuf[b], semi[b])

  def wait_idx(j, b):
    pltpu.make_async_copy(edges_hbm.at[w, j], ibuf[b], semi[b]).wait()

  def start_gather(b):
    pltpu.async_copy(x_hbm.at[ibuf[b].at[0]], rbuf[b], semg[b])

  def wait_gather(b):
    pltpu.make_async_copy(x_hbm.at[ibuf[b].at[0]], rbuf[b],
                          semg[b]).wait()

  def scatter(b):
    pltpu.sync_copy(rbuf[b], acc_sh.at[ibuf[b].at[1]], add=True)

  pltpu.sync_copy(edges_hbm.at[w, 0], ibuf0)
  start_idx(1, 1)
  start_idx(2, 2)

  z16 = jnp.zeros((16,), jnp.float32)

  def zrow(r, _):
    for kk in range(D // 16):
      buf0[r, pl.ds(kk * 16, 16)] = z16
    return 0
  lax.fori_loop(0, CHUNK1, zrow, 0)

  base = s * RPT2
  for k in range(5):
    pltpu.sync_copy(buf0, acc_sh.at[pl.ds(base + k * CHUNK1, CHUNK1)])
  pltpu.sync_copy(buf0.at[pl.ds(0, RPT2 - 5 * CHUNK1)],
                  acc_sh.at[pl.ds(base + 5 * CHUNK1, RPT2 - 5 * CHUNK1)])

  start_gather(0)
  wait_idx(1, 1)
  start_gather(1)

  plsc.subcore_barrier()

  def outer(it, _):
    j0 = it * 3
    for b in range(3):
      j = j0 + b
      wait_gather(b)
      scatter(b)
      wait_idx(j + 2, (b + 2) % 3)
      start_gather((b + 2) % 3)
      @pl.when(j + 3 < CPT1)
      def _():
        start_idx(j + 3, b)
    return 0

  lax.fori_loop(0, (CPT1 - 2) // 3, outer, 0)

  wait_gather(0)
  scatter(0)
  wait_gather(1)
  scatter(1)

  plsc.subcore_barrier()

  pltpu.sync_copy(acc_sh.at[pl.ds(base, RPT2)],
                  out_hbm.at[c, pl.ds(base, RPT2)])


_sc_agg3 = pl.kernel(
    _sc_agg3_body,
    out_type=jax.ShapeDtypeStruct((NC, NPAD2, D), jnp.float32),
    mesh=plsc.VectorSubcoreMesh(core_axis_name="c", subcore_axis_name="s"),
    scratch_types=(
        [pltpu.VMEM((2, CHUNK1), jnp.int32)] * 3 +
        [pltpu.VMEM((CHUNK1, D), jnp.float32)] * 3 +
        [pltpu.VMEM_SHARED((NPAD2, D), jnp.float32)] +
        [pltpu.SemaphoreType.DMA] * 6
    ),
    name="sage_sc_agg3",
)


BLK = 1000


def _tc_pre_body(x, wr, b, o):
  o[...] = jnp.dot(x[...], wr[...], preferred_element_type=jnp.float32,
                   precision=lax.Precision.HIGHEST) + b[...]


def _tc_pre(x, wr, b):
  return pl.pallas_call(
      _tc_pre_body,
      grid=(N // BLK,),
      in_specs=[
          pl.BlockSpec((BLK, D), lambda i: (i, 0)),
          pl.BlockSpec((D, D), lambda i: (0, 0)),
          pl.BlockSpec((1, D), lambda i: (0, 0)),
      ],
      out_specs=pl.BlockSpec((BLK, D), lambda i: (i, 0)),
      out_shape=jax.ShapeDtypeStruct((N, D), jnp.float32),
  )(x, wr, b)


def _tc1_body(pa, pb, dg, pre, wl, o):
  dtot = dg[:, 0:1] + dg[:, 1:2]
  rdeg = 1.0 / jnp.maximum(dtot, 1.0)
  mean = (pa[...] + pb[...]) * rdeg
  acc = jnp.dot(mean, wl[...], preferred_element_type=jnp.float32,
                precision=lax.Precision.HIGHEST)
  o[...] = jnp.maximum(acc + pre[...], 0.0)


def _tc2_body(pa, pb, dg, pre, wl, o):
  dtot = dg[:, 0:1] + dg[:, 1:2]
  rdeg = 1.0 / jnp.maximum(dtot, 1.0)
  mean = (pa[...] + pb[...]) * rdeg
  z = jnp.dot(mean, wl[...], preferred_element_type=jnp.float32,
              precision=lax.Precision.HIGHEST) + pre[...]
  m = jnp.max(z, axis=1, keepdims=True)
  lse = jnp.log(jnp.sum(jnp.exp(z - m), axis=1, keepdims=True)) + m
  o[...] = z - lse


def _tc_layer(body, pa, pb, dgt, pre, wl):
  return pl.pallas_call(
      body,
      grid=(N // BLK,),
      in_specs=[
          pl.BlockSpec((BLK, D), lambda i: (i, 0)),
          pl.BlockSpec((BLK, D), lambda i: (i, 0)),
          pl.BlockSpec((BLK, 2), lambda i: (i, 0)),
          pl.BlockSpec((BLK, D), lambda i: (i, 0)),
          pl.BlockSpec((D, D), lambda i: (0, 0)),
      ],
      out_specs=pl.BlockSpec((BLK, D), lambda i: (i, 0)),
      out_shape=jax.ShapeDtypeStruct((N, D), jnp.float32),
  )(pa, pb, dgt, pre, wl)


def kernel(x, edge_index, W1_l, b1_l, W1_r, W2_l, b2_l, W2_r):
  src = edge_index[0]
  dst = edge_index[1]

  def padded_edges(ept, cpt, chunk):
    pad = ept * NW - E
    ar = jnp.arange(pad, dtype=jnp.int32)
    pad_src = (ar * 37) % N
    pad_dst = N + ar % (NPAD2 - N)
    src_r = jnp.concatenate([src, pad_src]).reshape(NW, cpt, chunk)
    dst_r = jnp.concatenate([dst, pad_dst]).reshape(NW, cpt, chunk)
    return jnp.stack([src_r, dst_r], axis=2)

  edges1_r = padded_edges(EPT1, CPT1, CHUNK1)

  xr = _tc_pre(x, W1_r, b1_l.reshape(1, D))
  p1, deg_flat = _sc_agg1(x, edges1_r)
  dgt = jnp.transpose(deg_flat.reshape(NC, NPAD))
  h = _tc_layer(_tc1_body, p1[0], p1[1], dgt, xr, W1_l)

  hr = _tc_pre(h, W2_r, b2_l.reshape(1, D))
  p2 = _sc_agg3(h, edges1_r)
  out = _tc_layer(_tc2_body, p2[0], p2[1], dgt, hr, W2_l)
  return out

# --- scband reference (transcript-rebuilt; emitter-appended) ---
"""Pipeline reference for scband-graph-sagenet-29729763623350 (READ-ONLY COPY).

The authoritative reference and input builder live on the scoring server;
editing this copy changes nothing except your own understanding.
"""

import jax, jax.numpy as jnp
import numpy as np

N = 10000
E = 320000
D_IN = 128
D_H = 128
D_OUT = 128


def setup_inputs(seed: int = 0) -> dict:
    key = jax.random.key(seed)
    ks = jax.random.split(key, 9)
    x = jax.random.normal(ks[0], (N, D_IN), dtype=jnp.float32)
    edge_index = jax.random.randint(ks[1], (2, E), 0, N, dtype=jnp.int32)
    s1 = 1.0 / np.sqrt(D_IN)
    s2 = 1.0 / np.sqrt(D_H)
    W1_l = jax.random.normal(ks[2], (D_IN, D_H), dtype=jnp.float32) * s1
    b1_l = jnp.zeros((D_H,), dtype=jnp.float32)
    W1_r = jax.random.normal(ks[3], (D_IN, D_H), dtype=jnp.float32) * s1
    W2_l = jax.random.normal(ks[4], (D_H, D_OUT), dtype=jnp.float32) * s2
    b2_l = jnp.zeros((D_OUT,), dtype=jnp.float32)
    W2_r = jax.random.normal(ks[5], (D_H, D_OUT), dtype=jnp.float32) * s2
    return {"x": x, "edge_index": edge_index, "W1_l": W1_l, "b1_l": b1_l,
            "W1_r": W1_r, "W2_l": W2_l, "b2_l": b2_l, "W2_r": W2_r}


def _sage_conv(x, src, dst, W_l, b_l, W_r):
    # PyG SAGEConv with mean aggregation:
    #   out = lin_l(mean_{j in N(i)} x_j) + lin_r(x_i)
    msgs = jnp.take(x, src, axis=0)                         # gather [E, d]
    summed = jax.ops.segment_sum(msgs, dst, num_segments=N)  # scatter-add
    ones = jnp.ones((src.shape[0],), dtype=x.dtype)
    deg = jax.ops.segment_sum(ones, dst, num_segments=N)
    mean = summed / jnp.clip(deg, 1.0, None)[:, None]
    return mean @ W_l + b_l + x @ W_r


def reference(x, edge_index, W1_l, b1_l, W1_r, W2_l, b2_l, W2_r):
    src = edge_index[0]
    dst = edge_index[1]
    h = _sage_conv(x, src, dst, W1_l, b1_l, W1_r)
    h = jax.nn.relu(h)
    # dropout is identity in eval mode
    h = _sage_conv(h, src, dst, W2_l, b2_l, W2_r)
    return jax.nn.log_softmax(h, axis=1)

if __name__ == "__main__":
    import jax
    _d = setup_inputs()
    print(jax.jit(kernel)(*tuple(_d.values())))

</pallas_src>

<mosaic_0001>
#map = affine_map<(d0, d1) -> (0, 0)>
#map1 = affine_map<(d0, d1) -> (0, 0, 0, 0)>
#map2 = affine_map<(d0, d1) -> (0, 0, 0)>
#map3 = affine_map<(d0, d1) -> (0)>
module attributes {stable_mosaic.version = 14 : i64} {
  func.func @sage_sc_agg1(%arg0: i32, %arg1: i32, %arg2: memref<10000x128xf32, #tpu.memory_space<hbm>>, %arg3: memref<32x86x2x120xi32, #tpu.memory_space<hbm>>, %arg4: memref<2x10112x128xf32, #tpu.memory_space<hbm>>, %arg5: memref<20480xf32, #tpu.memory_space<hbm>>, %arg6: memref<2x120xi32, #tpu.memory_space<vmem>>, %arg7: memref<2x120xi32, #tpu.memory_space<vmem>>, %arg8: memref<2x120xi32, #tpu.memory_space<vmem>>, %arg9: memref<120x128xf32, #tpu.memory_space<vmem>>, %arg10: memref<120x128xf32, #tpu.memory_space<vmem>>, %arg11: memref<120x128xf32, #tpu.memory_space<vmem>>, %arg12: memref<128xf32, #tpu.memory_space<vmem>>, %arg13: memref<128xf32, #tpu.memory_space<vmem>>, %arg14: memref<10112x128xf32, #tpu.memory_space<vmem_shared>>, %arg15: memref<10240xf32, #tpu.memory_space<vmem_shared>>, %arg16: memref<!tpu.dma_semaphore, #tpu.memory_space<semaphore_mem>>, %arg17: memref<!tpu.dma_semaphore, #tpu.memory_space<semaphore_mem>>, %arg18: memref<!tpu.dma_semaphore, #tpu.memory_space<semaphore_mem>>, %arg19: memref<!tpu.dma_semaphore, #tpu.memory_space<semaphore_mem>>, %arg20: memref<!tpu.dma_semaphore, #tpu.memory_space<semaphore_mem>>, %arg21: memref<!tpu.dma_semaphore, #tpu.memory_space<semaphore_mem>>) attributes {dimension_semantics = [#tpu.dimension_semantics<core_parallel>, #tpu.dimension_semantics<subcore_parallel>], iteration_bounds = array<i64: 2, 16>, scalar_prefetch = 0 : i64, scratch_operands = 16 : i64, tpu.core_type = #tpu.core_type<sc_vector_subcore>, window_params = [{transform_indices = #map}, {transform_indices = #map1}, {transform_indices = #map2}, {transform_indices = #map3}]} {
    %mul3A = arith.constant 16 : i32
    %mul3A_0 = arith.muli %arg0, %mul3A : i32
    %add3A = arith.addi %mul3A_0, %arg1 : i32
    %run_scoped3A = arith.constant 0 : i32
    "tpu.region"() ({
      %run_scoped3A_167 = tpu.sem_alloc : memref<!tpu.dma_semaphore, #tpu.memory_space<semaphore_mem>>
      %dma_start3A_168 = arith.constant 0 : i32
      %dma_start3A_169 = arith.constant 0 : i32
      %dma_start3A_170 = tpu.memref_slice %arg3[%add3A, %run_scoped3A, %dma_start3A_168, %dma_start3A_169] : memref<32x86x2x120xi32, #tpu.memory_space<hbm>> -> memref<1x1x2x120xi32, #tpu.memory_space<hbm>>
      %dma_start3A_171 = tpu.memref_squeeze %dma_start3A_170 : memref<1x1x2x120xi32, #tpu.memory_space<hbm>> -> memref<2x120xi32, #tpu.memory_space<hbm>>
      %dma_start3A_172 = arith.constant 0 : i32
      %dma_start3A_173 = arith.constant 0 : i32
      %dma_start3A_174 = tpu.memref_slice %arg3[%add3A, %run_scoped3A, %dma_start3A_172, %dma_start3A_173] : memref<32x86x2x120xi32, #tpu.memory_space<hbm>> -> memref<1x1x2x120xi32, #tpu.memory_space<hbm>>
      %dma_start3A_175 = tpu.memref_squeeze %dma_start3A_174 : memref<1x1x2x120xi32, #tpu.memory_space<hbm>> -> memref<2x120xi32, #tpu.memory_space<hbm>>
      tpu.enqueue_dma source(%dma_start3A_175 : memref<2x120xi32, #tpu.memory_space<hbm>>) target(%arg6 : memref<2x120xi32, #tpu.memory_space<vmem>>) target_semaphore(%run_scoped3A_167 : memref<!tpu.dma_semaphore, #tpu.memory_space<semaphore_mem>>)
      %dma_wait3A_176 = arith.constant 0 : i32
      %dma_wait3A_177 = arith.constant 0 : i32
      %dma_wait3A_178 = tpu.memref_slice %arg3[%add3A, %run_scoped3A, %dma_wait3A_176, %dma_wait3A_177] : memref<32x86x2x120xi32, #tpu.memory_space<hbm>> -> memref<1x1x2x120xi32, #tpu.memory_space<hbm>>
      %dma_wait3A_179 = tpu.memref_squeeze %dma_wait3A_178 : memref<1x1x2x120xi32, #tpu.memory_space<hbm>> -> memref<2x120xi32, #tpu.memory_space<hbm>>
      %dma_wait3A_180 = arith.constant 0 : i32
      %dma_wait3A_181 = arith.constant 0 : i32
      %dma_wait3A_182 = tpu.memref_slice %arg3[%add3A, %run_scoped3A, %dma_wait3A_180, %dma_wait3A_181] : memref<32x86x2x120xi32, #tpu.memory_space<hbm>> -> memref<1x1x2x120xi32, #tpu.memory_space<hbm>>
      %dma_wait3A_183 = tpu.memref_squeeze %dma_wait3A_182 : memref<1x1x2x120xi32, #tpu.memory_space<hbm>> -> memref<2x120xi32, #tpu.memory_space<hbm>>
      tpu.wait_dma2 semaphore(%run_scoped3A_167 : memref<!tpu.dma_semaphore, #tpu.memory_space<semaphore_mem>>) src(%dma_wait3A_183 : memref<2x120xi32, #tpu.memory_space<hbm>>) dst(%arg6 : memref<2x120xi32, #tpu.memory_space<vmem>>)
      tpu.yield
    }) : () -> ()
    %dma_start3A = arith.constant 1 : i32
    %dma_start3A_1 = arith.constant 0 : i32
    %dma_start3A_2 = arith.constant 0 : i32
    %dma_start3A_3 = tpu.memref_slice %arg3[%add3A, %dma_start3A, %dma_start3A_1, %dma_start3A_2] : memref<32x86x2x120xi32, #tpu.memory_space<hbm>> -> memref<1x1x2x120xi32, #tpu.memory_space<hbm>>
    %dma_start3A_4 = tpu.memref_squeeze %dma_start3A_3 : memref<1x1x2x120xi32, #tpu.memory_space<hbm>> -> memref<2x120xi32, #tpu.memory_space<hbm>>
    %dma_start3A_5 = arith.constant 0 : i32
    %dma_start3A_6 = arith.constant 0 : i32
    %dma_start3A_7 = tpu.memref_slice %arg3[%add3A, %dma_start3A, %dma_start3A_5, %dma_start3A_6] : memref<32x86x2x120xi32, #tpu.memory_space<hbm>> -> memref<1x1x2x120xi32, #tpu.memory_space<hbm>>
    %dma_start3A_8 = tpu.memref_squeeze %dma_start3A_7 : memref<1x1x2x120xi32, #tpu.memory_space<hbm>> -> memref<2x120xi32, #tpu.memory_space<hbm>>
    tpu.enqueue_dma source(%dma_start3A_8 : memref<2x120xi32, #tpu.memory_space<hbm>>) target(%arg7 : memref<2x120xi32, #tpu.memory_space<vmem>>) target_semaphore(%arg17 : memref<!tpu.dma_semaphore, #tpu.memory_space<semaphore_mem>>)
    %dma_start3A_9 = arith.constant 2 : i32
    %dma_start3A_10 = arith.constant 0 : i32
    %dma_start3A_11 = arith.constant 0 : i32
    %dma_start3A_12 = tpu.memref_slice %arg3[%add3A, %dma_start3A_9, %dma_start3A_10, %dma_start3A_11] : memref<32x86x2x120xi32, #tpu.memory_space<hbm>> -> memref<1x1x2x120xi32, #tpu.memory_space<hbm>>
    %dma_start3A_13 = tpu.memref_squeeze %dma_start3A_12 : memref<1x1x2x120xi32, #tpu.memory_space<hbm>> -> memref<2x120xi32, #tpu.memory_space<hbm>>
    %dma_start3A_14 = arith.constant 0 : i32
    %dma_start3A_15 = arith.constant 0 : i32
    %dma_start3A_16 = tpu.memref_slice %arg3[%add3A, %dma_start3A_9, %dma_start3A_14, %dma_start3A_15] : memref<32x86x2x120xi32, #tpu.memory_space<hbm>> -> memref<1x1x2x120xi32, #tpu.memory_space<hbm>>
    %dma_start3A_17 = tpu.memref_squeeze %dma_start3A_16 : memref<1x1x2x120xi32, #tpu.memory_space<hbm>> -> memref<2x120xi32, #tpu.memory_space<hbm>>
    tpu.enqueue_dma source(%dma_start3A_17 : memref<2x120xi32, #tpu.memory_space<hbm>>) target(%arg8 : memref<2x120xi32, #tpu.memory_space<vmem>>) target_semaphore(%arg18 : memref<!tpu.dma_semaphore, #tpu.memory_space<semaphore_mem>>)
    %broadcast_in_dim3A = arith.constant 0.000000e+00 : f32
    %broadcast_in_dim3A_18 = vector.broadcast %broadcast_in_dim3A : f32 to vector<16xf32>
    %broadcast_in_dim3A_19 = arith.constant 1.000000e+00 : f32
    %broadcast_in_dim3A_20 = vector.broadcast %broadcast_in_dim3A_19 : f32 to vector<16xf32>
    %swap3A = arith.constant 0 : index
    %swap3A_21 = tpu.vector_load %arg12[%swap3A] {strides = array<i32>} : memref<128xf32, #tpu.memory_space<vmem>>, vector<16xf32>,
    %swap3A_22 = vector.shape_cast %swap3A_21 : vector<16xf32> to vector<16xf32>
    %swap3A_23 = vector.shape_cast %broadcast_in_dim3A_20 : vector<16xf32> to vector<16xf32>
    tpu.vector_store %arg12[%swap3A], %swap3A_23 {strides = array<i32>} : memref<128xf32, #tpu.memory_space<vmem>>, vector<16xf32>,
    %swap3A_24 = arith.constant 0 : index
    %swap3A_25 = tpu.vector_load %arg13[%swap3A_24] {strides = array<i32>} : memref<128xf32, #tpu.memory_space<vmem>>, vector<16xf32>,
    %swap3A_26 = vector.shape_cast %swap3A_25 : vector<16xf32> to vector<16xf32>
    %swap3A_27 = vector.shape_cast %broadcast_in_dim3A_18 : vector<16xf32> to vector<16xf32>
    tpu.vector_store %arg13[%swap3A_24], %swap3A_27 {strides = array<i32>} : memref<128xf32, #tpu.memory_space<vmem>>, vector<16xf32>,
    %swap3A_28 = arith.constant 16 : index
    %swap3A_29 = tpu.vector_load %arg12[%swap3A_28] {strides = array<i32>} : memref<128xf32, #tpu.memory_space<vmem>>, vector<16xf32>,
    %swap3A_30 = vector.shape_cast %swap3A_29 : vector<16xf32> to vector<16xf32>
    %swap3A_31 = vector.shape_cast %broadcast_in_dim3A_20 : vector<16xf32> to vector<16xf32>
    tpu.vector_store %arg12[%swap3A_28], %swap3A_31 {strides = array<i32>} : memref<128xf32, #tpu.memory_space<vmem>>, vector<16xf32>,
    %swap3A_32 = arith.constant 16 : index
    %swap3A_33 = tpu.vector_load %arg13[%swap3A_32] {strides = array<i32>} : memref<128xf32, #tpu.memory_space<vmem>>, vector<16xf32>,
    %swap3A_34 = vector.shape_cast %swap3A_33 : vector<16xf32> to vector<16xf32>
    %swap3A_35 = vector.shape_cast %broadcast_in_dim3A_18 : vector<16xf32> to vector<16xf32>
    tpu.vector_store %arg13[%swap3A_32], %swap3A_35 {strides = array<i32>} : memref<128xf32, #tpu.memory_space<vmem>>, vector<16xf32>,
    %swap3A_36 = arith.constant 32 : index
    %swap3A_37 = tpu.vector_load %arg12[%swap3A_36] {strides = array<i32>} : memref<128xf32, #tpu.memory_space<vmem>>, vector<16xf32>,
    %swap3A_38 = vector.shape_cast %swap3A_37 : vector<16xf32> to vector<16xf32>
    %swap3A_39 = vector.shape_cast %broadcast_in_dim3A_20 : vector<16xf32> to vector<16xf32>
    tpu.vector_store %arg12[%swap3A_36], %swap3A_39 {strides = array<i32>} : memref<128xf32, #tpu.memory_space<vmem>>, vector<16xf32>,
    %swap3A_40 = arith.constant 32 : index
    %swap3A_41 = tpu.vector_load %arg13[%swap3A_40] {strides = array<i32>} : memref<128xf32, #tpu.memory_space<vmem>>, vector<16xf32>,
    %swap3A_42 = vector.shape_cast %swap3A_41 : vector<16xf32> to vector<16xf32>
    %swap3A_43 = vector.shape_cast %broadcast_in_dim3A_18 : vector<16xf32> to vector<16xf32>
    tpu.vector_store %arg13[%swap3A_40], %swap3A_43 {strides = array<i32>} : memref<128xf32, #tpu.memory_space<vmem>>, vector<16xf32>,
    %swap3A_44 = arith.constant 48 : index
    %swap3A_45 = tpu.vector_load %arg12[%swap3A_44] {strides = array<i32>} : memref<128xf32, #tpu.memory_space<vmem>>, vector<16xf32>,
    %swap3A_46 = vector.shape_cast %swap3A_45 : vector<16xf32> to vector<16xf32>
    %swap3A_47 = vector.shape_cast %broadcast_in_dim3A_20 : vector<16xf32> to vector<16xf32>
    tpu.vector_store %arg12[%swap3A_44], %swap3A_47 {strides = array<i32>} : memref<128xf32, #tpu.memory_space<vmem>>, vector<16xf32>,
    %swap3A_48 = arith.constant 48 : index
    %swap3A_49 = tpu.vector_load %arg13[%swap3A_48] {strides = array<i32>} : memref<128xf32, #tpu.memory_space<vmem>>, vector<16xf32>,
    %swap3A_50 = vector.shape_cast %swap3A_49 : vector<16xf32> to vector<16xf32>
    %swap3A_51 = vector.shape_cast %broadcast_in_dim3A_18 : vector<16xf32> to vector<16xf32>
    tpu.vector_store %arg13[%swap3A_48], %swap3A_51 {strides = array<i32>} : memref<128xf32, #tpu.memory_space<vmem>>, vector<16xf32>,
    %swap3A_52 = arith.constant 64 : index
    %swap3A_53 = tpu.vector_load %arg12[%swap3A_52] {strides = array<i32>} : memref<128xf32, #tpu.memory_space<vmem>>, vector<16xf32>,
    %swap3A_54 = vector.shape_cast %swap3A_53 : vector<16xf32> to vector<16xf32>
    %swap3A_55 = vector.shape_cast %broadcast_in_dim3A_20 : vector<16xf32> to vector<16xf32>
    tpu.vector_store %arg12[%swap3A_52], %swap3A_55 {strides = array<i32>} : memref<128xf32, #tpu.memory_space<vmem>>, vector<16xf32>,
    %swap3A_56 = arith.constant 64 : index
    %swap3A_57 = tpu.vector_load %arg13[%swap3A_56] {strides = array<i32>} : memref<128xf32, #tpu.memory_space<vmem>>, vector<16xf32>,
    %swap3A_58 = vector.shape_cast %swap3A_57 : vector<16xf32> to vector<16xf32>
    %swap3A_59 = vector.shape_cast %broadcast_in_dim3A_18 : vector<16xf32> to vector<16xf32>
    tpu.vector_store %arg13[%swap3A_56], %swap3A_59 {strides = array<i32>} : memref<128xf32, #tpu.memory_space<vmem>>, vector<16xf32>,
    %swap3A_60 = arith.constant 80 : index
    %swap3A_61 = tpu.vector_load %arg12[%swap3A_60] {strides = array<i32>} : memref<128xf32, #tpu.memory_space<vmem>>, vector<16xf32>,
    %swap3A_62 = vector.shape_cast %swap3A_61 : vector<16xf32> to vector<16xf32>
    %swap3A_63 = vector.shape_cast %broadcast_in_dim3A_20 : vector<16xf32> to vector<16xf32>
    tpu.vector_store %arg12[%swap3A_60], %swap3A_63 {strides = array<i32>} : memref<128xf32, #tpu.memory_space<vmem>>, vector<16xf32>,
    %swap3A_64 = arith.constant 80 : index
    %swap3A_65 = tpu.vector_load %arg13[%swap3A_64] {strides = array<i32>} : memref<128xf32, #tpu.memory_space<vmem>>, vector<16xf32>,
    %swap3A_66 = vector.shape_cast %swap3A_65 : vector<16xf32> to vector<16xf32>
    %swap3A_67 = vector.shape_cast %broadcast_in_dim3A_18 : vector<16xf32> to vector<16xf32>
    tpu.vector_store %arg13[%swap3A_64], %swap3A_67 {strides = array<i32>} : memref<128xf32, #tpu.memory_space<vmem>>, vector<16xf32>,
    %swap3A_68 = arith.constant 96 : index
    %swap3A_69 = tpu.vector_load %arg12[%swap3A_68] {strides = array<i32>} : memref<128xf32, #tpu.memory_space<vmem>>, vector<16xf32>,
    %swap3A_70 = vector.shape_cast %swap3A_69 : vector<16xf32> to vector<16xf32>
    %swap3A_71 = vector.shape_cast %broadcast_in_dim3A_20 : vector<16xf32> to vector<16xf32>
    tpu.vector_store %arg12[%swap3A_68], %swap3A_71 {strides = array<i32>} : memref<128xf32, #tpu.memory_space<vmem>>, vector<16xf32>,
    %swap3A_72 = arith.constant 96 : index
    %swap3A_73 = tpu.vector_load %arg13[%swap3A_72] {strides = array<i32>} : memref<128xf32, #tpu.memory_space<vmem>>, vector<16xf32>,
    %swap3A_74 = vector.shape_cast %swap3A_73 : vector<16xf32> to vector<16xf32>
    %swap3A_75 = vector.shape_cast %broadcast_in_dim3A_18 : vector<16xf32> to vector<16xf32>
    tpu.vector_store %arg13[%swap3A_72], %swap3A_75 {strides = array<i32>} : memref<128xf32, #tpu.memory_space<vmem>>, vector<16xf32>,
    %swap3A_76 = arith.constant 112 : index
    %swap3A_77 = tpu.vector_load %arg12[%swap3A_76] {strides = array<i32>} : memref<128xf32, #tpu.memory_space<vmem>>, vector<16xf32>,
    %swap3A_78 = vector.shape_cast %swap3A_77 : vector<16xf32> to vector<16xf32>
    %swap3A_79 = vector.shape_cast %broadcast_in_dim3A_20 : vector<16xf32> to vector<16xf32>
    tpu.vector_store %arg12[%swap3A_76], %swap3A_79 {strides = array<i32>} : memref<128xf32, #tpu.memory_space<vmem>>, vector<16xf32>,
    %swap3A_80 = arith.constant 112 : index
    %swap3A_81 = tpu.vector_load %arg13[%swap3A_80] {strides = array<i32>} : memref<128xf32, #tpu.memory_space<vmem>>, vector<16xf32>,
    %swap3A_82 = vector.shape_cast %swap3A_81 : vector<16xf32> to vector<16xf32>
    %swap3A_83 = vector.shape_cast %broadcast_in_dim3A_18 : vector<16xf32> to vector<16xf32>
    tpu.vector_store %arg13[%swap3A_80], %swap3A_83 {strides = array<i32>} : memref<128xf32, #tpu.memory_space<vmem>>, vector<16xf32>,
    %scan3A = arith.constant 0 : i32
    %scan3A_84 = arith.constant 0 : i32
    %scan3A_85 = arith.constant 120 : i32
    %scan3A_86 = arith.addi %scan3A_84, %scan3A_85 : i32
    %scan3A_87 = arith.constant 1 : i32
    %scan3A_88 = scf.for %scan3A_167 = %scan3A_84 to %scan3A_86 step %scan3A_87 iter_args(%scan3A_168 = %scan3A) -> (i32)  : i32 {
      %swap3A_169 = arith.index_cast %scan3A_167 : i32 to index
      %swap3A_170 = arith.constant 0 : index
      %swap3A_171 = tpu.vector_load %arg9[%swap3A_169, %swap3A_170] {strides = array<i32>} : memref<120x128xf32, #tpu.memory_space<vmem>>, vector<1x16xf32>,
      %swap3A_172 = vector.shape_cast %swap3A_171 : vector<1x16xf32> to vector<16xf32>
      %swap3A_173 = vector.shape_cast %broadcast_in_dim3A_18 : vector<16xf32> to vector<1x16xf32>
      tpu.vector_store %arg9[%swap3A_169, %swap3A_170], %swap3A_173 {strides = array<i32>} : memref<120x128xf32, #tpu.memory_space<vmem>>, vector<1x16xf32>,
      %swap3A_174 = arith.index_cast %scan3A_167 : i32 to index
      %swap3A_175 = arith.constant 16 : index
      %swap3A_176 = tpu.vector_load %arg9[%swap3A_174, %swap3A_175] {strides = array<i32>} : memref<120x128xf32, #tpu.memory_space<vmem>>, vector<1x16xf32>,
      %swap3A_177 = vector.shape_cast %swap3A_176 : vector<1x16xf32> to vector<16xf32>
      %swap3A_178 = vector.shape_cast %broadcast_in_dim3A_18 : vector<16xf32> to vector<1x16xf32>
      tpu.vector_store %arg9[%swap3A_174, %swap3A_175], %swap3A_178 {strides = array<i32>} : memref<120x128xf32, #tpu.memory_space<vmem>>, vector<1x16xf32>,
      %swap3A_179 = arith.index_cast %scan3A_167 : i32 to index
      %swap3A_180 = arith.constant 32 : index
      %swap3A_181 = tpu.vector_load %arg9[%swap3A_179, %swap3A_180] {strides = array<i32>} : memref<120x128xf32, #tpu.memory_space<vmem>>, vector<1x16xf32>,
      %swap3A_182 = vector.shape_cast %swap3A_181 : vector<1x16xf32> to vector<16xf32>
      %swap3A_183 = vector.shape_cast %broadcast_in_dim3A_18 : vector<16xf32> to vector<1x16xf32>
      tpu.vector_store %arg9[%swap3A_179, %swap3A_180], %swap3A_183 {strides = array<i32>} : memref<120x128xf32, #tpu.memory_space<vmem>>, vector<1x16xf32>,
      %swap3A_184 = arith.index_cast %scan3A_167 : i32 to index
      %swap3A_185 = arith.constant 48 : index
      %swap3A_186 = tpu.vector_load %arg9[%swap3A_184, %swap3A_185] {strides = array<i32>} : memref<120x128xf32, #tpu.memory_space<vmem>>, vector<1x16xf32>,
      %swap3A_187 = vector.shape_cast %swap3A_186 : vector<1x16xf32> to vector<16xf32>
      %swap3A_188 = vector.shape_cast %broadcast_in_dim3A_18 : vector<16xf32> to vector<1x16xf32>
      tpu.vector_store %arg9[%swap3A_184, %swap3A_185], %swap3A_188 {strides = array<i32>} : memref<120x128xf32, #tpu.memory_space<vmem>>, vector<1x16xf32>,
      %swap3A_189 = arith.index_cast %scan3A_167 : i32 to index
      %swap3A_190 = arith.constant 64 : index
      %swap3A_191 = tpu.vector_load %arg9[%swap3A_189, %swap3A_190] {strides = array<i32>} : memref<120x128xf32, #tpu.memory_space<vmem>>, vector<1x16xf32>,
      %swap3A_192 = vector.shape_cast %swap3A_191 : vector<1x16xf32> to vector<16xf32>
      %swap3A_193 = vector.shape_cast %broadcast_in_dim3A_18 : vector<16xf32> to vector<1x16xf32>
      tpu.vector_store %arg9[%swap3A_189, %swap3A_190], %swap3A_193 {strides = array<i32>} : memref<120x128xf32, #tpu.memory_space<vmem>>, vector<1x16xf32>,
      %swap3A_194 = arith.index_cast %scan3A_167 : i32 to index
      %swap3A_195 = arith.constant 80 : index
      %swap3A_196 = tpu.vector_load %arg9[%swap3A_194, %swap3A_195] {strides = array<i32>} : memref<120x128xf32, #tpu.memory_space<vmem>>, vector<1x16xf32>,
      %swap3A_197 = vector.shape_cast %swap3A_196 : vector<1x16xf32> to vector<16xf32>
      %swap3A_198 = vector.shape_cast %broadcast_in_dim3A_18 : vector<16xf32> to vector<1x16xf32>
      tpu.vector_store %arg9[%swap3A_194, %swap3A_195], %swap3A_198 {strides = array<i32>} : memref<120x128xf32, #tpu.memory_space<vmem>>, vector<1x16xf32>,
      %swap3A_199 = arith.index_cast %scan3A_167 : i32 to index
      %swap3A_200 = arith.constant 96 : index
      %swap3A_201 = tpu.vector_load %arg9[%swap3A_199, %swap3A_200] {strides = array<i32>} : memref<120x128xf32, #tpu.memory_space<vmem>>, vector<1x16xf32>,
      %swap3A_202 = vector.shape_cast %swap3A_201 : vector<1x16xf32> to vector<16xf32>
      %swap3A_203 = vector.shape_cast %broadcast_in_dim3A_18 : vector<16xf32> to vector<1x16xf32>
      tpu.vector_store %arg9[%swap3A_199, %swap3A_200], %swap3A_203 {strides = array<i32>} : memref<120x128xf32, #tpu.memory_space<vmem>>, vector<1x16xf32>,
      %swap3A_204 = arith.index_cast %scan3A_167 : i32 to index
      %swap3A_205 = arith.constant 112 : index
      %swap3A_206 = tpu.vector_load %arg9[%swap3A_204, %swap3A_205] {strides = array<i32>} : memref<120x128xf32, #tpu.memory_space<vmem>>, vector<1x16xf32>,
      %swap3A_207 = vector.shape_cast %swap3A_206 : vector<1x16xf32> to vector<16xf32>
      %swap3A_208 = vector.shape_cast %broadcast_in_dim3A_18 : vector<16xf32> to vector<1x16xf32>
      tpu.vector_store %arg9[%swap3A_204, %swap3A_205], %swap3A_208 {strides = array<i32>} : memref<120x128xf32, #tpu.memory_space<vmem>>, vector<1x16xf32>,
      %scan3A_209 = arith.constant 0 : i32
      scf.yield %scan3A_209 : i32
    }
    %scan3A_89 = arith.constant 120 : i32
    %mul3A_90 = arith.constant 632 : i32
    %mul3A_91 = arith.muli %arg1, %mul3A_90 : i32
    %add3A_92 = arith.constant 0 : i32
    %add3A_93 = arith.addi %mul3A_91, %add3A_92 : i32
    "tpu.region"() ({
      %run_scoped3A_167 = tpu.sem_alloc : memref<!tpu.dma_semaphore, #tpu.memory_space<semaphore_mem>>
      %dma_start3A_168 = arith.constant 0 : i32
      %dma_start3A_169 = tpu.memref_slice %arg14[%add3A_93, %dma_start3A_168] : memref<10112x128xf32, #tpu.memory_space<vmem_shared>> -> memref<120x128xf32, #tpu.memory_space<vmem_shared>>
      %dma_start3A_170 = arith.constant 0 : i32
      %dma_start3A_171 = tpu.memref_slice %arg14[%add3A_93, %dma_start3A_170] : memref<10112x128xf32, #tpu.memory_space<vmem_shared>> -> memref<120x128xf32, #tpu.memory_space<vmem_shared>>
      tpu.enqueue_dma source(%arg9 : memref<120x128xf32, #tpu.memory_space<vmem>>) target(%dma_start3A_171 : memref<120x128xf32, #tpu.memory_space<vmem_shared>>) target_semaphore(%run_scoped3A_167 : memref<!tpu.dma_semaphore, #tpu.memory_space<semaphore_mem>>)
      %dma_wait3A_172 = arith.constant 0 : i32
      %dma_wait3A_173 = tpu.memref_slice %arg14[%add3A_93, %dma_wait3A_172] : memref<10112x128xf32, #tpu.memory_space<vmem_shared>> -> memref<120x128xf32, #tpu.memory_space<vmem_shared>>
      %dma_wait3A_174 = arith.constant 0 : i32
      %dma_wait3A_175 = tpu.memref_slice %arg14[%add3A_93, %dma_wait3A_174] : memref<10112x128xf32, #tpu.memory_space<vmem_shared>> -> memref<120x128xf32, #tpu.memory_space<vmem_shared>>
      tpu.wait_dma2 semaphore(%run_scoped3A_167 : memref<!tpu.dma_semaphore, #tpu.memory_space<semaphore_mem>>) src(%arg9 : memref<120x128xf32, #tpu.memory_space<vmem>>) dst(%dma_wait3A_175 : memref<120x128xf32, #tpu.memory_space<vmem_shared>>)
      tpu.yield
    }) : () -> ()
    %add3A_94 = arith.constant 120 : i32
    %add3A_95 = arith.addi %mul3A_91, %add3A_94 : i32
    "tpu.region"() ({
      %run_scoped3A_167 = tpu.sem_alloc : memref<!tpu.dma_semaphore, #tpu.memory_space<semaphore_mem>>
      %dma_start3A_168 = arith.constant 0 : i32
      %dma_start3A_169 = tpu.memref_slice %arg14[%add3A_95, %dma_start3A_168] : memref<10112x128xf32, #tpu.memory_space<vmem_shared>> -> memref<120x128xf32, #tpu.memory_space<vmem_shared>>
      %dma_start3A_170 = arith.constant 0 : i32
      %dma_start3A_171 = tpu.memref_slice %arg14[%add3A_95, %dma_start3A_170] : memref<10112x128xf32, #tpu.memory_space<vmem_shared>> -> memref<120x128xf32, #tpu.memory_space<vmem_shared>>
      tpu.enqueue_dma source(%arg9 : memref<120x128xf32, #tpu.memory_space<vmem>>) target(%dma_start3A_171 : memref<120x128xf32, #tpu.memory_space<vmem_shared>>) target_semaphore(%run_scoped3A_167 : memref<!tpu.dma_semaphore, #tpu.memory_space<semaphore_mem>>)
      %dma_wait3A_172 = arith.constant 0 : i32
      %dma_wait3A_173 = tpu.memref_slice %arg14[%add3A_95, %dma_wait3A_172] : memref<10112x128xf32, #tpu.memory_space<vmem_shared>> -> memref<120x128xf32, #tpu.memory_space<vmem_shared>>
      %dma_wait3A_174 = arith.constant 0 : i32
      %dma_wait3A_175 = tpu.memref_slice %arg14[%add3A_95, %dma_wait3A_174] : memref<10112x128xf32, #tpu.memory_space<vmem_shared>> -> memref<120x128xf32, #tpu.memory_space<vmem_shared>>
      tpu.wait_dma2 semaphore(%run_scoped3A_167 : memref<!tpu.dma_semaphore, #tpu.memory_space<semaphore_mem>>) src(%arg9 : memref<120x128xf32, #tpu.memory_space<vmem>>) dst(%dma_wait3A_175 : memref<120x128xf32, #tpu.memory_space<vmem_shared>>)
      tpu.yield
    }) : () -> ()
    %add3A_96 = arith.constant 240 : i32
    %add3A_97 = arith.addi %mul3A_91, %add3A_96 : i32
    "tpu.region"() ({
      %run_scoped3A_167 = tpu.sem_alloc : memref<!tpu.dma_semaphore, #tpu.memory_space<semaphore_mem>>
      %dma_start3A_168 = arith.constant 0 : i32
      %dma_start3A_169 = tpu.memref_slice %arg14[%add3A_97, %dma_start3A_168] : memref<10112x128xf32, #tpu.memory_space<vmem_shared>> -> memref<120x128xf32, #tpu.memory_space<vmem_shared>>
      %dma_start3A_170 = arith.constant 0 : i32
      %dma_start3A_171 = tpu.memref_slice %arg14[%add3A_97, %dma_start3A_170] : memref<10112x128xf32, #tpu.memory_space<vmem_shared>> -> memref<120x128xf32, #tpu.memory_space<vmem_shared>>
      tpu.enqueue_dma source(%arg9 : memref<120x128xf32, #tpu.memory_space<vmem>>) target(%dma_start3A_171 : memref<120x128xf32, #tpu.memory_space<vmem_shared>>) target_semaphore(%run_scoped3A_167 : memref<!tpu.dma_semaphore, #tpu.memory_space<semaphore_mem>>)
      %dma_wait3A_172 = arith.constant 0 : i32
      %dma_wait3A_173 = tpu.memref_slice %arg14[%add3A_97, %dma_wait3A_172] : memref<10112x128xf32, #tpu.memory_space<vmem_shared>> -> memref<120x128xf32, #tpu.memory_space<vmem_shared>>
      %dma_wait3A_174 = arith.constant 0 : i32
      %dma_wait3A_175 = tpu.memref_slice %arg14[%add3A_97, %dma_wait3A_174] : memref<10112x128xf32, #tpu.memory_space<vmem_shared>> -> memref<120x128xf32, #tpu.memory_space<vmem_shared>>
      tpu.wait_dma2 semaphore(%run_scoped3A_167 : memref<!tpu.dma_semaphore, #tpu.memory_space<semaphore_mem>>) src(%arg9 : memref<120x128xf32, #tpu.memory_space<vmem>>) dst(%dma_wait3A_175 : memref<120x128xf32, #tpu.memory_space<vmem_shared>>)
      tpu.yield
    }) : () -> ()
    %add3A_98 = arith.constant 360 : i32
    %add3A_99 = arith.addi %mul3A_91, %add3A_98 : i32
    "tpu.region"() ({
      %run_scoped3A_167 = tpu.sem_alloc : memref<!tpu.dma_semaphore, #tpu.memory_space<semaphore_mem>>
      %dma_start3A_168 = arith.constant 0 : i32
      %dma_start3A_169 = tpu.memref_slice %arg14[%add3A_99, %dma_start3A_168] : memref<10112x128xf32, #tpu.memory_space<vmem_shared>> -> memref<120x128xf32, #tpu.memory_space<vmem_shared>>
      %dma_start3A_170 = arith.constant 0 : i32
      %dma_start3A_171 = tpu.memref_slice %arg14[%add3A_99, %dma_start3A_170] : memref<10112x128xf32, #tpu.memory_space<vmem_shared>> -> memref<120x128xf32, #tpu.memory_space<vmem_shared>>
      tpu.enqueue_dma source(%arg9 : memref<120x128xf32, #tpu.memory_space<vmem>>) target(%dma_start3A_171 : memref<120x128xf32, #tpu.memory_space<vmem_shared>>) target_semaphore(%run_scoped3A_167 : memref<!tpu.dma_semaphore, #tpu.memory_space<semaphore_mem>>)
      %dma_wait3A_172 = arith.constant 0 : i32
      %dma_wait3A_173 = tpu.memref_slice %arg14[%add3A_99, %dma_wait3A_172] : memref<10112x128xf32, #tpu.memory_space<vmem_shared>> -> memref<120x128xf32, #tpu.memory_space<vmem_shared>>
      %dma_wait3A_174 = arith.constant 0 : i32
      %dma_wait3A_175 = tpu.memref_slice %arg14[%add3A_99, %dma_wait3A_174] : memref<10112x128xf32, #tpu.memory_space<vmem_shared>> -> memref<120x128xf32, #tpu.memory_space<vmem_shared>>
      tpu.wait_dma2 semaphore(%run_scoped3A_167 : memref<!tpu.dma_semaphore, #tpu.memory_space<semaphore_mem>>) src(%arg9 : memref<120x128xf32, #tpu.memory_space<vmem>>) dst(%dma_wait3A_175 : memref<120x128xf32, #tpu.memory_space<vmem_shared>>)
      tpu.yield
    }) : () -> ()
    %add3A_100 = arith.constant 480 : i32
    %add3A_101 = arith.addi %mul3A_91, %add3A_100 : i32
    "tpu.region"() ({
      %run_scoped3A_167 = tpu.sem_alloc : memref<!tpu.dma_semaphore, #tpu.memory_space<semaphore_mem>>
      %dma_start3A_168 = arith.constant 0 : i32
      %dma_start3A_169 = tpu.memref_slice %arg14[%add3A_101, %dma_start3A_168] : memref<10112x128xf32, #tpu.memory_space<vmem_shared>> -> memref<120x128xf32, #tpu.memory_space<vmem_shared>>
      %dma_start3A_170 = arith.constant 0 : i32
      %dma_start3A_171 = tpu.memref_slice %arg14[%add3A_101, %dma_start3A_170] : memref<10112x128xf32, #tpu.memory_space<vmem_shared>> -> memref<120x128xf32, #tpu.memory_space<vmem_shared>>
      tpu.enqueue_dma source(%arg9 : memref<120x128xf32, #tpu.memory_space<vmem>>) target(%dma_start3A_171 : memref<120x128xf32, #tpu.memory_space<vmem_shared>>) target_semaphore(%run_scoped3A_167 : memref<!tpu.dma_semaphore, #tpu.memory_space<semaphore_mem>>)
      %dma_wait3A_172 = arith.constant 0 : i32
      %dma_wait3A_173 = tpu.memref_slice %arg14[%add3A_101, %dma_wait3A_172] : memref<10112x128xf32, #tpu.memory_space<vmem_shared>> -> memref<120x128xf32, #tpu.memory_space<vmem_shared>>
      %dma_wait3A_174 = arith.constant 0 : i32
      %dma_wait3A_175 = tpu.memref_slice %arg14[%add3A_101, %dma_wait3A_174] : memref<10112x128xf32, #tpu.memory_space<vmem_shared>> -> memref<120x128xf32, #tpu.memory_space<vmem_shared>>
      tpu.wait_dma2 semaphore(%run_scoped3A_167 : memref<!tpu.dma_semaphore, #tpu.memory_space<semaphore_mem>>) src(%arg9 : memref<120x128xf32, #tpu.memory_space<vmem>>) dst(%dma_wait3A_175 : memref<120x128xf32, #tpu.memory_space<vmem_shared>>)
      tpu.yield
    }) : () -> ()
    %add3A_102 = arith.constant 600 : i32
    %add3A_103 = arith.addi %mul3A_91, %add3A_102 : i32
    "tpu.region"() ({
      %run_scoped3A_167 = tpu.sem_alloc : memref<!tpu.dma_semaphore, #tpu.memory_space<semaphore_mem>>
      %dma_start3A_168 = arith.constant 0 : i32
      %dma_start3A_169 = arith.constant 0 : i32
      %dma_start3A_170 = tpu.memref_slice %arg9[%dma_start3A_168, %dma_start3A_169] : memref<120x128xf32, #tpu.memory_space<vmem>> -> memref<32x128xf32, #tpu.memory_space<vmem>>
      %dma_start3A_171 = arith.constant 0 : i32
      %dma_start3A_172 = tpu.memref_slice %arg14[%add3A_103, %dma_start3A_171] : memref<10112x128xf32, #tpu.memory_space<vmem_shared>> -> memref<32x128xf32, #tpu.memory_space<vmem_shared>>
      %dma_start3A_173 = arith.constant 0 : i32
      %dma_start3A_174 = tpu.memref_slice %arg14[%add3A_103, %dma_start3A_173] : memref<10112x128xf32, #tpu.memory_space<vmem_shared>> -> memref<32x128xf32, #tpu.memory_space<vmem_shared>>
      %dma_start3A_175 = arith.constant 0 : i32
      %dma_start3A_176 = arith.constant 0 : i32
      %dma_start3A_177 = tpu.memref_slice %arg9[%dma_start3A_175, %dma_start3A_176] : memref<120x128xf32, #tpu.memory_space<vmem>> -> memref<32x128xf32, #tpu.memory_space<vmem>>
      tpu.enqueue_dma source(%dma_start3A_177 : memref<32x128xf32, #tpu.memory_space<vmem>>) target(%dma_start3A_174 : memref<32x128xf32, #tpu.memory_space<vmem_shared>>) target_semaphore(%run_scoped3A_167 : memref<!tpu.dma_semaphore, #tpu.memory_space<semaphore_mem>>)
      %dma_wait3A_178 = arith.constant 0 : i32
      %dma_wait3A_179 = arith.constant 0 : i32
      %dma_wait3A_180 = tpu.memref_slice %arg9[%dma_wait3A_178, %dma_wait3A_179] : memref<120x128xf32, #tpu.memory_space<vmem>> -> memref<32x128xf32, #tpu.memory_space<vmem>>
      %dma_wait3A_181 = arith.constant 0 : i32
      %dma_wait3A_182 = tpu.memref_slice %arg14[%add3A_103, %dma_wait3A_181] : memref<10112x128xf32, #tpu.memory_space<vmem_shared>> -> memref<32x128xf32, #tpu.memory_space<vmem_shared>>
      %dma_wait3A_183 = arith.constant 0 : i32
      %dma_wait3A_184 = tpu.memref_slice %arg14[%add3A_103, %dma_wait3A_183] : memref<10112x128xf32, #tpu.memory_space<vmem_shared>> -> memref<32x128xf32, #tpu.memory_space<vmem_shared>>
      %dma_wait3A_185 = arith.constant 0 : i32
      %dma_wait3A_186 = arith.constant 0 : i32
      %dma_wait3A_187 = tpu.memref_slice %arg9[%dma_wait3A_185, %dma_wait3A_186] : memref<120x128xf32, #tpu.memory_space<vmem>> -> memref<32x128xf32, #tpu.memory_space<vmem>>
      tpu.wait_dma2 semaphore(%run_scoped3A_167 : memref<!tpu.dma_semaphore, #tpu.memory_space<semaphore_mem>>) src(%dma_wait3A_187 : memref<32x128xf32, #tpu.memory_space<vmem>>) dst(%dma_wait3A_184 : memref<32x128xf32, #tpu.memory_space<vmem_shared>>)
      tpu.yield
    }) : () -> ()
    %mul3A_104 = arith.constant 640 : i32
    %mul3A_105 = arith.muli %arg1, %mul3A_104 : i32
    %add3A_106 = arith.constant 0 : i32
    %add3A_107 = arith.addi %mul3A_105, %add3A_106 : i32
    "tpu.region"() ({
      %run_scoped3A_167 = tpu.sem_alloc : memref<!tpu.dma_semaphore, #tpu.memory_space<semaphore_mem>>
      %dma_start3A_168 = tpu.memref_slice %arg15[%add3A_107] : memref<10240xf32, #tpu.memory_space<vmem_shared>> -> memref<128xf32, #tpu.memory_space<vmem_shared>>
      %dma_start3A_169 = tpu.memref_slice %arg15[%add3A_107] : memref<10240xf32, #tpu.memory_space<vmem_shared>> -> memref<128xf32, #tpu.memory_space<vmem_shared>>
      tpu.enqueue_dma source(%arg13 : memref<128xf32, #tpu.memory_space<vmem>>) target(%dma_start3A_169 : memref<128xf32, #tpu.memory_space<vmem_shared>>) target_semaphore(%run_scoped3A_167 : memref<!tpu.dma_semaphore, #tpu.memory_space<semaphore_mem>>)
      %dma_wait3A_170 = tpu.memref_slice %arg15[%add3A_107] : memref<10240xf32, #tpu.memory_space<vmem_shared>> -> memref<128xf32, #tpu.memory_space<vmem_shared>>
      %dma_wait3A_171 = tpu.memref_slice %arg15[%add3A_107] : memref<10240xf32, #tpu.memory_space<vmem_shared>> -> memref<128xf32, #tpu.memory_space<vmem_shared>>
      tpu.wait_dma2 semaphore(%run_scoped3A_167 : memref<!tpu.dma_semaphore, #tpu.memory_space<semaphore_mem>>) src(%arg13 : memref<128xf32, #tpu.memory_space<vmem>>) dst(%dma_wait3A_171 : memref<128xf32, #tpu.memory_space<vmem_shared>>)
      tpu.yield
    }) : () -> ()
    %add3A_108 = arith.constant 128 : i32
    %add3A_109 = arith.addi %mul3A_105, %add3A_108 : i32
    "tpu.region"() ({
      %run_scoped3A_167 = tpu.sem_alloc : memref<!tpu.dma_semaphore, #tpu.memory_space<semaphore_mem>>
      %dma_start3A_168 = tpu.memref_slice %arg15[%add3A_109] : memref<10240xf32, #tpu.memory_space<vmem_shared>> -> memref<128xf32, #tpu.memory_space<vmem_shared>>
      %dma_start3A_169 = tpu.memref_slice %arg15[%add3A_109] : memref<10240xf32, #tpu.memory_space<vmem_shared>> -> memref<128xf32, #tpu.memory_space<vmem_shared>>
      tpu.enqueue_dma source(%arg13 : memref<128xf32, #tpu.memory_space<vmem>>) target(%dma_start3A_169 : memref<128xf32, #tpu.memory_space<vmem_shared>>) target_semaphore(%run_scoped3A_167 : memref<!tpu.dma_semaphore, #tpu.memory_space<semaphore_mem>>)
      %dma_wait3A_170 = tpu.memref_slice %arg15[%add3A_109] : memref<10240xf32, #tpu.memory_space<vmem_shared>> -> memref<128xf32, #tpu.memory_space<vmem_shared>>
      %dma_wait3A_171 = tpu.memref_slice %arg15[%add3A_109] : memref<10240xf32, #tpu.memory_space<vmem_shared>> -> memref<128xf32, #tpu.memory_space<vmem_shared>>
      tpu.wait_dma2 semaphore(%run_scoped3A_167 : memref<!tpu.dma_semaphore, #tpu.memory_space<semaphore_mem>>) src(%arg13 : memref<128xf32, #tpu.memory_space<vmem>>) dst(%dma_wait3A_171 : memref<128xf32, #tpu.memory_space<vmem_shared>>)
      tpu.yield
    }) : () -> ()
    %add3A_110 = arith.constant 256 : i32
    %add3A_111 = arith.addi %mul3A_105, %add3A_110 : i32
    "tpu.region"() ({
      %run_scoped3A_167 = tpu.sem_alloc : memref<!tpu.dma_semaphore, #tpu.memory_space<semaphore_mem>>
      %dma_start3A_168 = tpu.memref_slice %arg15[%add3A_111] : memref<10240xf32, #tpu.memory_space<vmem_shared>> -> memref<128xf32, #tpu.memory_space<vmem_shared>>
      %dma_start3A_169 = tpu.memref_slice %arg15[%add3A_111] : memref<10240xf32, #tpu.memory_space<vmem_shared>> -> memref<128xf32, #tpu.memory_space<vmem_shared>>
      tpu.enqueue_dma source(%arg13 : memref<128xf32, #tpu.memory_space<vmem>>) target(%dma_start3A_169 : memref<128xf32, #tpu.memory_space<vmem_shared>>) target_semaphore(%run_scoped3A_167 : memref<!tpu.dma_semaphore, #tpu.memory_space<semaphore_mem>>)
      %dma_wait3A_170 = tpu.memref_slice %arg15[%add3A_111] : memref<10240xf32, #tpu.memory_space<vmem_shared>> -> memref<128xf32, #tpu.memory_space<vmem_shared>>
      %dma_wait3A_171 = tpu.memref_slice %arg15[%add3A_111] : memref<10240xf32, #tpu.memory_space<vmem_shared>> -> memref<128xf32, #tpu.memory_space<vmem_shared>>
      tpu.wait_dma2 semaphore(%run_scoped3A_167 : memref<!tpu.dma_semaphore, #tpu.memory_space<semaphore_mem>>) src(%arg13 : memref<128xf32, #tpu.memory_space<vmem>>) dst(%dma_wait3A_171 : memref<128xf32, #tpu.memory_space<vmem_shared>>)
      tpu.yield
    }) : () -> ()
    %add3A_112 = arith.constant 384 : i32
    %add3A_113 = arith.addi %mul3A_105, %add3A_112 : i32
    "tpu.region"() ({
      %run_scoped3A_167 = tpu.sem_alloc : memref<!tpu.dma_semaphore, #tpu.memory_space<semaphore_mem>>
      %dma_start3A_168 = tpu.memref_slice %arg15[%add3A_113] : memref<10240xf32, #tpu.memory_space<vmem_shared>> -> memref<128xf32, #tpu.memory_space<vmem_shared>>
      %dma_start3A_169 = tpu.memref_slice %arg15[%add3A_113] : memref<10240xf32, #tpu.memory_space<vmem_shared>> -> memref<128xf32, #tpu.memory_space<vmem_shared>>
      tpu.enqueue_dma source(%arg13 : memref<128xf32, #tpu.memory_space<vmem>>) target(%dma_start3A_169 : memref<128xf32, #tpu.memory_space<vmem_shared>>) target_semaphore(%run_scoped3A_167 : memref<!tpu.dma_semaphore, #tpu.memory_space<semaphore_mem>>)
      %dma_wait3A_170 = tpu.memref_slice %arg15[%add3A_113] : memref<10240xf32, #tpu.memory_space<vmem_shared>> -> memref<128xf32, #tpu.memory_space<vmem_shared>>
      %dma_wait3A_171 = tpu.memref_slice %arg15[%add3A_113] : memref<10240xf32, #tpu.memory_space<vmem_shared>> -> memref<128xf32, #tpu.memory_space<vmem_shared>>
      tpu.wait_dma2 semaphore(%run_scoped3A_167 : memref<!tpu.dma_semaphore, #tpu.memory_space<semaphore_mem>>) src(%arg13 : memref<128xf32, #tpu.memory_space<vmem>>) dst(%dma_wait3A_171 : memref<128xf32, #tpu.memory_space<vmem_shared>>)
      tpu.yield
    }) : () -> ()
    %add3A_114 = arith.constant 512 : i32
    %add3A_115 = arith.addi %mul3A_105, %add3A_114 : i32
    "tpu.region"() ({
      %run_scoped3A_167 = tpu.sem_alloc : memref<!tpu.dma_semaphore, #tpu.memory_space<semaphore_mem>>
      %dma_start3A_168 = tpu.memref_slice %arg15[%add3A_115] : memref<10240xf32, #tpu.memory_space<vmem_shared>> -> memref<128xf32, #tpu.memory_space<vmem_shared>>
      %dma_start3A_169 = tpu.memref_slice %arg15[%add3A_115] : memref<10240xf32, #tpu.memory_space<vmem_shared>> -> memref<128xf32, #tpu.memory_space<vmem_shared>>
      tpu.enqueue_dma source(%arg13 : memref<128xf32, #tpu.memory_space<vmem>>) target(%dma_start3A_169 : memref<128xf32, #tpu.memory_space<vmem_shared>>) target_semaphore(%run_scoped3A_167 : memref<!tpu.dma_semaphore, #tpu.memory_space<semaphore_mem>>)
      %dma_wait3A_170 = tpu.memref_slice %arg15[%add3A_115] : memref<10240xf32, #tpu.memory_space<vmem_shared>> -> memref<128xf32, #tpu.memory_space<vmem_shared>>
      %dma_wait3A_171 = tpu.memref_slice %arg15[%add3A_115] : memref<10240xf32, #tpu.memory_space<vmem_shared>> -> memref<128xf32, #tpu.memory_space<vmem_shared>>
      tpu.wait_dma2 semaphore(%run_scoped3A_167 : memref<!tpu.dma_semaphore, #tpu.memory_space<semaphore_mem>>) src(%arg13 : memref<128xf32, #tpu.memory_space<vmem>>) dst(%dma_wait3A_171 : memref<128xf32, #tpu.memory_space<vmem_shared>>)
      tpu.yield
    }) : () -> ()
    %dma_start3A_116 = arith.constant 0 : i32
    %dma_start3A_117 = arith.constant 0 : i32
    %dma_start3A_118 = tpu.memref_slice %arg6[%dma_start3A_116, %dma_start3A_117] : memref<2x120xi32, #tpu.memory_space<vmem>> -> memref<1x120xi32, #tpu.memory_space<vmem>>
    %dma_start3A_119 = tpu.memref_squeeze %dma_start3A_118 : memref<1x120xi32, #tpu.memory_space<vmem>> -> memref<120xi32, #tpu.memory_space<vmem>>
    %dma_start3A_120 = arith.constant 0 : i32
    %dma_start3A_121 = arith.constant 0 : i32
    %dma_start3A_122 = tpu.memref_slice %arg2[%dma_start3A_120, %dma_start3A_121] : memref<10000x128xf32, #tpu.memory_space<hbm>> -> memref<10000x128xf32, #tpu.memory_space<hbm>>
    tpu.enqueue_indirect_dma source(%dma_start3A_122 : memref<10000x128xf32, #tpu.memory_space<hbm>>) target(%arg9 : memref<120x128xf32, #tpu.memory_space<vmem>>) offsets(%dma_start3A_119 : memref<120xi32, #tpu.memory_space<vmem>>) semaphore(%arg19 : memref<!tpu.dma_semaphore, #tpu.memory_space<semaphore_mem>>)
    %dma_wait3A = arith.constant 1 : i32
    %dma_wait3A_123 = arith.constant 0 : i32
    %dma_wait3A_124 = arith.constant 0 : i32
    %dma_wait3A_125 = tpu.memref_slice %arg3[%add3A, %dma_wait3A, %dma_wait3A_123, %dma_wait3A_124] : memref<32x86x2x120xi32, #tpu.memory_space<hbm>> -> memref<1x1x2x120xi32, #tpu.memory_space<hbm>>
    %dma_wait3A_126 = tpu.memref_squeeze %dma_wait3A_125 : memref<1x1x2x120xi32, #tpu.memory_space<hbm>> -> memref<2x120xi32, #tpu.memory_space<hbm>>
    %dma_wait3A_127 = arith.constant 0 : i32
    %dma_wait3A_128 = arith.constant 0 : i32
    %dma_wait3A_129 = tpu.memref_slice %arg3[%add3A, %dma_wait3A, %dma_wait3A_127, %dma_wait3A_128] : memref<32x86x2x120xi32, #tpu.memory_space<hbm>> -> memref<1x1x2x120xi32, #tpu.memory_space<hbm>>
    %dma_wait3A_130 = tpu.memref_squeeze %dma_wait3A_129 : memref<1x1x2x120xi32, #tpu.memory_space<hbm>> -> memref<2x120xi32, #tpu.memory_space<hbm>>
    tpu.wait_dma2 semaphore(%arg17 : memref<!tpu.dma_semaphore, #tpu.memory_space<semaphore_mem>>) src(%dma_wait3A_130 : memref<2x120xi32, #tpu.memory_space<hbm>>) dst(%arg7 : memref<2x120xi32, #tpu.memory_space<vmem>>)
    %dma_start3A_131 = arith.constant 0 : i32
    %dma_start3A_132 = arith.constant 0 : i32
    %dma_start3A_133 = tpu.memref_slice %arg7[%dma_start3A_131, %dma_start3A_132] : memref<2x120xi32, #tpu.memory_space<vmem>> -> memref<1x120xi32, #tpu.memory_space<vmem>>
    %dma_start3A_134 = tpu.memref_squeeze %dma_start3A_133 : memref<1x120xi32, #tpu.memory_space<vmem>> -> memref<120xi32, #tpu.memory_space<vmem>>
    %dma_start3A_135 = arith.constant 0 : i32
    %dma_start3A_136 = arith.constant 0 : i32
    %dma_start3A_137 = tpu.memref_slice %arg2[%dma_start3A_135, %dma_start3A_136] : memref<10000x128xf32, #tpu.memory_space<hbm>> -> memref<10000x128xf32, #tpu.memory_space<hbm>>
    tpu.enqueue_indirect_dma source(%dma_start3A_137 : memref<10000x128xf32, #tpu.memory_space<hbm>>) target(%arg10 : memref<120x128xf32, #tpu.memory_space<vmem>>) offsets(%dma_start3A_134 : memref<120xi32, #tpu.memory_space<vmem>>) semaphore(%arg20 : memref<!tpu.dma_semaphore, #tpu.memory_space<semaphore_mem>>)
    %barrier3A = arith.constant 0 : index
    tpu.barrier barrier_id(%barrier3A)
    %scan3A_138 = arith.constant 0 : i32
    %scan3A_139 = arith.constant 0 : i32
    %scan3A_140 = arith.constant 28 : i32
    %scan3A_141 = arith.addi %scan3A_139, %scan3A_140 : i32
    %scan3A_142 = arith.constant 1 : i32
    %scan3A_143 = scf.for %scan3A_167 = %scan3A_139 to %scan3A_141 step %scan3A_142 iter_args(%scan3A_168 = %scan3A_138) -> (i32)  : i32 {
      %mul3A_169 = arith.constant 3 : i32
      %mul3A_170 = arith.muli %scan3A_167, %mul3A_169 : i32
      %add3A_171 = arith.constant 0 : i32
      %add3A_172 = arith.addi %mul3A_170, %add3A_171 : i32
      %dma_wait3A_173 = arith.constant 0 : i32
      %dma_wait3A_174 = arith.constant 0 : i32
      %dma_wait3A_175 = tpu.memref_slice %arg6[%dma_wait3A_173, %dma_wait3A_174] : memref<2x120xi32, #tpu.memory_space<vmem>> -> memref<1x120xi32, #tpu.memory_space<vmem>>
      %dma_wait3A_176 = tpu.memref_squeeze %dma_wait3A_175 : memref<1x120xi32, #tpu.memory_space<vmem>> -> memref<120xi32, #tpu.memory_space<vmem>>
      %dma_wait3A_177 = arith.constant 0 : i32
      %dma_wait3A_178 = arith.constant 0 : i32
      %dma_wait3A_179 = tpu.memref_slice %arg2[%dma_wait3A_177, %dma_wait3A_178] : memref<10000x128xf32, #tpu.memory_space<hbm>> -> memref<10000x128xf32, #tpu.memory_space<hbm>>
      tpu.wait_indirect_dma semaphore(%arg19 : memref<!tpu.dma_semaphore, #tpu.memory_space<semaphore_mem>>) src(%dma_wait3A_179 : memref<10000x128xf32, #tpu.memory_space<hbm>>) dst(%arg9 : memref<120x128xf32, #tpu.memory_space<vmem>>)
      %run_scoped3A_180 = arith.constant 1 : i32
      "tpu.region"() ({
        %run_scoped3A_274 = tpu.sem_alloc : memref<!tpu.dma_semaphore, #tpu.memory_space<semaphore_mem>>
        %dma_start3A_275 = arith.constant 0 : i32
        %dma_start3A_276 = tpu.memref_slice %arg6[%run_scoped3A_180, %dma_start3A_275] : memref<2x120xi32, #tpu.memory_space<vmem>> -> memref<1x120xi32, #tpu.memory_space<vmem>>
        %dma_start3A_277 = tpu.memref_squeeze %dma_start3A_276 : memref<1x120xi32, #tpu.memory_space<vmem>> -> memref<120xi32, #tpu.memory_space<vmem>>
        %dma_start3A_278 = arith.constant 0 : i32
        %dma_start3A_279 = arith.constant 0 : i32
        %dma_start3A_280 = tpu.memref_slice %arg14[%dma_start3A_278, %dma_start3A_279] : memref<10112x128xf32, #tpu.memory_space<vmem_shared>> -> memref<10112x128xf32, #tpu.memory_space<vmem_shared>>
        tpu.enqueue_indirect_dma source(%arg9 : memref<120x128xf32, #tpu.memory_space<vmem>>) target(%dma_start3A_280 : memref<10112x128xf32, #tpu.memory_space<vmem_shared>>) offsets(%dma_start3A_277 : memref<120xi32, #tpu.memory_space<vmem>>) semaphore(%run_scoped3A_274 : memref<!tpu.dma_semaphore, #tpu.memory_space<semaphore_mem>>) {add = true}
        %dma_wait3A_281 = arith.constant 0 : i32
        %dma_wait3A_282 = tpu.memref_slice %arg6[%run_scoped3A_180, %dma_wait3A_281] : memref<2x120xi32, #tpu.memory_space<vmem>> -> memref<1x120xi32, #tpu.memory_space<vmem>>
        %dma_wait3A_283 = tpu.memref_squeeze %dma_wait3A_282 : memref<1x120xi32, #tpu.memory_space<vmem>> -> memref<120xi32, #tpu.memory_space<vmem>>
        %dma_wait3A_284 = arith.constant 0 : i32
        %dma_wait3A_285 = arith.constant 0 : i32
        %dma_wait3A_286 = tpu.memref_slice %arg14[%dma_wait3A_284, %dma_wait3A_285] : memref<10112x128xf32, #tpu.memory_space<vmem_shared>> -> memref<10112x128xf32, #tpu.memory_space<vmem_shared>>
        tpu.wait_indirect_dma semaphore(%run_scoped3A_274 : memref<!tpu.dma_semaphore, #tpu.memory_space<semaphore_mem>>) src(%arg9 : memref<120x128xf32, #tpu.memory_space<vmem>>) dst(%dma_wait3A_286 : memref<10112x128xf32, #tpu.memory_space<vmem_shared>>)
        tpu.yield
      }) : () -> ()
      %run_scoped3A_181 = arith.constant 1 : i32
      "tpu.region"() ({
        %run_scoped3A_274 = tpu.sem_alloc : memref<!tpu.dma_semaphore, #tpu.memory_space<semaphore_mem>>
        %dma_start3A_275 = arith.constant 0 : i32
        %dma_start3A_276 = tpu.memref_slice %arg12[%dma_start3A_275] : memref<128xf32, #tpu.memory_space<vmem>> -> memref<120xf32, #tpu.memory_space<vmem>>
        %dma_start3A_277 = arith.constant 0 : i32
        %dma_start3A_278 = tpu.memref_slice %arg6[%run_scoped3A_181, %dma_start3A_277] : memref<2x120xi32, #tpu.memory_space<vmem>> -> memref<1x120xi32, #tpu.memory_space<vmem>>
        %dma_start3A_279 = tpu.memref_squeeze %dma_start3A_278 : memref<1x120xi32, #tpu.memory_space<vmem>> -> memref<120xi32, #tpu.memory_space<vmem>>
        %dma_start3A_280 = arith.constant 0 : i32
        %dma_start3A_281 = tpu.memref_slice %arg15[%dma_start3A_280] : memref<10240xf32, #tpu.memory_space<vmem_shared>> -> memref<10240xf32, #tpu.memory_space<vmem_shared>>
        tpu.enqueue_indirect_dma source(%dma_start3A_276 : memref<120xf32, #tpu.memory_space<vmem>>) target(%dma_start3A_281 : memref<10240xf32, #tpu.memory_space<vmem_shared>>) offsets(%dma_start3A_279 : memref<120xi32, #tpu.memory_space<vmem>>) semaphore(%run_scoped3A_274 : memref<!tpu.dma_semaphore, #tpu.memory_space<semaphore_mem>>) {add = true}
        %dma_wait3A_282 = arith.constant 0 : i32
        %dma_wait3A_283 = tpu.memref_slice %arg12[%dma_wait3A_282] : memref<128xf32, #tpu.memory_space<vmem>> -> memref<120xf32, #tpu.memory_space<vmem>>
        %dma_wait3A_284 = arith.constant 0 : i32
        %dma_wait3A_285 = tpu.memref_slice %arg6[%run_scoped3A_181, %dma_wait3A_284] : memref<2x120xi32, #tpu.memory_space<vmem>> -> memref<1x120xi32, #tpu.memory_space<vmem>>
        %dma_wait3A_286 = tpu.memref_squeeze %dma_wait3A_285 : memref<1x120xi32, #tpu.memory_space<vmem>> -> memref<120xi32, #tpu.memory_space<vmem>>
        %dma_wait3A_287 = arith.constant 0 : i32
        %dma_wait3A_288 = tpu.memref_slice %arg15[%dma_wait3A_287] : memref<10240xf32, #tpu.memory_space<vmem_shared>> -> memref<10240xf32, #tpu.memory_space<vmem_shared>>
        tpu.wait_indirect_dma semaphore(%run_scoped3A_274 : memref<!tpu.dma_semaphore, #tpu.memory_space<semaphore_mem>>) src(%dma_wait3A_283 : memref<120xf32, #tpu.memory_space<vmem>>) dst(%dma_wait3A_288 : memref<10240xf32, #tpu.memory_space<vmem_shared>>)
        tpu.yield
      }) : () -> ()
      %add3A_182 = arith.constant 2 : i32
      %add3A_183 = arith.addi %add3A_172, %add3A_182 : i32
      %dma_wait3A_184 = arith.constant 0 : i32
      %dma_wait3A_185 = arith.constant 0 : i32
      %dma_wait3A_186 = tpu.memref_slice %arg3[%add3A, %add3A_183, %dma_wait3A_184, %dma_wait3A_185] : memref<32x86x2x120xi32, #tpu.memory_space<hbm>> -> memref<1x1x2x120xi32, #tpu.memory_space<hbm>>
      %dma_wait3A_187 = tpu.memref_squeeze %dma_wait3A_186 : memref<1x1x2x120xi32, #tpu.memory_space<hbm>> -> memref<2x120xi32, #tpu.memory_space<hbm>>
      %dma_wait3A_188 = arith.constant 0 : i32
      %dma_wait3A_189 = arith.constant 0 : i32
      %dma_wait3A_190 = tpu.memref_slice %arg3[%add3A, %add3A_183, %dma_wait3A_188, %dma_wait3A_189] : memref<32x86x2x120xi32, #tpu.memory_space<hbm>> -> memref<1x1x2x120xi32, #tpu.memory_space<hbm>>
      %dma_wait3A_191 = tpu.memref_squeeze %dma_wait3A_190 : memref<1x1x2x120xi32, #tpu.memory_space<hbm>> -> memref<2x120xi32, #tpu.memory_space<hbm>>
      tpu.wait_dma2 semaphore(%arg18 : memref<!tpu.dma_semaphore, #tpu.memory_space<semaphore_mem>>) src(%dma_wait3A_191 : memref<2x120xi32, #tpu.memory_space<hbm>>) dst(%arg8 : memref<2x120xi32, #tpu.memory_space<vmem>>)
      %dma_start3A_192 = arith.constant 0 : i32
      %dma_start3A_193 = arith.constant 0 : i32
      %dma_start3A_194 = tpu.memref_slice %arg8[%dma_start3A_192, %dma_start3A_193] : memref<2x120xi32, #tpu.memory_space<vmem>> -> memref<1x120xi32, #tpu.memory_space<vmem>>
      %dma_start3A_195 = tpu.memref_squeeze %dma_start3A_194 : memref<1x120xi32, #tpu.memory_space<vmem>> -> memref<120xi32, #tpu.memory_space<vmem>>
      %dma_start3A_196 = arith.constant 0 : i32
      %dma_start3A_197 = arith.constant 0 : i32
      %dma_start3A_198 = tpu.memref_slice %arg2[%dma_start3A_196, %dma_start3A_197] : memref<10000x128xf32, #tpu.memory_space<hbm>> -> memref<10000x128xf32, #tpu.memory_space<hbm>>
      tpu.enqueue_indirect_dma source(%dma_start3A_198 : memref<10000x128xf32, #tpu.memory_space<hbm>>) target(%arg11 : memref<120x128xf32, #tpu.memory_space<vmem>>) offsets(%dma_start3A_195 : memref<120xi32, #tpu.memory_space<vmem>>) semaphore(%arg21 : memref<!tpu.dma_semaphore, #tpu.memory_space<semaphore_mem>>)
      %add3A_199 = arith.constant 3 : i32
      %add3A_200 = arith.addi %add3A_172, %add3A_199 : i32
      %lt3A = arith.constant 86 : i32
      %lt3A_201 = arith.cmpi slt, %add3A_200, %lt3A : i32
      %convert_element_type3A = arith.extui %lt3A_201 : i1 to i32
      %cond3A = arith.constant 0 : i32
      %cond3A_202 = arith.cmpi ne, %convert_element_type3A, %cond3A : i32
      scf.if %cond3A_202 {
        %add3A_274 = arith.constant 3 : i32
        %add3A_275 = arith.addi %add3A_172, %add3A_274 : i32
        %dma_start3A_276 = arith.constant 0 : i32
        %dma_start3A_277 = arith.constant 0 : i32
        %dma_start3A_278 = tpu.memref_slice %arg3[%add3A, %add3A_275, %dma_start3A_276, %dma_start3A_277] : memref<32x86x2x120xi32, #tpu.memory_space<hbm>> -> memref<1x1x2x120xi32, #tpu.memory_space<hbm>>
        %dma_start3A_279 = tpu.memref_squeeze %dma_start3A_278 : memref<1x1x2x120xi32, #tpu.memory_space<hbm>> -> memref<2x120xi32, #tpu.memory_space<hbm>>
        %dma_start3A_280 = arith.constant 0 : i32
        %dma_start3A_281 = arith.constant 0 : i32
        %dma_start3A_282 = tpu.memref_slice %arg3[%add3A, %add3A_275, %dma_start3A_280, %dma_start3A_281] : memref<32x86x2x120xi32, #tpu.memory_space<hbm>> -> memref<1x1x2x120xi32, #tpu.memory_space<hbm>>
        %dma_start3A_283 = tpu.memref_squeeze %dma_start3A_282 : memref<1x1x2x120xi32, #tpu.memory_space<hbm>> -> memref<2x120xi32, #tpu.memory_space<hbm>>
        tpu.enqueue_dma source(%dma_start3A_283 : memref<2x120xi32, #tpu.memory_space<hbm>>) target(%arg6 : memref<2x120xi32, #tpu.memory_space<vmem>>) target_semaphore(%arg16 : memref<!tpu.dma_semaphore, #tpu.memory_space<semaphore_mem>>)
      } else {
      }
      %add3A_203 = arith.constant 1 : i32
      %add3A_204 = arith.addi %mul3A_170, %add3A_203 : i32
      %dma_wait3A_205 = arith.constant 0 : i32
      %dma_wait3A_206 = arith.constant 0 : i32
      %dma_wait3A_207 = tpu.memref_slice %arg7[%dma_wait3A_205, %dma_wait3A_206] : memref<2x120xi32, #tpu.memory_space<vmem>> -> memref<1x120xi32, #tpu.memory_space<vmem>>
      %dma_wait3A_208 = tpu.memref_squeeze %dma_wait3A_207 : memref<1x120xi32, #tpu.memory_space<vmem>> -> memref<120xi32, #tpu.memory_space<vmem>>
      %dma_wait3A_209 = arith.constant 0 : i32
      %dma_wait3A_210 = arith.constant 0 : i32
      %dma_wait3A_211 = tpu.memref_slice %arg2[%dma_wait3A_209, %dma_wait3A_210] : memref<10000x128xf32, #tpu.memory_space<hbm>> -> memref<10000x128xf32, #tpu.memory_space<hbm>>
      tpu.wait_indirect_dma semaphore(%arg20 : memref<!tpu.dma_semaphore, #tpu.memory_space<semaphore_mem>>) src(%dma_wait3A_211 : memref<10000x128xf32, #tpu.memory_space<hbm>>) dst(%arg10 : memref<120x128xf32, #tpu.memory_space<vmem>>)
      %run_scoped3A_212 = arith.constant 1 : i32
      "tpu.region"() ({
        %run_scoped3A_274 = tpu.sem_alloc : memref<!tpu.dma_semaphore, #tpu.memory_space<semaphore_mem>>
        %dma_start3A_275 = arith.constant 0 : i32
        %dma_start3A_276 = tpu.memref_slice %arg7[%run_scoped3A_212, %dma_start3A_275] : memref<2x120xi32, #tpu.memory_space<vmem>> -> memref<1x120xi32, #tpu.memory_space<vmem>>
        %dma_start3A_277 = tpu.memref_squeeze %dma_start3A_276 : memref<1x120xi32, #tpu.memory_space<vmem>> -> memref<120xi32, #tpu.memory_space<vmem>>
        %dma_start3A_278 = arith.constant 0 : i32
        %dma_start3A_279 = arith.constant 0 : i32
        %dma_start3A_280 = tpu.memref_slice %arg14[%dma_start3A_278, %dma_start3A_279] : memref<10112x128xf32, #tpu.memory_space<vmem_shared>> -> memref<10112x128xf32, #tpu.memory_space<vmem_shared>>
        tpu.enqueue_indirect_dma source(%arg10 : memref<120x128xf32, #tpu.memory_space<vmem>>) target(%dma_start3A_280 : memref<10112x128xf32, #tpu.memory_space<vmem_shared>>) offsets(%dma_start3A_277 : memref<120xi32, #tpu.memory_space<vmem>>) semaphore(%run_scoped3A_274 : memref<!tpu.dma_semaphore, #tpu.memory_space<semaphore_mem>>) {add = true}
        %dma_wait3A_281 = arith.constant 0 : i32
        %dma_wait3A_282 = tpu.memref_slice %arg7[%run_scoped3A_212, %dma_wait3A_281] : memref<2x120xi32, #tpu.memory_space<vmem>> -> memref<1x120xi32, #tpu.memory_space<vmem>>
        %dma_wait3A_283 = tpu.memref_squeeze %dma_wait3A_282 : memref<1x120xi32, #tpu.memory_space<vmem>> -> memref<120xi32, #tpu.memory_space<vmem>>
        %dma_wait3A_284 = arith.constant 0 : i32
        %dma_wait3A_285 = arith.constant 0 : i32
        %dma_wait3A_286 = tpu.memref_slice %arg14[%dma_wait3A_284, %dma_wait3A_285] : memref<10112x128xf32, #tpu.memory_space<vmem_shared>> -> memref<10112x128xf32, #tpu.memory_space<vmem_shared>>
        tpu.wait_indirect_dma semaphore(%run_scoped3A_274 : memref<!tpu.dma_semaphore, #tpu.memory_space<semaphore_mem>>) src(%arg10 : memref<120x128xf32, #tpu.memory_space<vmem>>) dst(%dma_wait3A_286 : memref<10112x128xf32, #tpu.memory_space<vmem_shared>>)
        tpu.yield
      }) : () -> ()
      %run_scoped3A_213 = arith.constant 1 : i32
      "tpu.region"() ({
        %run_scoped3A_274 = tpu.sem_alloc : memref<!tpu.dma_semaphore, #tpu.memory_space<semaphore_mem>>
        %dma_start3A_275 = arith.constant 0 : i32
        %dma_start3A_276 = tpu.memref_slice %arg12[%dma_start3A_275] : memref<128xf32, #tpu.memory_space<vmem>> -> memref<120xf32, #tpu.memory_space<vmem>>
        %dma_start3A_277 = arith.constant 0 : i32
        %dma_start3A_278 = tpu.memref_slice %arg7[%run_scoped3A_213, %dma_start3A_277] : memref<2x120xi32, #tpu.memory_space<vmem>> -> memref<1x120xi32, #tpu.memory_space<vmem>>
        %dma_start3A_279 = tpu.memref_squeeze %dma_start3A_278 : memref<1x120xi32, #tpu.memory_space<vmem>> -> memref<120xi32, #tpu.memory_space<vmem>>
        %dma_start3A_280 = arith.constant 0 : i32
        %dma_start3A_281 = tpu.memref_slice %arg15[%dma_start3A_280] : memref<10240xf32, #tpu.memory_space<vmem_shared>> -> memref<10240xf32, #tpu.memory_space<vmem_shared>>
        tpu.enqueue_indirect_dma source(%dma_start3A_276 : memref<120xf32, #tpu.memory_space<vmem>>) target(%dma_start3A_281 : memref<10240xf32, #tpu.memory_space<vmem_shared>>) offsets(%dma_start3A_279 : memref<120xi32, #tpu.memory_space<vmem>>) semaphore(%run_scoped3A_274 : memref<!tpu.dma_semaphore, #tpu.memory_space<semaphore_mem>>) {add = true}
        %dma_wait3A_282 = arith.constant 0 : i32
        %dma_wait3A_283 = tpu.memref_slice %arg12[%dma_wait3A_282] : memref<128xf32, #tpu.memory_space<vmem>> -> memref<120xf32, #tpu.memory_space<vmem>>
        %dma_wait3A_284 = arith.constant 0 : i32
        %dma_wait3A_285 = tpu.memref_slice %arg7[%run_scoped3A_213, %dma_wait3A_284] : memref<2x120xi32, #tpu.memory_space<vmem>> -> memref<1x120xi32, #tpu.memory_space<vmem>>
        %dma_wait3A_286 = tpu.memref_squeeze %dma_wait3A_285 : memref<1x120xi32, #tpu.memory_space<vmem>> -> memref<120xi32, #tpu.memory_space<vmem>>
        %dma_wait3A_287 = arith.constant 0 : i32
        %dma_wait3A_288 = tpu.memref_slice %arg15[%dma_wait3A_287] : memref<10240xf32, #tpu.memory_space<vmem_shared>> -> memref<10240xf32, #tpu.memory_space<vmem_shared>>
        tpu.wait_indirect_dma semaphore(%run_scoped3A_274 : memref<!tpu.dma_semaphore, #tpu.memory_space<semaphore_mem>>) src(%dma_wait3A_283 : memref<120xf32, #tpu.memory_space<vmem>>) dst(%dma_wait3A_288 : memref<10240xf32, #tpu.memory_space<vmem_shared>>)
        tpu.yield
      }) : () -> ()
      %add3A_214 = arith.constant 2 : i32
      %add3A_215 = arith.addi %add3A_204, %add3A_214 : i32
      %dma_wait3A_216 = arith.constant 0 : i32
      %dma_wait3A_217 = arith.constant 0 : i32
      %dma_wait3A_218 = tpu.memref_slice %arg3[%add3A, %add3A_215, %dma_wait3A_216, %dma_wait3A_217] : memref<32x86x2x120xi32, #tpu.memory_space<hbm>> -> memref<1x1x2x120xi32, #tpu.memory_space<hbm>>
      %dma_wait3A_219 = tpu.memref_squeeze %dma_wait3A_218 : memref<1x1x2x120xi32, #tpu.memory_space<hbm>> -> memref<2x120xi32, #tpu.memory_space<hbm>>
      %dma_wait3A_220 = arith.constant 0 : i32
      %dma_wait3A_221 = arith.constant 0 : i32
      %dma_wait3A_222 = tpu.memref_slice %arg3[%add3A, %add3A_215, %dma_wait3A_220, %dma_wait3A_221] : memref<32x86x2x120xi32, #tpu.memory_space<hbm>> -> memref<1x1x2x120xi32, #tpu.memory_space<hbm>>
      %dma_wait3A_223 = tpu.memref_squeeze %dma_wait3A_222 : memref<1x1x2x120xi32, #tpu.memory_space<hbm>> -> memref<2x120xi32, #tpu.memory_space<hbm>>
      tpu.wait_dma2 semaphore(%arg16 : memref<!tpu.dma_semaphore, #tpu.memory_space<semaphore_mem>>) src(%dma_wait3A_223 : memref<2x120xi32, #tpu.memory_space<hbm>>) dst(%arg6 : memref<2x120xi32, #tpu.memory_space<vmem>>)
      %dma_start3A_224 = arith.constant 0 : i32
      %dma_start3A_225 = arith.constant 0 : i32
      %dma_start3A_226 = tpu.memref_slice %arg6[%dma_start3A_224, %dma_start3A_225] : memref<2x120xi32, #tpu.memory_space<vmem>> -> memref<1x120xi32, #tpu.memory_space<vmem>>
      %dma_start3A_227 = tpu.memref_squeeze %dma_start3A_226 : memref<1x120xi32, #tpu.memory_space<vmem>> -> memref<120xi32, #tpu.memory_space<vmem>>
      %dma_start3A_228 = arith.constant 0 : i32
      %dma_start3A_229 = arith.constant 0 : i32
      %dma_start3A_230 = tpu.memref_slice %arg2[%dma_start3A_228, %dma_start3A_229] : memref<10000x128xf32, #tpu.memory_space<hbm>> -> memref<10000x128xf32, #tpu.memory_space<hbm>>
      tpu.enqueue_indirect_dma source(%dma_start3A_230 : memref<10000x128xf32, #tpu.memory_space<hbm>>) target(%arg9 : memref<120x128xf32, #tpu.memory_space<vmem>>) offsets(%dma_start3A_227 : memref<120xi32, #tpu.memory_space<vmem>>) semaphore(%arg19 : memref<!tpu.dma_semaphore, #tpu.memory_space<semaphore_mem>>)
      %add3A_231 = arith.constant 3 : i32
      %add3A_232 = arith.addi %add3A_204, %add3A_231 : i32
      %lt3A_233 = arith.constant 86 : i32
      %lt3A_234 = arith.cmpi slt, %add3A_232, %lt3A_233 : i32
      %convert_element_type3A_235 = arith.extui %lt3A_234 : i1 to i32
      %cond3A_236 = arith.constant 0 : i32
      %cond3A_237 = arith.cmpi ne, %convert_element_type3A_235, %cond3A_236 : i32
      scf.if %cond3A_237 {
        %add3A_274 = arith.constant 3 : i32
        %add3A_275 = arith.addi %add3A_204, %add3A_274 : i32
        %dma_start3A_276 = arith.constant 0 : i32
        %dma_start3A_277 = arith.constant 0 : i32
        %dma_start3A_278 = tpu.memref_slice %arg3[%add3A, %add3A_275, %dma_start3A_276, %dma_start3A_277] : memref<32x86x2x120xi32, #tpu.memory_space<hbm>> -> memref<1x1x2x120xi32, #tpu.memory_space<hbm>>
        %dma_start3A_279 = tpu.memref_squeeze %dma_start3A_278 : memref<1x1x2x120xi32, #tpu.memory_space<hbm>> -> memref<2x120xi32, #tpu.memory_space<hbm>>
        %dma_start3A_280 = arith.constant 0 : i32
        %dma_start3A_281 = arith.constant 0 : i32
        %dma_start3A_282 = tpu.memref_slice %arg3[%add3A, %add3A_275, %dma_start3A_280, %dma_start3A_281] : memref<32x86x2x120xi32, #tpu.memory_space<hbm>> -> memref<1x1x2x120xi32, #tpu.memory_space<hbm>>
        %dma_start3A_283 = tpu.memref_squeeze %dma_start3A_282 : memref<1x1x2x120xi32, #tpu.memory_space<hbm>> -> memref<2x120xi32, #tpu.memory_space<hbm>>
        tpu.enqueue_dma source(%dma_start3A_283 : memref<2x120xi32, #tpu.memory_space<hbm>>) target(%arg7 : memref<2x120xi32, #tpu.memory_space<vmem>>) target_semaphore(%arg17 : memref<!tpu.dma_semaphore, #tpu.memory_space<semaphore_mem>>)
      } else {
      }
      %add3A_238 = arith.constant 2 : i32
      %add3A_239 = arith.addi %mul3A_170, %add3A_238 : i32
      %dma_wait3A_240 = arith.constant 0 : i32
      %dma_wait3A_241 = arith.constant 0 : i32
      %dma_wait3A_242 = tpu.memref_slice %arg8[%dma_wait3A_240, %dma_wait3A_241] : memref<2x120xi32, #tpu.memory_space<vmem>> -> memref<1x120xi32, #tpu.memory_space<vmem>>
      %dma_wait3A_243 = tpu.memref_squeeze %dma_wait3A_242 : memref<1x120xi32, #tpu.memory_space<vmem>> -> memref<120xi32, #tpu.memory_space<vmem>>
      %dma_wait3A_244 = arith.constant 0 : i32
      %dma_wait3A_245 = arith.constant 0 : i32
      %dma_wait3A_246 = tpu.memref_slice %arg2[%dma_wait3A_244, %dma_wait3A_245] : memref<10000x128xf32, #tpu.memory_space<hbm>> -> memref<10000x128xf32, #tpu.memory_space<hbm>>
      tpu.wait_indirect_dma semaphore(%arg21 : memref<!tpu.dma_semaphore, #tpu.memory_space<semaphore_mem>>) src(%dma_wait3A_246 : memref<10000x128xf32, #tpu.memory_space<hbm>>) dst(%arg11 : memref<120x128xf32, #tpu.memory_space<vmem>>)
      %run_scoped3A_247 = arith.constant 1 : i32
      "tpu.region"() ({
        %run_scoped3A_274 = tpu.sem_alloc : memref<!tpu.dma_semaphore, #tpu.memory_space<semaphore_mem>>
        %dma_start3A_275 = arith.constant 0 : i32
        %dma_start3A_276 = tpu.memref_slice %arg8[%run_scoped3A_247, %dma_start3A_275] : memref<2x120xi32, #tpu.memory_space<vmem>> -> memref<1x120xi32, #tpu.memory_space<vmem>>
        %dma_start3A_277 = tpu.memref_squeeze %dma_start3A_276 : memref<1x120xi32, #tpu.memory_space<vmem>> -> memref<120xi32, #tpu.memory_space<vmem>>
        %dma_start3A_278 = arith.constant 0 : i32
        %dma_start3A_279 = arith.constant 0 : i32
        %dma_start3A_280 = tpu.memref_slice %arg14[%dma_start3A_278, %dma_start3A_279] : memref<10112x128xf32, #tpu.memory_space<vmem_shared>> -> memref<10112x128xf32, #tpu.memory_space<vmem_shared>>
        tpu.enqueue_indirect_dma source(%arg11 : memref<120x128xf32, #tpu.memory_space<vmem>>) target(%dma_start3A_280 : memref<10112x128xf32, #tpu.memory_space<vmem_shared>>) offsets(%dma_start3A_277 : memref<120xi32, #tpu.memory_space<vmem>>) semaphore(%run_scoped3A_274 : memref<!tpu.dma_semaphore, #tpu.memory_space<semaphore_mem>>) {add = true}
        %dma_wait3A_281 = arith.constant 0 : i32
        %dma_wait3A_282 = tpu.memref_slice %arg8[%run_scoped3A_247, %dma_wait3A_281] : memref<2x120xi32, #tpu.memory_space<vmem>> -> memref<1x120xi32, #tpu.memory_space<vmem>>
        %dma_wait3A_283 = tpu.memref_squeeze %dma_wait3A_282 : memref<1x120xi32, #tpu.memory_space<vmem>> -> memref<120xi32, #tpu.memory_space<vmem>>
        %dma_wait3A_284 = arith.constant 0 : i32
        %dma_wait3A_285 = arith.constant 0 : i32
        %dma_wait3A_286 = tpu.memref_slice %arg14[%dma_wait3A_284, %dma_wait3A_285] : memref<10112x128xf32, #tpu.memory_space<vmem_shared>> -> memref<10112x128xf32, #tpu.memory_space<vmem_shared>>
        tpu.wait_indirect_dma semaphore(%run_scoped3A_274 : memref<!tpu.dma_semaphore, #tpu.memory_space<semaphore_mem>>) src(%arg11 : memref<120x128xf32, #tpu.memory_space<vmem>>) dst(%dma_wait3A_286 : memref<10112x128xf32, #tpu.memory_space<vmem_shared>>)
        tpu.yield
      }) : () -> ()
      %run_scoped3A_248 = arith.constant 1 : i32
      "tpu.region"() ({
        %run_scoped3A_274 = tpu.sem_alloc : memref<!tpu.dma_semaphore, #tpu.memory_space<semaphore_mem>>
        %dma_start3A_275 = arith.constant 0 : i32
        %dma_start3A_276 = tpu.memref_slice %arg12[%dma_start3A_275] : memref<128xf32, #tpu.memory_space<vmem>> -> memref<120xf32, #tpu.memory_space<vmem>>
        %dma_start3A_277 = arith.constant 0 : i32
        %dma_start3A_278 = tpu.memref_slice %arg8[%run_scoped3A_248, %dma_start3A_277] : memref<2x120xi32, #tpu.memory_space<vmem>> -> memref<1x120xi32, #tpu.memory_space<vmem>>
        %dma_start3A_279 = tpu.memref_squeeze %dma_start3A_278 : memref<1x120xi32, #tpu.memory_space<vmem>> -> memref<120xi32, #tpu.memory_space<vmem>>
        %dma_start3A_280 = arith.constant 0 : i32
        %dma_start3A_281 = tpu.memref_slice %arg15[%dma_start3A_280] : memref<10240xf32, #tpu.memory_space<vmem_shared>> -> memref<10240xf32, #tpu.memory_space<vmem_shared>>
        tpu.enqueue_indirect_dma source(%dma_start3A_276 : memref<120xf32, #tpu.memory_space<vmem>>) target(%dma_start3A_281 : memref<10240xf32, #tpu.memory_space<vmem_shared>>) offsets(%dma_start3A_279 : memref<120xi32, #tpu.memory_space<vmem>>) semaphore(%run_scoped3A_274 : memref<!tpu.dma_semaphore, #tpu.memory_space<semaphore_mem>>) {add = true}
        %dma_wait3A_282 = arith.constant 0 : i32
        %dma_wait3A_283 = tpu.memref_slice %arg12[%dma_wait3A_282] : memref<128xf32, #tpu.memory_space<vmem>> -> memref<120xf32, #tpu.memory_space<vmem>>
        %dma_wait3A_284 = arith.constant 0 : i32
        %dma_wait3A_285 = tpu.memref_slice %arg8[%run_scoped3A_248, %dma_wait3A_284] : memref<2x120xi32, #tpu.memory_space<vmem>> -> memref<1x120xi32, #tpu.memory_space<vmem>>
        %dma_wait3A_286 = tpu.memref_squeeze %dma_wait3A_285 : memref<1x120xi32, #tpu.memory_space<vmem>> -> memref<120xi32, #tpu.memory_space<vmem>>
        %dma_wait3A_287 = arith.constant 0 : i32
        %dma_wait3A_288 = tpu.memref_slice %arg15[%dma_wait3A_287] : memref<10240xf32, #tpu.memory_space<vmem_shared>> -> memref<10240xf32, #tpu.memory_space<vmem_shared>>
        tpu.wait_indirect_dma semaphore(%run_scoped3A_274 : memref<!tpu.dma_semaphore, #tpu.memory_space<semaphore_mem>>) src(%dma_wait3A_283 : memref<120xf32, #tpu.memory_space<vmem>>) dst(%dma_wait3A_288 : memref<10240xf32, #tpu.memory_space<vmem_shared>>)
        tpu.yield
      }) : () -> ()
      %add3A_249 = arith.constant 2 : i32
      %add3A_250 = arith.addi %add3A_239, %add3A_249 : i32
      %dma_wait3A_251 = arith.constant 0 : i32
      %dma_wait3A_252 = arith.constant 0 : i32
      %dma_wait3A_253 = tpu.memref_slice %arg3[%add3A, %add3A_250, %dma_wait3A_251, %dma_wait3A_252] : memref<32x86x2x120xi32, #tpu.memory_space<hbm>> -> memref<1x1x2x120xi32, #tpu.memory_space<hbm>>
      %dma_wait3A_254 = tpu.memref_squeeze %dma_wait3A_253 : memref<1x1x2x120xi32, #tpu.memory_space<hbm>> -> memref<2x120xi32, #tpu.memory_space<hbm>>
      %dma_wait3A_255 = arith.constant 0 : i32
      %dma_wait3A_256 = arith.constant 0 : i32
      %dma_wait3A_257 = tpu.memref_slice %arg3[%add3A, %add3A_250, %dma_wait3A_255, %dma_wait3A_256] : memref<32x86x2x120xi32, #tpu.memory_space<hbm>> -> memref<1x1x2x120xi32, #tpu.memory_space<hbm>>
      %dma_wait3A_258 = tpu.memref_squeeze %dma_wait3A_257 : memref<1x1x2x120xi32, #tpu.memory_space<hbm>> -> memref<2x120xi32, #tpu.memory_space<hbm>>
      tpu.wait_dma2 semaphore(%arg17 : memref<!tpu.dma_semaphore, #tpu.memory_space<semaphore_mem>>) src(%dma_wait3A_258 : memref<2x120xi32, #tpu.memory_space<hbm>>) dst(%arg7 : memref<2x120xi32, #tpu.memory_space<vmem>>)
      %dma_start3A_259 = arith.constant 0 : i32
      %dma_start3A_260 = arith.constant 0 : i32
      %dma_start3A_261 = tpu.memref_slice %arg7[%dma_start3A_259, %dma_start3A_260] : memref<2x120xi32, #tpu.memory_space<vmem>> -> memref<1x120xi32, #tpu.memory_space<vmem>>
      %dma_start3A_262 = tpu.memref_squeeze %dma_start3A_261 : memref<1x120xi32, #tpu.memory_space<vmem>> -> memref<120xi32, #tpu.memory_space<vmem>>
      %dma_start3A_263 = arith.constant 0 : i32
      %dma_start3A_264 = arith.constant 0 : i32
      %dma_start3A_265 = tpu.memref_slice %arg2[%dma_start3A_263, %dma_start3A_264] : memref<10000x128xf32, #tpu.memory_space<hbm>> -> memref<10000x128xf32, #tpu.memory_space<hbm>>
      tpu.enqueue_indirect_dma source(%dma_start3A_265 : memref<10000x128xf32, #tpu.memory_space<hbm>>) target(%arg10 : memref<120x128xf32, #tpu.memory_space<vmem>>) offsets(%dma_start3A_262 : memref<120xi32, #tpu.memory_space<vmem>>) semaphore(%arg20 : memref<!tpu.dma_semaphore, #tpu.memory_space<semaphore_mem>>)
      %add3A_266 = arith.constant 3 : i32
      %add3A_267 = arith.addi %add3A_239, %add3A_266 : i32
      %lt3A_268 = arith.constant 86 : i32
      %lt3A_269 = arith.cmpi slt, %add3A_267, %lt3A_268 : i32
      %convert_element_type3A_270 = arith.extui %lt3A_269 : i1 to i32
      %cond3A_271 = arith.constant 0 : i32
      %cond3A_272 = arith.cmpi ne, %convert_element_type3A_270, %cond3A_271 : i32
      scf.if %cond3A_272 {
        %add3A_274 = arith.constant 3 : i32
        %add3A_275 = arith.addi %add3A_239, %add3A_274 : i32
        %dma_start3A_276 = arith.constant 0 : i32
        %dma_start3A_277 = arith.constant 0 : i32
        %dma_start3A_278 = tpu.memref_slice %arg3[%add3A, %add3A_275, %dma_start3A_276, %dma_start3A_277] : memref<32x86x2x120xi32, #tpu.memory_space<hbm>> -> memref<1x1x2x120xi32, #tpu.memory_space<hbm>>
        %dma_start3A_279 = tpu.memref_squeeze %dma_start3A_278 : memref<1x1x2x120xi32, #tpu.memory_space<hbm>> -> memref<2x120xi32, #tpu.memory_space<hbm>>
        %dma_start3A_280 = arith.constant 0 : i32
        %dma_start3A_281 = arith.constant 0 : i32
        %dma_start3A_282 = tpu.memref_slice %arg3[%add3A, %add3A_275, %dma_start3A_280, %dma_start3A_281] : memref<32x86x2x120xi32, #tpu.memory_space<hbm>> -> memref<1x1x2x120xi32, #tpu.memory_space<hbm>>
        %dma_start3A_283 = tpu.memref_squeeze %dma_start3A_282 : memref<1x1x2x120xi32, #tpu.memory_space<hbm>> -> memref<2x120xi32, #tpu.memory_space<hbm>>
        tpu.enqueue_dma source(%dma_start3A_283 : memref<2x120xi32, #tpu.memory_space<hbm>>) target(%arg8 : memref<2x120xi32, #tpu.memory_space<vmem>>) target_semaphore(%arg18 : memref<!tpu.dma_semaphore, #tpu.memory_space<semaphore_mem>>)
      } else {
      }
      %scan3A_273 = arith.constant 0 : i32
      scf.yield %scan3A_273 : i32
    }
    %scan3A_144 = arith.constant 28 : i32
    %dma_wait3A_145 = arith.constant 0 : i32
    %dma_wait3A_146 = arith.constant 0 : i32
    %dma_wait3A_147 = tpu.memref_slice %arg6[%dma_wait3A_145, %dma_wait3A_146] : memref<2x120xi32, #tpu.memory_space<vmem>> -> memref<1x120xi32, #tpu.memory_space<vmem>>
    %dma_wait3A_148 = tpu.memref_squeeze %dma_wait3A_147 : memref<1x120xi32, #tpu.memory_space<vmem>> -> memref<120xi32, #tpu.memory_space<vmem>>
    %dma_wait3A_149 = arith.constant 0 : i32
    %dma_wait3A_150 = arith.constant 0 : i32
    %dma_wait3A_151 = tpu.memref_slice %arg2[%dma_wait3A_149, %dma_wait3A_150] : memref<10000x128xf32, #tpu.memory_space<hbm>> -> memref<10000x128xf32, #tpu.memory_space<hbm>>
    tpu.wait_indirect_dma semaphore(%arg19 : memref<!tpu.dma_semaphore, #tpu.memory_space<semaphore_mem>>) src(%dma_wait3A_151 : memref<10000x128xf32, #tpu.memory_space<hbm>>) dst(%arg9 : memref<120x128xf32, #tpu.memory_space<vmem>>)
    %run_scoped3A_152 = arith.constant 1 : i32
    "tpu.region"() ({
      %run_scoped3A_167 = tpu.sem_alloc : memref<!tpu.dma_semaphore, #tpu.memory_space<semaphore_mem>>
      %dma_start3A_168 = arith.constant 0 : i32
      %dma_start3A_169 = tpu.memref_slice %arg6[%run_scoped3A_152, %dma_start3A_168] : memref<2x120xi32, #tpu.memory_space<vmem>> -> memref<1x120xi32, #tpu.memory_space<vmem>>
      %dma_start3A_170 = tpu.memref_squeeze %dma_start3A_169 : memref<1x120xi32, #tpu.memory_space<vmem>> -> memref<120xi32, #tpu.memory_space<vmem>>
      %dma_start3A_171 = arith.constant 0 : i32
      %dma_start3A_172 = arith.constant 0 : i32
      %dma_start3A_173 = tpu.memref_slice %arg14[%dma_start3A_171, %dma_start3A_172] : memref<10112x128xf32, #tpu.memory_space<vmem_shared>> -> memref<10112x128xf32, #tpu.memory_space<vmem_shared>>
      tpu.enqueue_indirect_dma source(%arg9 : memref<120x128xf32, #tpu.memory_space<vmem>>) target(%dma_start3A_173 : memref<10112x128xf32, #tpu.memory_space<vmem_shared>>) offsets(%dma_start3A_170 : memref<120xi32, #tpu.memory_space<vmem>>) semaphore(%run_scoped3A_167 : memref<!tpu.dma_semaphore, #tpu.memory_space<semaphore_mem>>) {add = true}
      %dma_wait3A_174 = arith.constant 0 : i32
      %dma_wait3A_175 = tpu.memref_slice %arg6[%run_scoped3A_152, %dma_wait3A_174] : memref<2x120xi32, #tpu.memory_space<vmem>> -> memref<1x120xi32, #tpu.memory_space<vmem>>
      %dma_wait3A_176 = tpu.memref_squeeze %dma_wait3A_175 : memref<1x120xi32, #tpu.memory_space<vmem>> -> memref<120xi32, #tpu.memory_space<vmem>>
      %dma_wait3A_177 = arith.constant 0 : i32
      %dma_wait3A_178 = arith.constant 0 : i32
      %dma_wait3A_179 = tpu.memref_slice %arg14[%dma_wait3A_177, %dma_wait3A_178] : memref<10112x128xf32, #tpu.memory_space<vmem_shared>> -> memref<10112x128xf32, #tpu.memory_space<vmem_shared>>
      tpu.wait_indirect_dma semaphore(%run_scoped3A_167 : memref<!tpu.dma_semaphore, #tpu.memory_space<semaphore_mem>>) src(%arg9 : memref<120x128xf32, #tpu.memory_space<vmem>>) dst(%dma_wait3A_179 : memref<10112x128xf32, #tpu.memory_space<vmem_shared>>)
      tpu.yield
    }) : () -> ()
    %run_scoped3A_153 = arith.constant 1 : i32
    "tpu.region"() ({
      %run_scoped3A_167 = tpu.sem_alloc : memref<!tpu.dma_semaphore, #tpu.memory_space<semaphore_mem>>
      %dma_start3A_168 = arith.constant 0 : i32
      %dma_start3A_169 = tpu.memref_slice %arg12[%dma_start3A_168] : memref<128xf32, #tpu.memory_space<vmem>> -> memref<120xf32, #tpu.memory_space<vmem>>
      %dma_start3A_170 = arith.constant 0 : i32
      %dma_start3A_171 = tpu.memref_slice %arg6[%run_scoped3A_153, %dma_start3A_170] : memref<2x120xi32, #tpu.memory_space<vmem>> -> memref<1x120xi32, #tpu.memory_space<vmem>>
      %dma_start3A_172 = tpu.memref_squeeze %dma_start3A_171 : memref<1x120xi32, #tpu.memory_space<vmem>> -> memref<120xi32, #tpu.memory_space<vmem>>
      %dma_start3A_173 = arith.constant 0 : i32
      %dma_start3A_174 = tpu.memref_slice %arg15[%dma_start3A_173] : memref<10240xf32, #tpu.memory_space<vmem_shared>> -> memref<10240xf32, #tpu.memory_space<vmem_shared>>
      tpu.enqueue_indirect_dma source(%dma_start3A_169 : memref<120xf32, #tpu.memory_space<vmem>>) target(%dma_start3A_174 : memref<10240xf32, #tpu.memory_space<vmem_shared>>) offsets(%dma_start3A_172 : memref<120xi32, #tpu.memory_space<vmem>>) semaphore(%run_scoped3A_167 : memref<!tpu.dma_semaphore, #tpu.memory_space<semaphore_mem>>) {add = true}
      %dma_wait3A_175 = arith.constant 0 : i32
      %dma_wait3A_176 = tpu.memref_slice %arg12[%dma_wait3A_175] : memref<128xf32, #tpu.memory_space<vmem>> -> memref<120xf32, #tpu.memory_space<vmem>>
      %dma_wait3A_177 = arith.constant 0 : i32
      %dma_wait3A_178 = tpu.memref_slice %arg6[%run_scoped3A_153, %dma_wait3A_177] : memref<2x120xi32, #tpu.memory_space<vmem>> -> memref<1x120xi32, #tpu.memory_space<vmem>>
      %dma_wait3A_179 = tpu.memref_squeeze %dma_wait3A_178 : memref<1x120xi32, #tpu.memory_space<vmem>> -> memref<120xi32, #tpu.memory_space<vmem>>
      %dma_wait3A_180 = arith.constant 0 : i32
      %dma_wait3A_181 = tpu.memref_slice %arg15[%dma_wait3A_180] : memref<10240xf32, #tpu.memory_space<vmem_shared>> -> memref<10240xf32, #tpu.memory_space<vmem_shared>>
      tpu.wait_indirect_dma semaphore(%run_scoped3A_167 : memref<!tpu.dma_semaphore, #tpu.memory_space<semaphore_mem>>) src(%dma_wait3A_176 : memref<120xf32, #tpu.memory_space<vmem>>) dst(%dma_wait3A_181 : memref<10240xf32, #tpu.memory_space<vmem_shared>>)
      tpu.yield
    }) : () -> ()
    %dma_wait3A_154 = arith.constant 0 : i32
    %dma_wait3A_155 = arith.constant 0 : i32
    %dma_wait3A_156 = tpu.memref_slice %arg7[%dma_wait3A_154, %dma_wait3A_155] : memref<2x120xi32, #tpu.memory_space<vmem>> -> memref<1x120xi32, #tpu.memory_space<vmem>>
    %dma_wait3A_157 = tpu.memref_squeeze %dma_wait3A_156 : memref<1x120xi32, #tpu.memory_space<vmem>> -> memref<120xi32, #tpu.memory_space<vmem>>
    %dma_wait3A_158 = arith.constant 0 : i32
    %dma_wait3A_159 = arith.constant 0 : i32
    %dma_wait3A_160 = tpu.memref_slice %arg2[%dma_wait3A_158, %dma_wait3A_159] : memref<10000x128xf32, #tpu.memory_space<hbm>> -> memref<10000x128xf32, #tpu.memory_space<hbm>>
    tpu.wait_indirect_dma semaphore(%arg20 : memref<!tpu.dma_semaphore, #tpu.memory_space<semaphore_mem>>) src(%dma_wait3A_160 : memref<10000x128xf32, #tpu.memory_space<hbm>>) dst(%arg10 : memref<120x128xf32, #tpu.memory_space<vmem>>)
    %run_scoped3A_161 = arith.constant 1 : i32
    "tpu.region"() ({
      %run_scoped3A_167 = tpu.sem_alloc : memref<!tpu.dma_semaphore, #tpu.memory_space<semaphore_mem>>
      %dma_start3A_168 = arith.constant 0 : i32
      %dma_start3A_169 = tpu.memref_slice %arg7[%run_scoped3A_161, %dma_start3A_168] : memref<2x120xi32, #tpu.memory_space<vmem>> -> memref<1x120xi32, #tpu.memory_space<vmem>>
      %dma_start3A_170 = tpu.memref_squeeze %dma_start3A_169 : memref<1x120xi32, #tpu.memory_space<vmem>> -> memref<120xi32, #tpu.memory_space<vmem>>
      %dma_start3A_171 = arith.constant 0 : i32
      %dma_start3A_172 = arith.constant 0 : i32
      %dma_start3A_173 = tpu.memref_slice %arg14[%dma_start3A_171, %dma_start3A_172] : memref<10112x128xf32, #tpu.memory_space<vmem_shared>> -> memref<10112x128xf32, #tpu.memory_space<vmem_shared>>
      tpu.enqueue_indirect_dma source(%arg10 : memref<120x128xf32, #tpu.memory_space<vmem>>) target(%dma_start3A_173 : memref<10112x128xf32, #tpu.memory_space<vmem_shared>>) offsets(%dma_start3A_170 : memref<120xi32, #tpu.memory_space<vmem>>) semaphore(%run_scoped3A_167 : memref<!tpu.dma_semaphore, #tpu.memory_space<semaphore_mem>>) {add = true}
      %dma_wait3A_174 = arith.constant 0 : i32
      %dma_wait3A_175 = tpu.memref_slice %arg7[%run_scoped3A_161, %dma_wait3A_174] : memref<2x120xi32, #tpu.memory_space<vmem>> -> memref<1x120xi32, #tpu.memory_space<vmem>>
      %dma_wait3A_176 = tpu.memref_squeeze %dma_wait3A_175 : memref<1x120xi32, #tpu.memory_space<vmem>> -> memref<120xi32, #tpu.memory_space<vmem>>
      %dma_wait3A_177 = arith.constant 0 : i32
      %dma_wait3A_178 = arith.constant 0 : i32
      %dma_wait3A_179 = tpu.memref_slice %arg14[%dma_wait3A_177, %dma_wait3A_178] : memref<10112x128xf32, #tpu.memory_space<vmem_shared>> -> memref<10112x128xf32, #tpu.memory_space<vmem_shared>>
      tpu.wait_indirect_dma semaphore(%run_scoped3A_167 : memref<!tpu.dma_semaphore, #tpu.memory_space<semaphore_mem>>) src(%arg10 : memref<120x128xf32, #tpu.memory_space<vmem>>) dst(%dma_wait3A_179 : memref<10112x128xf32, #tpu.memory_space<vmem_shared>>)
      tpu.yield
    }) : () -> ()
    %run_scoped3A_162 = arith.constant 1 : i32
    "tpu.region"() ({
      %run_scoped3A_167 = tpu.sem_alloc : memref<!tpu.dma_semaphore, #tpu.memory_space<semaphore_mem>>
      %dma_start3A_168 = arith.constant 0 : i32
      %dma_start3A_169 = tpu.memref_slice %arg12[%dma_start3A_168] : memref<128xf32, #tpu.memory_space<vmem>> -> memref<120xf32, #tpu.memory_space<vmem>>
      %dma_start3A_170 = arith.constant 0 : i32
      %dma_start3A_171 = tpu.memref_slice %arg7[%run_scoped3A_162, %dma_start3A_170] : memref<2x120xi32, #tpu.memory_space<vmem>> -> memref<1x120xi32, #tpu.memory_space<vmem>>
      %dma_start3A_172 = tpu.memref_squeeze %dma_start3A_171 : memref<1x120xi32, #tpu.memory_space<vmem>> -> memref<120xi32, #tpu.memory_space<vmem>>
      %dma_start3A_173 = arith.constant 0 : i32
      %dma_start3A_174 = tpu.memref_slice %arg15[%dma_start3A_173] : memref<10240xf32, #tpu.memory_space<vmem_shared>> -> memref<10240xf32, #tpu.memory_space<vmem_shared>>
      tpu.enqueue_indirect_dma source(%dma_start3A_169 : memref<120xf32, #tpu.memory_space<vmem>>) target(%dma_start3A_174 : memref<10240xf32, #tpu.memory_space<vmem_shared>>) offsets(%dma_start3A_172 : memref<120xi32, #tpu.memory_space<vmem>>) semaphore(%run_scoped3A_167 : memref<!tpu.dma_semaphore, #tpu.memory_space<semaphore_mem>>) {add = true}
      %dma_wait3A_175 = arith.constant 0 : i32
      %dma_wait3A_176 = tpu.memref_slice %arg12[%dma_wait3A_175] : memref<128xf32, #tpu.memory_space<vmem>> -> memref<120xf32, #tpu.memory_space<vmem>>
      %dma_wait3A_177 = arith.constant 0 : i32
      %dma_wait3A_178 = tpu.memref_slice %arg7[%run_scoped3A_162, %dma_wait3A_177] : memref<2x120xi32, #tpu.memory_space<vmem>> -> memref<1x120xi32, #tpu.memory_space<vmem>>
      %dma_wait3A_179 = tpu.memref_squeeze %dma_wait3A_178 : memref<1x120xi32, #tpu.memory_space<vmem>> -> memref<120xi32, #tpu.memory_space<vmem>>
      %dma_wait3A_180 = arith.constant 0 : i32
      %dma_wait3A_181 = tpu.memref_slice %arg15[%dma_wait3A_180] : memref<10240xf32, #tpu.memory_space<vmem_shared>> -> memref<10240xf32, #tpu.memory_space<vmem_shared>>
      tpu.wait_indirect_dma semaphore(%run_scoped3A_167 : memref<!tpu.dma_semaphore, #tpu.memory_space<semaphore_mem>>) src(%dma_wait3A_176 : memref<120xf32, #tpu.memory_space<vmem>>) dst(%dma_wait3A_181 : memref<10240xf32, #tpu.memory_space<vmem_shared>>)
      tpu.yield
    }) : () -> ()
    %barrier3A_163 = arith.constant 0 : index
    tpu.barrier barrier_id(%barrier3A_163)
    "tpu.region"() ({
      %run_scoped3A_167 = tpu.sem_alloc : memref<!tpu.dma_semaphore, #tpu.memory_space<semaphore_mem>>
      %dma_start3A_168 = arith.constant 0 : i32
      %dma_start3A_169 = tpu.memref_slice %arg4[%arg0, %mul3A_91, %dma_start3A_168] : memref<2x10112x128xf32, #tpu.memory_space<hbm>> -> memref<1x632x128xf32, #tpu.memory_space<hbm>>
      %dma_start3A_170 = tpu.memref_squeeze %dma_start3A_169 : memref<1x632x128xf32, #tpu.memory_space<hbm>> -> memref<632x128xf32, #tpu.memory_space<hbm>>
      %dma_start3A_171 = arith.constant 0 : i32
      %dma_start3A_172 = tpu.memref_slice %arg14[%mul3A_91, %dma_start3A_171] : memref<10112x128xf32, #tpu.memory_space<vmem_shared>> -> memref<632x128xf32, #tpu.memory_space<vmem_shared>>
      tpu.enqueue_dma source(%dma_start3A_172 : memref<632x128xf32, #tpu.memory_space<vmem_shared>>) target(%dma_start3A_170 : memref<632x128xf32, #tpu.memory_space<hbm>>) target_semaphore(%run_scoped3A_167 : memref<!tpu.dma_semaphore, #tpu.memory_space<semaphore_mem>>)
      %dma_wait3A_173 = arith.constant 0 : i32
      %dma_wait3A_174 = tpu.memref_slice %arg4[%arg0, %mul3A_91, %dma_wait3A_173] : memref<2x10112x128xf32, #tpu.memory_space<hbm>> -> memref<1x632x128xf32, #tpu.memory_space<hbm>>
      %dma_wait3A_175 = tpu.memref_squeeze %dma_wait3A_174 : memref<1x632x128xf32, #tpu.memory_space<hbm>> -> memref<632x128xf32, #tpu.memory_space<hbm>>
      %dma_wait3A_176 = arith.constant 0 : i32
      %dma_wait3A_177 = tpu.memref_slice %arg14[%mul3A_91, %dma_wait3A_176] : memref<10112x128xf32, #tpu.memory_space<vmem_shared>> -> memref<632x128xf32, #tpu.memory_space<vmem_shared>>
      tpu.wait_dma2 semaphore(%run_scoped3A_167 : memref<!tpu.dma_semaphore, #tpu.memory_space<semaphore_mem>>) src(%dma_wait3A_177 : memref<632x128xf32, #tpu.memory_space<vmem_shared>>) dst(%dma_wait3A_175 : memref<632x128xf32, #tpu.memory_space<hbm>>)
      tpu.yield
    }) : () -> ()
    %mul3A_164 = arith.constant 10240 : i32
    %mul3A_165 = arith.muli %arg0, %mul3A_164 : i32
    %add3A_166 = arith.addi %mul3A_165, %mul3A_105 : i32
    "tpu.region"() ({
      %run_scoped3A_167 = tpu.sem_alloc : memref<!tpu.dma_semaphore, #tpu.memory_space<semaphore_mem>>
      %dma_start3A_168 = tpu.memref_slice %arg5[%add3A_166] : memref<20480xf32, #tpu.memory_space<hbm>> -> memref<640xf32, #tpu.memory_space<hbm>>
      %dma_start3A_169 = tpu.memref_slice %arg15[%mul3A_105] : memref<10240xf32, #tpu.memory_space<vmem_shared>> -> memref<640xf32, #tpu.memory_space<vmem_shared>>
      tpu.enqueue_dma source(%dma_start3A_169 : memref<640xf32, #tpu.memory_space<vmem_shared>>) target(%dma_start3A_168 : memref<640xf32, #tpu.memory_space<hbm>>) target_semaphore(%run_scoped3A_167 : memref<!tpu.dma_semaphore, #tpu.memory_space<semaphore_mem>>)
      %dma_wait3A_170 = tpu.memref_slice %arg5[%add3A_166] : memref<20480xf32, #tpu.memory_space<hbm>> -> memref<640xf32, #tpu.memory_space<hbm>>
      %dma_wait3A_171 = tpu.memref_slice %arg15[%mul3A_105] : memref<10240xf32, #tpu.memory_space<vmem_shared>> -> memref<640xf32, #tpu.memory_space<vmem_shared>>
      tpu.wait_dma2 semaphore(%run_scoped3A_167 : memref<!tpu.dma_semaphore, #tpu.memory_space<semaphore_mem>>) src(%dma_wait3A_171 : memref<640xf32, #tpu.memory_space<vmem_shared>>) dst(%dma_wait3A_170 : memref<640xf32, #tpu.memory_space<hbm>>)
      tpu.yield
    }) : () -> ()
    return
  }
}

#map = affine_map<(d0, d1) -> (0, 0)>
#map1 = affine_map<(d0, d1) -> (0, 0, 0, 0)>
#map2 = affine_map<(d0, d1) -> (0, 0, 0)>
module attributes {stable_mosaic.version = 14 : i64} {
  func.func @sage_sc_agg3(%arg0: i32, %arg1: i32, %arg2: memref<10000x128xf32, #tpu.memory_space<hbm>>, %arg3: memref<32x86x2x120xi32, #tpu.memory_space<hbm>>, %arg4: memref<2x10112x128xf32, #tpu.memory_space<hbm>>, %arg5: memref<2x120xi32, #tpu.memory_space<vmem>>, %arg6: memref<2x120xi32, #tpu.memory_space<vmem>>, %arg7: memref<2x120xi32, #tpu.memory_space<vmem>>, %arg8: memref<120x128xf32, #tpu.memory_space<vmem>>, %arg9: memref<120x128xf32, #tpu.memory_space<vmem>>, %arg10: memref<120x128xf32, #tpu.memory_space<vmem>>, %arg11: memref<10112x128xf32, #tpu.memory_space<vmem_shared>>, %arg12: memref<!tpu.dma_semaphore, #tpu.memory_space<semaphore_mem>>, %arg13: memref<!tpu.dma_semaphore, #tpu.memory_space<semaphore_mem>>, %arg14: memref<!tpu.dma_semaphore, #tpu.memory_space<semaphore_mem>>, %arg15: memref<!tpu.dma_semaphore, #tpu.memory_space<semaphore_mem>>, %arg16: memref<!tpu.dma_semaphore, #tpu.memory_space<semaphore_mem>>, %arg17: memref<!tpu.dma_semaphore, #tpu.memory_space<semaphore_mem>>) attributes {dimension_semantics = [#tpu.dimension_semantics<core_parallel>, #tpu.dimension_semantics<subcore_parallel>], iteration_bounds = array<i64: 2, 16>, scalar_prefetch = 0 : i64, scratch_operands = 13 : i64, tpu.core_type = #tpu.core_type<sc_vector_subcore>, window_params = [{transform_indices = #map}, {transform_indices = #map1}, {transform_indices = #map2}]} {
    %mul3A = arith.constant 16 : i32
    %mul3A_0 = arith.muli %arg0, %mul3A : i32
    %add3A = arith.addi %mul3A_0, %arg1 : i32
    %run_scoped3A = arith.constant 0 : i32
    "tpu.region"() ({
      %run_scoped3A_85 = tpu.sem_alloc : memref<!tpu.dma_semaphore, #tpu.memory_space<semaphore_mem>>
      %dma_start3A_86 = arith.constant 0 : i32
      %dma_start3A_87 = arith.constant 0 : i32
      %dma_start3A_88 = tpu.memref_slice %arg3[%add3A, %run_scoped3A, %dma_start3A_86, %dma_start3A_87] : memref<32x86x2x120xi32, #tpu.memory_space<hbm>> -> memref<1x1x2x120xi32, #tpu.memory_space<hbm>>
      %dma_start3A_89 = tpu.memref_squeeze %dma_start3A_88 : memref<1x1x2x120xi32, #tpu.memory_space<hbm>> -> memref<2x120xi32, #tpu.memory_space<hbm>>
      %dma_start3A_90 = arith.constant 0 : i32
      %dma_start3A_91 = arith.constant 0 : i32
      %dma_start3A_92 = tpu.memref_slice %arg3[%add3A, %run_scoped3A, %dma_start3A_90, %dma_start3A_91] : memref<32x86x2x120xi32, #tpu.memory_space<hbm>> -> memref<1x1x2x120xi32, #tpu.memory_space<hbm>>
      %dma_start3A_93 = tpu.memref_squeeze %dma_start3A_92 : memref<1x1x2x120xi32, #tpu.memory_space<hbm>> -> memref<2x120xi32, #tpu.memory_space<hbm>>
      tpu.enqueue_dma source(%dma_start3A_93 : memref<2x120xi32, #tpu.memory_space<hbm>>) target(%arg5 : memref<2x120xi32, #tpu.memory_space<vmem>>) target_semaphore(%run_scoped3A_85 : memref<!tpu.dma_semaphore, #tpu.memory_space<semaphore_mem>>)
      %dma_wait3A_94 = arith.constant 0 : i32
      %dma_wait3A_95 = arith.constant 0 : i32
      %dma_wait3A_96 = tpu.memref_slice %arg3[%add3A, %run_scoped3A, %dma_wait3A_94, %dma_wait3A_95] : memref<32x86x2x120xi32, #tpu.memory_space<hbm>> -> memref<1x1x2x120xi32, #tpu.memory_space<hbm>>
      %dma_wait3A_97 = tpu.memref_squeeze %dma_wait3A_96 : memref<1x1x2x120xi32, #tpu.memory_space<hbm>> -> memref<2x120xi32, #tpu.memory_space<hbm>>
      %dma_wait3A_98 = arith.constant 0 : i32
      %dma_wait3A_99 = arith.constant 0 : i32
      %dma_wait3A_100 = tpu.memref_slice %arg3[%add3A, %run_scoped3A, %dma_wait3A_98, %dma_wait3A_99] : memref<32x86x2x120xi32, #tpu.memory_space<hbm>> -> memref<1x1x2x120xi32, #tpu.memory_space<hbm>>
      %dma_wait3A_101 = tpu.memref_squeeze %dma_wait3A_100 : memref<1x1x2x120xi32, #tpu.memory_space<hbm>> -> memref<2x120xi32, #tpu.memory_space<hbm>>
      tpu.wait_dma2 semaphore(%run_scoped3A_85 : memref<!tpu.dma_semaphore, #tpu.memory_space<semaphore_mem>>) src(%dma_wait3A_101 : memref<2x120xi32, #tpu.memory_space<hbm>>) dst(%arg5 : memref<2x120xi32, #tpu.memory_space<vmem>>)
      tpu.yield
    }) : () -> ()
    %dma_start3A = arith.constant 1 : i32
    %dma_start3A_1 = arith.constant 0 : i32
    %dma_start3A_2 = arith.constant 0 : i32
    %dma_start3A_3 = tpu.memref_slice %arg3[%add3A, %dma_start3A, %dma_start3A_1, %dma_start3A_2] : memref<32x86x2x120xi32, #tpu.memory_space<hbm>> -> memref<1x1x2x120xi32, #tpu.memory_space<hbm>>
    %dma_start3A_4 = tpu.memref_squeeze %dma_start3A_3 : memref<1x1x2x120xi32, #tpu.memory_space<hbm>> -> memref<2x120xi32, #tpu.memory_space<hbm>>
    %dma_start3A_5 = arith.constant 0 : i32
    %dma_start3A_6 = arith.constant 0 : i32
    %dma_start3A_7 = tpu.memref_slice %arg3[%add3A, %dma_start3A, %dma_start3A_5, %dma_start3A_6] : memref<32x86x2x120xi32, #tpu.memory_space<hbm>> -> memref<1x1x2x120xi32, #tpu.memory_space<hbm>>
    %dma_start3A_8 = tpu.memref_squeeze %dma_start3A_7 : memref<1x1x2x120xi32, #tpu.memory_space<hbm>> -> memref<2x120xi32, #tpu.memory_space<hbm>>
    tpu.enqueue_dma source(%dma_start3A_8 : memref<2x120xi32, #tpu.memory_space<hbm>>) target(%arg6 : memref<2x120xi32, #tpu.memory_space<vmem>>) target_semaphore(%arg13 : memref<!tpu.dma_semaphore, #tpu.memory_space<semaphore_mem>>)
    %dma_start3A_9 = arith.constant 2 : i32
    %dma_start3A_10 = arith.constant 0 : i32
    %dma_start3A_11 = arith.constant 0 : i32
    %dma_start3A_12 = tpu.memref_slice %arg3[%add3A, %dma_start3A_9, %dma_start3A_10, %dma_start3A_11] : memref<32x86x2x120xi32, #tpu.memory_space<hbm>> -> memref<1x1x2x120xi32, #tpu.memory_space<hbm>>
    %dma_start3A_13 = tpu.memref_squeeze %dma_start3A_12 : memref<1x1x2x120xi32, #tpu.memory_space<hbm>> -> memref<2x120xi32, #tpu.memory_space<hbm>>
    %dma_start3A_14 = arith.constant 0 : i32
    %dma_start3A_15 = arith.constant 0 : i32
    %dma_start3A_16 = tpu.memref_slice %arg3[%add3A, %dma_start3A_9, %dma_start3A_14, %dma_start3A_15] : memref<32x86x2x120xi32, #tpu.memory_space<hbm>> -> memref<1x1x2x120xi32, #tpu.memory_space<hbm>>
    %dma_start3A_17 = tpu.memref_squeeze %dma_start3A_16 : memref<1x1x2x120xi32, #tpu.memory_space<hbm>> -> memref<2x120xi32, #tpu.memory_space<hbm>>
    tpu.enqueue_dma source(%dma_start3A_17 : memref<2x120xi32, #tpu.memory_space<hbm>>) target(%arg7 : memref<2x120xi32, #tpu.memory_space<vmem>>) target_semaphore(%arg14 : memref<!tpu.dma_semaphore, #tpu.memory_space<semaphore_mem>>)
    %broadcast_in_dim3A = arith.constant 0.000000e+00 : f32
    %broadcast_in_dim3A_18 = vector.broadcast %broadcast_in_dim3A : f32 to vector<16xf32>
    %scan3A = arith.constant 0 : i32
    %scan3A_19 = arith.constant 0 : i32
    %scan3A_20 = arith.constant 120 : i32
    %scan3A_21 = arith.addi %scan3A_19, %scan3A_20 : i32
    %scan3A_22 = arith.constant 1 : i32
    %scan3A_23 = scf.for %scan3A_85 = %scan3A_19 to %scan3A_21 step %scan3A_22 iter_args(%scan3A_86 = %scan3A) -> (i32)  : i32 {
      %swap3A = arith.index_cast %scan3A_85 : i32 to index
      %swap3A_87 = arith.constant 0 : index
      %swap3A_88 = tpu.vector_load %arg8[%swap3A, %swap3A_87] {strides = array<i32>} : memref<120x128xf32, #tpu.memory_space<vmem>>, vector<1x16xf32>,
      %swap3A_89 = vector.shape_cast %swap3A_88 : vector<1x16xf32> to vector<16xf32>
      %swap3A_90 = vector.shape_cast %broadcast_in_dim3A_18 : vector<16xf32> to vector<1x16xf32>
      tpu.vector_store %arg8[%swap3A, %swap3A_87], %swap3A_90 {strides = array<i32>} : memref<120x128xf32, #tpu.memory_space<vmem>>, vector<1x16xf32>,
      %swap3A_91 = arith.index_cast %scan3A_85 : i32 to index
      %swap3A_92 = arith.constant 16 : index
      %swap3A_93 = tpu.vector_load %arg8[%swap3A_91, %swap3A_92] {strides = array<i32>} : memref<120x128xf32, #tpu.memory_space<vmem>>, vector<1x16xf32>,
      %swap3A_94 = vector.shape_cast %swap3A_93 : vector<1x16xf32> to vector<16xf32>
      %swap3A_95 = vector.shape_cast %broadcast_in_dim3A_18 : vector<16xf32> to vector<1x16xf32>
      tpu.vector_store %arg8[%swap3A_91, %swap3A_92], %swap3A_95 {strides = array<i32>} : memref<120x128xf32, #tpu.memory_space<vmem>>, vector<1x16xf32>,
      %swap3A_96 = arith.index_cast %scan3A_85 : i32 to index
      %swap3A_97 = arith.constant 32 : index
      %swap3A_98 = tpu.vector_load %arg8[%swap3A_96, %swap3A_97] {strides = array<i32>} : memref<120x128xf32, #tpu.memory_space<vmem>>, vector<1x16xf32>,
      %swap3A_99 = vector.shape_cast %swap3A_98 : vector<1x16xf32> to vector<16xf32>
      %swap3A_100 = vector.shape_cast %broadcast_in_dim3A_18 : vector<16xf32> to vector<1x16xf32>
      tpu.vector_store %arg8[%swap3A_96, %swap3A_97], %swap3A_100 {strides = array<i32>} : memref<120x128xf32, #tpu.memory_space<vmem>>, vector<1x16xf32>,
      %swap3A_101 = arith.index_cast %scan3A_85 : i32 to index
      %swap3A_102 = arith.constant 48 : index
      %swap3A_103 = tpu.vector_load %arg8[%swap3A_101, %swap3A_102] {strides = array<i32>} : memref<120x128xf32, #tpu.memory_space<vmem>>, vector<1x16xf32>,
      %swap3A_104 = vector.shape_cast %swap3A_103 : vector<1x16xf32> to vector<16xf32>
      %swap3A_105 = vector.shape_cast %broadcast_in_dim3A_18 : vector<16xf32> to vector<1x16xf32>
      tpu.vector_store %arg8[%swap3A_101, %swap3A_102], %swap3A_105 {strides = array<i32>} : memref<120x128xf32, #tpu.memory_space<vmem>>, vector<1x16xf32>,
      %swap3A_106 = arith.index_cast %scan3A_85 : i32 to index
      %swap3A_107 = arith.constant 64 : index
      %swap3A_108 = tpu.vector_load %arg8[%swap3A_106, %swap3A_107] {strides = array<i32>} : memref<120x128xf32, #tpu.memory_space<vmem>>, vector<1x16xf32>,
      %swap3A_109 = vector.shape_cast %swap3A_108 : vector<1x16xf32> to vector<16xf32>
      %swap3A_110 = vector.shape_cast %broadcast_in_dim3A_18 : vector<16xf32> to vector<1x16xf32>
      tpu.vector_store %arg8[%swap3A_106, %swap3A_107], %swap3A_110 {strides = array<i32>} : memref<120x128xf32, #tpu.memory_space<vmem>>, vector<1x16xf32>,
      %swap3A_111 = arith.index_cast %scan3A_85 : i32 to index
      %swap3A_112 = arith.constant 80 : index
      %swap3A_113 = tpu.vector_load %arg8[%swap3A_111, %swap3A_112] {strides = array<i32>} : memref<120x128xf32, #tpu.memory_space<vmem>>, vector<1x16xf32>,
      %swap3A_114 = vector.shape_cast %swap3A_113 : vector<1x16xf32> to vector<16xf32>
      %swap3A_115 = vector.shape_cast %broadcast_in_dim3A_18 : vector<16xf32> to vector<1x16xf32>
      tpu.vector_store %arg8[%swap3A_111, %swap3A_112], %swap3A_115 {strides = array<i32>} : memref<120x128xf32, #tpu.memory_space<vmem>>, vector<1x16xf32>,
      %swap3A_116 = arith.index_cast %scan3A_85 : i32 to index
      %swap3A_117 = arith.constant 96 : index
      %swap3A_118 = tpu.vector_load %arg8[%swap3A_116, %swap3A_117] {strides = array<i32>} : memref<120x128xf32, #tpu.memory_space<vmem>>, vector<1x16xf32>,
      %swap3A_119 = vector.shape_cast %swap3A_118 : vector<1x16xf32> to vector<16xf32>
      %swap3A_120 = vector.shape_cast %broadcast_in_dim3A_18 : vector<16xf32> to vector<1x16xf32>
      tpu.vector_store %arg8[%swap3A_116, %swap3A_117], %swap3A_120 {strides = array<i32>} : memref<120x128xf32, #tpu.memory_space<vmem>>, vector<1x16xf32>,
      %swap3A_121 = arith.index_cast %scan3A_85 : i32 to index
      %swap3A_122 = arith.constant 112 : index
      %swap3A_123 = tpu.vector_load %arg8[%swap3A_121, %swap3A_122] {strides = array<i32>} : memref<120x128xf32, #tpu.memory_space<vmem>>, vector<1x16xf32>,
      %swap3A_124 = vector.shape_cast %swap3A_123 : vector<1x16xf32> to vector<16xf32>
      %swap3A_125 = vector.shape_cast %broadcast_in_dim3A_18 : vector<16xf32> to vector<1x16xf32>
      tpu.vector_store %arg8[%swap3A_121, %swap3A_122], %swap3A_125 {strides = array<i32>} : memref<120x128xf32, #tpu.memory_space<vmem>>, vector<1x16xf32>,
      %scan3A_126 = arith.constant 0 : i32
      scf.yield %scan3A_126 : i32
    }
    %scan3A_24 = arith.constant 120 : i32
    %mul3A_25 = arith.constant 632 : i32
    %mul3A_26 = arith.muli %arg1, %mul3A_25 : i32
    %add3A_27 = arith.constant 0 : i32
    %add3A_28 = arith.addi %mul3A_26, %add3A_27 : i32
    "tpu.region"() ({
      %run_scoped3A_85 = tpu.sem_alloc : memref<!tpu.dma_semaphore, #tpu.memory_space<semaphore_mem>>
      %dma_start3A_86 = arith.constant 0 : i32
      %dma_start3A_87 = tpu.memref_slice %arg11[%add3A_28, %dma_start3A_86] : memref<10112x128xf32, #tpu.memory_space<vmem_shared>> -> memref<120x128xf32, #tpu.memory_space<vmem_shared>>
      %dma_start3A_88 = arith.constant 0 : i32
      %dma_start3A_89 = tpu.memref_slice %arg11[%add3A_28, %dma_start3A_88] : memref<10112x128xf32, #tpu.memory_space<vmem_shared>> -> memref<120x128xf32, #tpu.memory_space<vmem_shared>>
      tpu.enqueue_dma source(%arg8 : memref<120x128xf32, #tpu.memory_space<vmem>>) target(%dma_start3A_89 : memref<120x128xf32, #tpu.memory_space<vmem_shared>>) target_semaphore(%run_scoped3A_85 : memref<!tpu.dma_semaphore, #tpu.memory_space<semaphore_mem>>)
      %dma_wait3A_90 = arith.constant 0 : i32
      %dma_wait3A_91 = tpu.memref_slice %arg11[%add3A_28, %dma_wait3A_90] : memref<10112x128xf32, #tpu.memory_space<vmem_shared>> -> memref<120x128xf32, #tpu.memory_space<vmem_shared>>
      %dma_wait3A_92 = arith.constant 0 : i32
      %dma_wait3A_93 = tpu.memref_slice %arg11[%add3A_28, %dma_wait3A_92] : memref<10112x128xf32, #tpu.memory_space<vmem_shared>> -> memref<120x128xf32, #tpu.memory_space<vmem_shared>>
      tpu.wait_dma2 semaphore(%run_scoped3A_85 : memref<!tpu.dma_semaphore, #tpu.memory_space<semaphore_mem>>) src(%arg8 : memref<120x128xf32, #tpu.memory_space<vmem>>) dst(%dma_wait3A_93 : memref<120x128xf32, #tpu.memory_space<vmem_shared>>)
      tpu.yield
    }) : () -> ()
    %add3A_29 = arith.constant 120 : i32
    %add3A_30 = arith.addi %mul3A_26, %add3A_29 : i32
    "tpu.region"() ({
      %run_scoped3A_85 = tpu.sem_alloc : memref<!tpu.dma_semaphore, #tpu.memory_space<semaphore_mem>>
      %dma_start3A_86 = arith.constant 0 : i32
      %dma_start3A_87 = tpu.memref_slice %arg11[%add3A_30, %dma_start3A_86] : memref<10112x128xf32, #tpu.memory_space<vmem_shared>> -> memref<120x128xf32, #tpu.memory_space<vmem_shared>>
      %dma_start3A_88 = arith.constant 0 : i32
      %dma_start3A_89 = tpu.memref_slice %arg11[%add3A_30, %dma_start3A_88] : memref<10112x128xf32, #tpu.memory_space<vmem_shared>> -> memref<120x128xf32, #tpu.memory_space<vmem_shared>>
      tpu.enqueue_dma source(%arg8 : memref<120x128xf32, #tpu.memory_space<vmem>>) target(%dma_start3A_89 : memref<120x128xf32, #tpu.memory_space<vmem_shared>>) target_semaphore(%run_scoped3A_85 : memref<!tpu.dma_semaphore, #tpu.memory_space<semaphore_mem>>)
      %dma_wait3A_90 = arith.constant 0 : i32
      %dma_wait3A_91 = tpu.memref_slice %arg11[%add3A_30, %dma_wait3A_90] : memref<10112x128xf32, #tpu.memory_space<vmem_shared>> -> memref<120x128xf32, #tpu.memory_space<vmem_shared>>
      %dma_wait3A_92 = arith.constant 0 : i32
      %dma_wait3A_93 = tpu.memref_slice %arg11[%add3A_30, %dma_wait3A_92] : memref<10112x128xf32, #tpu.memory_space<vmem_shared>> -> memref<120x128xf32, #tpu.memory_space<vmem_shared>>
      tpu.wait_dma2 semaphore(%run_scoped3A_85 : memref<!tpu.dma_semaphore, #tpu.memory_space<semaphore_mem>>) src(%arg8 : memref<120x128xf32, #tpu.memory_space<vmem>>) dst(%dma_wait3A_93 : memref<120x128xf32, #tpu.memory_space<vmem_shared>>)
      tpu.yield
    }) : () -> ()
    %add3A_31 = arith.constant 240 : i32
    %add3A_32 = arith.addi %mul3A_26, %add3A_31 : i32
    "tpu.region"() ({
      %run_scoped3A_85 = tpu.sem_alloc : memref<!tpu.dma_semaphore, #tpu.memory_space<semaphore_mem>>
      %dma_start3A_86 = arith.constant 0 : i32
      %dma_start3A_87 = tpu.memref_slice %arg11[%add3A_32, %dma_start3A_86] : memref<10112x128xf32, #tpu.memory_space<vmem_shared>> -> memref<120x128xf32, #tpu.memory_space<vmem_shared>>
      %dma_start3A_88 = arith.constant 0 : i32
      %dma_start3A_89 = tpu.memref_slice %arg11[%add3A_32, %dma_start3A_88] : memref<10112x128xf32, #tpu.memory_space<vmem_shared>> -> memref<120x128xf32, #tpu.memory_space<vmem_shared>>
      tpu.enqueue_dma source(%arg8 : memref<120x128xf32, #tpu.memory_space<vmem>>) target(%dma_start3A_89 : memref<120x128xf32, #tpu.memory_space<vmem_shared>>) target_semaphore(%run_scoped3A_85 : memref<!tpu.dma_semaphore, #tpu.memory_space<semaphore_mem>>)
      %dma_wait3A_90 = arith.constant 0 : i32
      %dma_wait3A_91 = tpu.memref_slice %arg11[%add3A_32, %dma_wait3A_90] : memref<10112x128xf32, #tpu.memory_space<vmem_shared>> -> memref<120x128xf32, #tpu.memory_space<vmem_shared>>
      %dma_wait3A_92 = arith.constant 0 : i32
      %dma_wait3A_93 = tpu.memref_slice %arg11[%add3A_32, %dma_wait3A_92] : memref<10112x128xf32, #tpu.memory_space<vmem_shared>> -> memref<120x128xf32, #tpu.memory_space<vmem_shared>>
      tpu.wait_dma2 semaphore(%run_scoped3A_85 : memref<!tpu.dma_semaphore, #tpu.memory_space<semaphore_mem>>) src(%arg8 : memref<120x128xf32, #tpu.memory_space<vmem>>) dst(%dma_wait3A_93 : memref<120x128xf32, #tpu.memory_space<vmem_shared>>)
      tpu.yield
    }) : () -> ()
    %add3A_33 = arith.constant 360 : i32
    %add3A_34 = arith.addi %mul3A_26, %add3A_33 : i32
    "tpu.region"() ({
      %run_scoped3A_85 = tpu.sem_alloc : memref<!tpu.dma_semaphore, #tpu.memory_space<semaphore_mem>>
      %dma_start3A_86 = arith.constant 0 : i32
      %dma_start3A_87 = tpu.memref_slice %arg11[%add3A_34, %dma_start3A_86] : memref<10112x128xf32, #tpu.memory_space<vmem_shared>> -> memref<120x128xf32, #tpu.memory_space<vmem_shared>>
      %dma_start3A_88 = arith.constant 0 : i32
      %dma_start3A_89 = tpu.memref_slice %arg11[%add3A_34, %dma_start3A_88] : memref<10112x128xf32, #tpu.memory_space<vmem_shared>> -> memref<120x128xf32, #tpu.memory_space<vmem_shared>>
      tpu.enqueue_dma source(%arg8 : memref<120x128xf32, #tpu.memory_space<vmem>>) target(%dma_start3A_89 : memref<120x128xf32, #tpu.memory_space<vmem_shared>>) target_semaphore(%run_scoped3A_85 : memref<!tpu.dma_semaphore, #tpu.memory_space<semaphore_mem>>)
      %dma_wait3A_90 = arith.constant 0 : i32
      %dma_wait3A_91 = tpu.memref_slice %arg11[%add3A_34, %dma_wait3A_90] : memref<10112x128xf32, #tpu.memory_space<vmem_shared>> -> memref<120x128xf32, #tpu.memory_space<vmem_shared>>
      %dma_wait3A_92 = arith.constant 0 : i32
      %dma_wait3A_93 = tpu.memref_slice %arg11[%add3A_34, %dma_wait3A_92] : memref<10112x128xf32, #tpu.memory_space<vmem_shared>> -> memref<120x128xf32, #tpu.memory_space<vmem_shared>>
      tpu.wait_dma2 semaphore(%run_scoped3A_85 : memref<!tpu.dma_semaphore, #tpu.memory_space<semaphore_mem>>) src(%arg8 : memref<120x128xf32, #tpu.memory_space<vmem>>) dst(%dma_wait3A_93 : memref<120x128xf32, #tpu.memory_space<vmem_shared>>)
      tpu.yield
    }) : () -> ()
    %add3A_35 = arith.constant 480 : i32
    %add3A_36 = arith.addi %mul3A_26, %add3A_35 : i32
    "tpu.region"() ({
      %run_scoped3A_85 = tpu.sem_alloc : memref<!tpu.dma_semaphore, #tpu.memory_space<semaphore_mem>>
      %dma_start3A_86 = arith.constant 0 : i32
      %dma_start3A_87 = tpu.memref_slice %arg11[%add3A_36, %dma_start3A_86] : memref<10112x128xf32, #tpu.memory_space<vmem_shared>> -> memref<120x128xf32, #tpu.memory_space<vmem_shared>>
      %dma_start3A_88 = arith.constant 0 : i32
      %dma_start3A_89 = tpu.memref_slice %arg11[%add3A_36, %dma_start3A_88] : memref<10112x128xf32, #tpu.memory_space<vmem_shared>> -> memref<120x128xf32, #tpu.memory_space<vmem_shared>>
      tpu.enqueue_dma source(%arg8 : memref<120x128xf32, #tpu.memory_space<vmem>>) target(%dma_start3A_89 : memref<120x128xf32, #tpu.memory_space<vmem_shared>>) target_semaphore(%run_scoped3A_85 : memref<!tpu.dma_semaphore, #tpu.memory_space<semaphore_mem>>)
      %dma_wait3A_90 = arith.constant 0 : i32
      %dma_wait3A_91 = tpu.memref_slice %arg11[%add3A_36, %dma_wait3A_90] : memref<10112x128xf32, #tpu.memory_space<vmem_shared>> -> memref<120x128xf32, #tpu.memory_space<vmem_shared>>
      %dma_wait3A_92 = arith.constant 0 : i32
      %dma_wait3A_93 = tpu.memref_slice %arg11[%add3A_36, %dma_wait3A_92] : memref<10112x128xf32, #tpu.memory_space<vmem_shared>> -> memref<120x128xf32, #tpu.memory_space<vmem_shared>>
      tpu.wait_dma2 semaphore(%run_scoped3A_85 : memref<!tpu.dma_semaphore, #tpu.memory_space<semaphore_mem>>) src(%arg8 : memref<120x128xf32, #tpu.memory_space<vmem>>) dst(%dma_wait3A_93 : memref<120x128xf32, #tpu.memory_space<vmem_shared>>)
      tpu.yield
    }) : () -> ()
    %add3A_37 = arith.constant 600 : i32
    %add3A_38 = arith.addi %mul3A_26, %add3A_37 : i32
    "tpu.region"() ({
      %run_scoped3A_85 = tpu.sem_alloc : memref<!tpu.dma_semaphore, #tpu.memory_space<semaphore_mem>>
      %dma_start3A_86 = arith.constant 0 : i32
      %dma_start3A_87 = arith.constant 0 : i32
      %dma_start3A_88 = tpu.memref_slice %arg8[%dma_start3A_86, %dma_start3A_87] : memref<120x128xf32, #tpu.memory_space<vmem>> -> memref<32x128xf32, #tpu.memory_space<vmem>>
      %dma_start3A_89 = arith.constant 0 : i32
      %dma_start3A_90 = tpu.memref_slice %arg11[%add3A_38, %dma_start3A_89] : memref<10112x128xf32, #tpu.memory_space<vmem_shared>> -> memref<32x128xf32, #tpu.memory_space<vmem_shared>>
      %dma_start3A_91 = arith.constant 0 : i32
      %dma_start3A_92 = tpu.memref_slice %arg11[%add3A_38, %dma_start3A_91] : memref<10112x128xf32, #tpu.memory_space<vmem_shared>> -> memref<32x128xf32, #tpu.memory_space<vmem_shared>>
      %dma_start3A_93 = arith.constant 0 : i32
      %dma_start3A_94 = arith.constant 0 : i32
      %dma_start3A_95 = tpu.memref_slice %arg8[%dma_start3A_93, %dma_start3A_94] : memref<120x128xf32, #tpu.memory_space<vmem>> -> memref<32x128xf32, #tpu.memory_space<vmem>>
      tpu.enqueue_dma source(%dma_start3A_95 : memref<32x128xf32, #tpu.memory_space<vmem>>) target(%dma_start3A_92 : memref<32x128xf32, #tpu.memory_space<vmem_shared>>) target_semaphore(%run_scoped3A_85 : memref<!tpu.dma_semaphore, #tpu.memory_space<semaphore_mem>>)
      %dma_wait3A_96 = arith.constant 0 : i32
      %dma_wait3A_97 = arith.constant 0 : i32
      %dma_wait3A_98 = tpu.memref_slice %arg8[%dma_wait3A_96, %dma_wait3A_97] : memref<120x128xf32, #tpu.memory_space<vmem>> -> memref<32x128xf32, #tpu.memory_space<vmem>>
      %dma_wait3A_99 = arith.constant 0 : i32
      %dma_wait3A_100 = tpu.memref_slice %arg11[%add3A_38, %dma_wait3A_99] : memref<10112x128xf32, #tpu.memory_space<vmem_shared>> -> memref<32x128xf32, #tpu.memory_space<vmem_shared>>
      %dma_wait3A_101 = arith.constant 0 : i32
      %dma_wait3A_102 = tpu.memref_slice %arg11[%add3A_38, %dma_wait3A_101] : memref<10112x128xf32, #tpu.memory_space<vmem_shared>> -> memref<32x128xf32, #tpu.memory_space<vmem_shared>>
      %dma_wait3A_103 = arith.constant 0 : i32
      %dma_wait3A_104 = arith.constant 0 : i32
      %dma_wait3A_105 = tpu.memref_slice %arg8[%dma_wait3A_103, %dma_wait3A_104] : memref<120x128xf32, #tpu.memory_space<vmem>> -> memref<32x128xf32, #tpu.memory_space<vmem>>
      tpu.wait_dma2 semaphore(%run_scoped3A_85 : memref<!tpu.dma_semaphore, #tpu.memory_space<semaphore_mem>>) src(%dma_wait3A_105 : memref<32x128xf32, #tpu.memory_space<vmem>>) dst(%dma_wait3A_102 : memref<32x128xf32, #tpu.memory_space<vmem_shared>>)
      tpu.yield
    }) : () -> ()
    %dma_start3A_39 = arith.constant 0 : i32
    %dma_start3A_40 = arith.constant 0 : i32
    %dma_start3A_41 = tpu.memref_slice %arg5[%dma_start3A_39, %dma_start3A_40] : memref<2x120xi32, #tpu.memory_space<vmem>> -> memref<1x120xi32, #tpu.memory_space<vmem>>
    %dma_start3A_42 = tpu.memref_squeeze %dma_start3A_41 : memref<1x120xi32, #tpu.memory_space<vmem>> -> memref<120xi32, #tpu.memory_space<vmem>>
    %dma_start3A_43 = arith.constant 0 : i32
    %dma_start3A_44 = arith.constant 0 : i32
    %dma_start3A_45 = tpu.memref_slice %arg2[%dma_start3A_43, %dma_start3A_44] : memref<10000x128xf32, #tpu.memory_space<hbm>> -> memref<10000x128xf32, #tpu.memory_space<hbm>>
    tpu.enqueue_indirect_dma source(%dma_start3A_45 : memref<10000x128xf32, #tpu.memory_space<hbm>>) target(%arg8 : memref<120x128xf32, #tpu.memory_space<vmem>>) offsets(%dma_start3A_42 : memref<120xi32, #tpu.memory_space<vmem>>) semaphore(%arg15 : memref<!tpu.dma_semaphore, #tpu.memory_space<semaphore_mem>>)
    %dma_wait3A = arith.constant 1 : i32
    %dma_wait3A_46 = arith.constant 0 : i32
    %dma_wait3A_47 = arith.constant 0 : i32
    %dma_wait3A_48 = tpu.memref_slice %arg3[%add3A, %dma_wait3A, %dma_wait3A_46, %dma_wait3A_47] : memref<32x86x2x120xi32, #tpu.memory_space<hbm>> -> memref<1x1x2x120xi32, #tpu.memory_space<hbm>>
    %dma_wait3A_49 = tpu.memref_squeeze %dma_wait3A_48 : memref<1x1x2x120xi32, #tpu.memory_space<hbm>> -> memref<2x120xi32, #tpu.memory_space<hbm>>
    %dma_wait3A_50 = arith.constant 0 : i32
    %dma_wait3A_51 = arith.constant 0 : i32
    %dma_wait3A_52 = tpu.memref_slice %arg3[%add3A, %dma_wait3A, %dma_wait3A_50, %dma_wait3A_51] : memref<32x86x2x120xi32, #tpu.memory_space<hbm>> -> memref<1x1x2x120xi32, #tpu.memory_space<hbm>>
    %dma_wait3A_53 = tpu.memref_squeeze %dma_wait3A_52 : memref<1x1x2x120xi32, #tpu.memory_space<hbm>> -> memref<2x120xi32, #tpu.memory_space<hbm>>
    tpu.wait_dma2 semaphore(%arg13 : memref<!tpu.dma_semaphore, #tpu.memory_space<semaphore_mem>>) src(%dma_wait3A_53 : memref<2x120xi32, #tpu.memory_space<hbm>>) dst(%arg6 : memref<2x120xi32, #tpu.memory_space<vmem>>)
    %dma_start3A_54 = arith.constant 0 : i32
    %dma_start3A_55 = arith.constant 0 : i32
    %dma_start3A_56 = tpu.memref_slice %arg6[%dma_start3A_54, %dma_start3A_55] : memref<2x120xi32, #tpu.memory_space<vmem>> -> memref<1x120xi32, #tpu.memory_space<vmem>>
    %dma_start3A_57 = tpu.memref_squeeze %dma_start3A_56 : memref<1x120xi32, #tpu.memory_space<vmem>> -> memref<120xi32, #tpu.memory_space<vmem>>
    %dma_start3A_58 = arith.constant 0 : i32
    %dma_start3A_59 = arith.constant 0 : i32
    %dma_start3A_60 = tpu.memref_slice %arg2[%dma_start3A_58, %dma_start3A_59] : memref<10000x128xf32, #tpu.memory_space<hbm>> -> memref<10000x128xf32, #tpu.memory_space<hbm>>
    tpu.enqueue_indirect_dma source(%dma_start3A_60 : memref<10000x128xf32, #tpu.memory_space<hbm>>) target(%arg9 : memref<120x128xf32, #tpu.memory_space<vmem>>) offsets(%dma_start3A_57 : memref<120xi32, #tpu.memory_space<vmem>>) semaphore(%arg16 : memref<!tpu.dma_semaphore, #tpu.memory_space<semaphore_mem>>)
    %barrier3A = arith.constant 0 : index
    tpu.barrier barrier_id(%barrier3A)
    %scan3A_61 = arith.constant 0 : i32
    %scan3A_62 = arith.constant 0 : i32
    %scan3A_63 = arith.constant 28 : i32
    %scan3A_64 = arith.addi %scan3A_62, %scan3A_63 : i32
    %scan3A_65 = arith.constant 1 : i32
    %scan3A_66 = scf.for %scan3A_85 = %scan3A_62 to %scan3A_64 step %scan3A_65 iter_args(%scan3A_86 = %scan3A_61) -> (i32)  : i32 {
      %mul3A_87 = arith.constant 3 : i32
      %mul3A_88 = arith.muli %scan3A_85, %mul3A_87 : i32
      %add3A_89 = arith.constant 0 : i32
      %add3A_90 = arith.addi %mul3A_88, %add3A_89 : i32
      %dma_wait3A_91 = arith.constant 0 : i32
      %dma_wait3A_92 = arith.constant 0 : i32
      %dma_wait3A_93 = tpu.memref_slice %arg5[%dma_wait3A_91, %dma_wait3A_92] : memref<2x120xi32, #tpu.memory_space<vmem>> -> memref<1x120xi32, #tpu.memory_space<vmem>>
      %dma_wait3A_94 = tpu.memref_squeeze %dma_wait3A_93 : memref<1x120xi32, #tpu.memory_space<vmem>> -> memref<120xi32, #tpu.memory_space<vmem>>
      %dma_wait3A_95 = arith.constant 0 : i32
      %dma_wait3A_96 = arith.constant 0 : i32
      %dma_wait3A_97 = tpu.memref_slice %arg2[%dma_wait3A_95, %dma_wait3A_96] : memref<10000x128xf32, #tpu.memory_space<hbm>> -> memref<10000x128xf32, #tpu.memory_space<hbm>>
      tpu.wait_indirect_dma semaphore(%arg15 : memref<!tpu.dma_semaphore, #tpu.memory_space<semaphore_mem>>) src(%dma_wait3A_97 : memref<10000x128xf32, #tpu.memory_space<hbm>>) dst(%arg8 : memref<120x128xf32, #tpu.memory_space<vmem>>)
      %run_scoped3A_98 = arith.constant 1 : i32
      "tpu.region"() ({
        %run_scoped3A_189 = tpu.sem_alloc : memref<!tpu.dma_semaphore, #tpu.memory_space<semaphore_mem>>
        %dma_start3A_190 = arith.constant 0 : i32
        %dma_start3A_191 = tpu.memref_slice %arg5[%run_scoped3A_98, %dma_start3A_190] : memref<2x120xi32, #tpu.memory_space<vmem>> -> memref<1x120xi32, #tpu.memory_space<vmem>>
        %dma_start3A_192 = tpu.memref_squeeze %dma_start3A_191 : memref<1x120xi32, #tpu.memory_space<vmem>> -> memref<120xi32, #tpu.memory_space<vmem>>
        %dma_start3A_193 = arith.constant 0 : i32
        %dma_start3A_194 = arith.constant 0 : i32
        %dma_start3A_195 = tpu.memref_slice %arg11[%dma_start3A_193, %dma_start3A_194] : memref<10112x128xf32, #tpu.memory_space<vmem_shared>> -> memref<10112x128xf32, #tpu.memory_space<vmem_shared>>
        tpu.enqueue_indirect_dma source(%arg8 : memref<120x128xf32, #tpu.memory_space<vmem>>) target(%dma_start3A_195 : memref<10112x128xf32, #tpu.memory_space<vmem_shared>>) offsets(%dma_start3A_192 : memref<120xi32, #tpu.memory_space<vmem>>) semaphore(%run_scoped3A_189 : memref<!tpu.dma_semaphore, #tpu.memory_space<semaphore_mem>>) {add = true}
        %dma_wait3A_196 = arith.constant 0 : i32
        %dma_wait3A_197 = tpu.memref_slice %arg5[%run_scoped3A_98, %dma_wait3A_196] : memref<2x120xi32, #tpu.memory_space<vmem>> -> memref<1x120xi32, #tpu.memory_space<vmem>>
        %dma_wait3A_198 = tpu.memref_squeeze %dma_wait3A_197 : memref<1x120xi32, #tpu.memory_space<vmem>> -> memref<120xi32, #tpu.memory_space<vmem>>
        %dma_wait3A_199 = arith.constant 0 : i32
        %dma_wait3A_200 = arith.constant 0 : i32
        %dma_wait3A_201 = tpu.memref_slice %arg11[%dma_wait3A_199, %dma_wait3A_200] : memref<10112x128xf32, #tpu.memory_space<vmem_shared>> -> memref<10112x128xf32, #tpu.memory_space<vmem_shared>>
        tpu.wait_indirect_dma semaphore(%run_scoped3A_189 : memref<!tpu.dma_semaphore, #tpu.memory_space<semaphore_mem>>) src(%arg8 : memref<120x128xf32, #tpu.memory_space<vmem>>) dst(%dma_wait3A_201 : memref<10112x128xf32, #tpu.memory_space<vmem_shared>>)
        tpu.yield
      }) : () -> ()
      %add3A_99 = arith.constant 2 : i32
      %add3A_100 = arith.addi %add3A_90, %add3A_99 : i32
      %dma_wait3A_101 = arith.constant 0 : i32
      %dma_wait3A_102 = arith.constant 0 : i32
      %dma_wait3A_103 = tpu.memref_slice %arg3[%add3A, %add3A_100, %dma_wait3A_101, %dma_wait3A_102] : memref<32x86x2x120xi32, #tpu.memory_space<hbm>> -> memref<1x1x2x120xi32, #tpu.memory_space<hbm>>
      %dma_wait3A_104 = tpu.memref_squeeze %dma_wait3A_103 : memref<1x1x2x120xi32, #tpu.memory_space<hbm>> -> memref<2x120xi32, #tpu.memory_space<hbm>>
      %dma_wait3A_105 = arith.constant 0 : i32
      %dma_wait3A_106 = arith.constant 0 : i32
      %dma_wait3A_107 = tpu.memref_slice %arg3[%add3A, %add3A_100, %dma_wait3A_105, %dma_wait3A_106] : memref<32x86x2x120xi32, #tpu.memory_space<hbm>> -> memref<1x1x2x120xi32, #tpu.memory_space<hbm>>
      %dma_wait3A_108 = tpu.memref_squeeze %dma_wait3A_107 : memref<1x1x2x120xi32, #tpu.memory_space<hbm>> -> memref<2x120xi32, #tpu.memory_space<hbm>>
      tpu.wait_dma2 semaphore(%arg14 : memref<!tpu.dma_semaphore, #tpu.memory_space<semaphore_mem>>) src(%dma_wait3A_108 : memref<2x120xi32, #tpu.memory_space<hbm>>) dst(%arg7 : memref<2x120xi32, #tpu.memory_space<vmem>>)
      %dma_start3A_109 = arith.constant 0 : i32
      %dma_start3A_110 = arith.constant 0 : i32
      %dma_start3A_111 = tpu.memref_slice %arg7[%dma_start3A_109, %dma_start3A_110] : memref<2x120xi32, #tpu.memory_space<vmem>> -> memref<1x120xi32, #tpu.memory_space<vmem>>
      %dma_start3A_112 = tpu.memref_squeeze %dma_start3A_111 : memref<1x120xi32, #tpu.memory_space<vmem>> -> memref<120xi32, #tpu.memory_space<vmem>>
      %dma_start3A_113 = arith.constant 0 : i32
      %dma_start3A_114 = arith.constant 0 : i32
      %dma_start3A_115 = tpu.memref_slice %arg2[%dma_start3A_113, %dma_start3A_114] : memref<10000x128xf32, #tpu.memory_space<hbm>> -> memref<10000x128xf32, #tpu.memory_space<hbm>>
      tpu.enqueue_indirect_dma source(%dma_start3A_115 : memref<10000x128xf32, #tpu.memory_space<hbm>>) target(%arg10 : memref<120x128xf32, #tpu.memory_space<vmem>>) offsets(%dma_start3A_112 : memref<120xi32, #tpu.memory_space<vmem>>) semaphore(%arg17 : memref<!tpu.dma_semaphore, #tpu.memory_space<semaphore_mem>>)
      %add3A_116 = arith.constant 3 : i32
      %add3A_117 = arith.addi %add3A_90, %add3A_116 : i32
      %lt3A = arith.constant 86 : i32
      %lt3A_118 = arith.cmpi slt, %add3A_117, %lt3A : i32
      %convert_element_type3A = arith.extui %lt3A_118 : i1 to i32
      %cond3A = arith.constant 0 : i32
      %cond3A_119 = arith.cmpi ne, %convert_element_type3A, %cond3A : i32
      scf.if %cond3A_119 {
        %add3A_189 = arith.constant 3 : i32
        %add3A_190 = arith.addi %add3A_90, %add3A_189 : i32
        %dma_start3A_191 = arith.constant 0 : i32
        %dma_start3A_192 = arith.constant 0 : i32
        %dma_start3A_193 = tpu.memref_slice %arg3[%add3A, %add3A_190, %dma_start3A_191, %dma_start3A_192] : memref<32x86x2x120xi32, #tpu.memory_space<hbm>> -> memref<1x1x2x120xi32, #tpu.memory_space<hbm>>
        %dma_start3A_194 = tpu.memref_squeeze %dma_start3A_193 : memref<1x1x2x120xi32, #tpu.memory_space<hbm>> -> memref<2x120xi32, #tpu.memory_space<hbm>>
        %dma_start3A_195 = arith.constant 0 : i32
        %dma_start3A_196 = arith.constant 0 : i32
        %dma_start3A_197 = tpu.memref_slice %arg3[%add3A, %add3A_190, %dma_start3A_195, %dma_start3A_196] : memref<32x86x2x120xi32, #tpu.memory_space<hbm>> -> memref<1x1x2x120xi32, #tpu.memory_space<hbm>>
        %dma_start3A_198 = tpu.memref_squeeze %dma_start3A_197 : memref<1x1x2x120xi32, #tpu.memory_space<hbm>> -> memref<2x120xi32, #tpu.memory_space<hbm>>
        tpu.enqueue_dma source(%dma_start3A_198 : memref<2x120xi32, #tpu.memory_space<hbm>>) target(%arg5 : memref<2x120xi32, #tpu.memory_space<vmem>>) target_semaphore(%arg12 : memref<!tpu.dma_semaphore, #tpu.memory_space<semaphore_mem>>)
      } else {
      }
      %add3A_120 = arith.constant 1 : i32
      %add3A_121 = arith.addi %mul3A_88, %add3A_120 : i32
      %dma_wait3A_122 = arith.constant 0 : i32
      %dma_wait3A_123 = arith.constant 0 : i32
      %dma_wait3A_124 = tpu.memref_slice %arg6[%dma_wait3A_122, %dma_wait3A_123] : memref<2x120xi32, #tpu.memory_space<vmem>> -> memref<1x120xi32, #tpu.memory_space<vmem>>
      %dma_wait3A_125 = tpu.memref_squeeze %dma_wait3A_124 : memref<1x120xi32, #tpu.memory_space<vmem>> -> memref<120xi32, #tpu.memory_space<vmem>>
      %dma_wait3A_126 = arith.constant 0 : i32
      %dma_wait3A_127 = arith.constant 0 : i32
      %dma_wait3A_128 = tpu.memref_slice %arg2[%dma_wait3A_126, %dma_wait3A_127] : memref<10000x128xf32, #tpu.memory_space<hbm>> -> memref<10000x128xf32, #tpu.memory_space<hbm>>
      tpu.wait_indirect_dma semaphore(%arg16 : memref<!tpu.dma_semaphore, #tpu.memory_space<semaphore_mem>>) src(%dma_wait3A_128 : memref<10000x128xf32, #tpu.memory_space<hbm>>) dst(%arg9 : memref<120x128xf32, #tpu.memory_space<vmem>>)
      %run_scoped3A_129 = arith.constant 1 : i32
      "tpu.region"() ({
        %run_scoped3A_189 = tpu.sem_alloc : memref<!tpu.dma_semaphore, #tpu.memory_space<semaphore_mem>>
        %dma_start3A_190 = arith.constant 0 : i32
        %dma_start3A_191 = tpu.memref_slice %arg6[%run_scoped3A_129, %dma_start3A_190] : memref<2x120xi32, #tpu.memory_space<vmem>> -> memref<1x120xi32, #tpu.memory_space<vmem>>
        %dma_start3A_192 = tpu.memref_squeeze %dma_start3A_191 : memref<1x120xi32, #tpu.memory_space<vmem>> -> memref<120xi32, #tpu.memory_space<vmem>>
        %dma_start3A_193 = arith.constant 0 : i32
        %dma_start3A_194 = arith.constant 0 : i32
        %dma_start3A_195 = tpu.memref_slice %arg11[%dma_start3A_193, %dma_start3A_194] : memref<10112x128xf32, #tpu.memory_space<vmem_shared>> -> memref<10112x128xf32, #tpu.memory_space<vmem_shared>>
        tpu.enqueue_indirect_dma source(%arg9 : memref<120x128xf32, #tpu.memory_space<vmem>>) target(%dma_start3A_195 : memref<10112x128xf32, #tpu.memory_space<vmem_shared>>) offsets(%dma_start3A_192 : memref<120xi32, #tpu.memory_space<vmem>>) semaphore(%run_scoped3A_189 : memref<!tpu.dma_semaphore, #tpu.memory_space<semaphore_mem>>) {add = true}
        %dma_wait3A_196 = arith.constant 0 : i32
        %dma_wait3A_197 = tpu.memref_slice %arg6[%run_scoped3A_129, %dma_wait3A_196] : memref<2x120xi32, #tpu.memory_space<vmem>> -> memref<1x120xi32, #tpu.memory_space<vmem>>
        %dma_wait3A_198 = tpu.memref_squeeze %dma_wait3A_197 : memref<1x120xi32, #tpu.memory_space<vmem>> -> memref<120xi32, #tpu.memory_space<vmem>>
        %dma_wait3A_199 = arith.constant 0 : i32
        %dma_wait3A_200 = arith.constant 0 : i32
        %dma_wait3A_201 = tpu.memref_slice %arg11[%dma_wait3A_199, %dma_wait3A_200] : memref<10112x128xf32, #tpu.memory_space<vmem_shared>> -> memref<10112x128xf32, #tpu.memory_space<vmem_shared>>
        tpu.wait_indirect_dma semaphore(%run_scoped3A_189 : memref<!tpu.dma_semaphore, #tpu.memory_space<semaphore_mem>>) src(%arg9 : memref<120x128xf32, #tpu.memory_space<vmem>>) dst(%dma_wait3A_201 : memref<10112x128xf32, #tpu.memory_space<vmem_shared>>)
        tpu.yield
      }) : () -> ()
      %add3A_130 = arith.constant 2 : i32
      %add3A_131 = arith.addi %add3A_121, %add3A_130 : i32
      %dma_wait3A_132 = arith.constant 0 : i32
      %dma_wait3A_133 = arith.constant 0 : i32
      %dma_wait3A_134 = tpu.memref_slice %arg3[%add3A, %add3A_131, %dma_wait3A_132, %dma_wait3A_133] : memref<32x86x2x120xi32, #tpu.memory_space<hbm>> -> memref<1x1x2x120xi32, #tpu.memory_space<hbm>>
      %dma_wait3A_135 = tpu.memref_squeeze %dma_wait3A_134 : memref<1x1x2x120xi32, #tpu.memory_space<hbm>> -> memref<2x120xi32, #tpu.memory_space<hbm>>
      %dma_wait3A_136 = arith.constant 0 : i32
      %dma_wait3A_137 = arith.constant 0 : i32
      %dma_wait3A_138 = tpu.memref_slice %arg3[%add3A, %add3A_131, %dma_wait3A_136, %dma_wait3A_137] : memref<32x86x2x120xi32, #tpu.memory_space<hbm>> -> memref<1x1x2x120xi32, #tpu.memory_space<hbm>>
      %dma_wait3A_139 = tpu.memref_squeeze %dma_wait3A_138 : memref<1x1x2x120xi32, #tpu.memory_space<hbm>> -> memref<2x120xi32, #tpu.memory_space<hbm>>
      tpu.wait_dma2 semaphore(%arg12 : memref<!tpu.dma_semaphore, #tpu.memory_space<semaphore_mem>>) src(%dma_wait3A_139 : memref<2x120xi32, #tpu.memory_space<hbm>>) dst(%arg5 : memref<2x120xi32, #tpu.memory_space<vmem>>)
      %dma_start3A_140 = arith.constant 0 : i32
      %dma_start3A_141 = arith.constant 0 : i32
      %dma_start3A_142 = tpu.memref_slice %arg5[%dma_start3A_140, %dma_start3A_141] : memref<2x120xi32, #tpu.memory_space<vmem>> -> memref<1x120xi32, #tpu.memory_space<vmem>>
      %dma_start3A_143 = tpu.memref_squeeze %dma_start3A_142 : memref<1x120xi32, #tpu.memory_space<vmem>> -> memref<120xi32, #tpu.memory_space<vmem>>
      %dma_start3A_144 = arith.constant 0 : i32
      %dma_start3A_145 = arith.constant 0 : i32
      %dma_start3A_146 = tpu.memref_slice %arg2[%dma_start3A_144, %dma_start3A_145] : memref<10000x128xf32, #tpu.memory_space<hbm>> -> memref<10000x128xf32, #tpu.memory_space<hbm>>
      tpu.enqueue_indirect_dma source(%dma_start3A_146 : memref<10000x128xf32, #tpu.memory_space<hbm>>) target(%arg8 : memref<120x128xf32, #tpu.memory_space<vmem>>) offsets(%dma_start3A_143 : memref<120xi32, #tpu.memory_space<vmem>>) semaphore(%arg15 : memref<!tpu.dma_semaphore, #tpu.memory_space<semaphore_mem>>)
      %add3A_147 = arith.constant 3 : i32
      %add3A_148 = arith.addi %add3A_121, %add3A_147 : i32
      %lt3A_149 = arith.constant 86 : i32
      %lt3A_150 = arith.cmpi slt, %add3A_148, %lt3A_149 : i32
      %convert_element_type3A_151 = arith.extui %lt3A_150 : i1 to i32
      %cond3A_152 = arith.constant 0 : i32
      %cond3A_153 = arith.cmpi ne, %convert_element_type3A_151, %cond3A_152 : i32
      scf.if %cond3A_153 {
        %add3A_189 = arith.constant 3 : i32
        %add3A_190 = arith.addi %add3A_121, %add3A_189 : i32
        %dma_start3A_191 = arith.constant 0 : i32
        %dma_start3A_192 = arith.constant 0 : i32
        %dma_start3A_193 = tpu.memref_slice %arg3[%add3A, %add3A_190, %dma_start3A_191, %dma_start3A_192] : memref<32x86x2x120xi32, #tpu.memory_space<hbm>> -> memref<1x1x2x120xi32, #tpu.memory_space<hbm>>
        %dma_start3A_194 = tpu.memref_squeeze %dma_start3A_193 : memref<1x1x2x120xi32, #tpu.memory_space<hbm>> -> memref<2x120xi32, #tpu.memory_space<hbm>>
        %dma_start3A_195 = arith.constant 0 : i32
        %dma_start3A_196 = arith.constant 0 : i32
        %dma_start3A_197 = tpu.memref_slice %arg3[%add3A, %add3A_190, %dma_start3A_195, %dma_start3A_196] : memref<32x86x2x120xi32, #tpu.memory_space<hbm>> -> memref<1x1x2x120xi32, #tpu.memory_space<hbm>>
        %dma_start3A_198 = tpu.memref_squeeze %dma_start3A_197 : memref<1x1x2x120xi32, #tpu.memory_space<hbm>> -> memref<2x120xi32, #tpu.memory_space<hbm>>
        tpu.enqueue_dma source(%dma_start3A_198 : memref<2x120xi32, #tpu.memory_space<hbm>>) target(%arg6 : memref<2x120xi32, #tpu.memory_space<vmem>>) target_semaphore(%arg13 : memref<!tpu.dma_semaphore, #tpu.memory_space<semaphore_mem>>)
      } else {
      }
      %add3A_154 = arith.constant 2 : i32
      %add3A_155 = arith.addi %mul3A_88, %add3A_154 : i32
      %dma_wait3A_156 = arith.constant 0 : i32
      %dma_wait3A_157 = arith.constant 0 : i32
      %dma_wait3A_158 = tpu.memref_slice %arg7[%dma_wait3A_156, %dma_wait3A_157] : memref<2x120xi32, #tpu.memory_space<vmem>> -> memref<1x120xi32, #tpu.memory_space<vmem>>
      %dma_wait3A_159 = tpu.memref_squeeze %dma_wait3A_158 : memref<1x120xi32, #tpu.memory_space<vmem>> -> memref<120xi32, #tpu.memory_space<vmem>>
      %dma_wait3A_160 = arith.constant 0 : i32
      %dma_wait3A_161 = arith.constant 0 : i32
      %dma_wait3A_162 = tpu.memref_slice %arg2[%dma_wait3A_160, %dma_wait3A_161] : memref<10000x128xf32, #tpu.memory_space<hbm>> -> memref<10000x128xf32, #tpu.memory_space<hbm>>
      tpu.wait_indirect_dma semaphore(%arg17 : memref<!tpu.dma_semaphore, #tpu.memory_space<semaphore_mem>>) src(%dma_wait3A_162 : memref<10000x128xf32, #tpu.memory_space<hbm>>) dst(%arg10 : memref<120x128xf32, #tpu.memory_space<vmem>>)
      %run_scoped3A_163 = arith.constant 1 : i32
      "tpu.region"() ({
        %run_scoped3A_189 = tpu.sem_alloc : memref<!tpu.dma_semaphore, #tpu.memory_space<semaphore_mem>>
        %dma_start3A_190 = arith.constant 0 : i32
        %dma_start3A_191 = tpu.memref_slice %arg7[%run_scoped3A_163, %dma_start3A_190] : memref<2x120xi32, #tpu.memory_space<vmem>> -> memref<1x120xi32, #tpu.memory_space<vmem>>
        %dma_start3A_192 = tpu.memref_squeeze %dma_start3A_191 : memref<1x120xi32, #tpu.memory_space<vmem>> -> memref<120xi32, #tpu.memory_space<vmem>>
        %dma_start3A_193 = arith.constant 0 : i32
        %dma_start3A_194 = arith.constant 0 : i32
        %dma_start3A_195 = tpu.memref_slice %arg11[%dma_start3A_193, %dma_start3A_194] : memref<10112x128xf32, #tpu.memory_space<vmem_shared>> -> memref<10112x128xf32, #tpu.memory_space<vmem_shared>>
        tpu.enqueue_indirect_dma source(%arg10 : memref<120x128xf32, #tpu.memory_space<vmem>>) target(%dma_start3A_195 : memref<10112x128xf32, #tpu.memory_space<vmem_shared>>) offsets(%dma_start3A_192 : memref<120xi32, #tpu.memory_space<vmem>>) semaphore(%run_scoped3A_189 : memref<!tpu.dma_semaphore, #tpu.memory_space<semaphore_mem>>) {add = true}
        %dma_wait3A_196 = arith.constant 0 : i32
        %dma_wait3A_197 = tpu.memref_slice %arg7[%run_scoped3A_163, %dma_wait3A_196] : memref<2x120xi32, #tpu.memory_space<vmem>> -> memref<1x120xi32, #tpu.memory_space<vmem>>
        %dma_wait3A_198 = tpu.memref_squeeze %dma_wait3A_197 : memref<1x120xi32, #tpu.memory_space<vmem>> -> memref<120xi32, #tpu.memory_space<vmem>>
        %dma_wait3A_199 = arith.constant 0 : i32
        %dma_wait3A_200 = arith.constant 0 : i32
        %dma_wait3A_201 = tpu.memref_slice %arg11[%dma_wait3A_199, %dma_wait3A_200] : memref<10112x128xf32, #tpu.memory_space<vmem_shared>> -> memref<10112x128xf32, #tpu.memory_space<vmem_shared>>
        tpu.wait_indirect_dma semaphore(%run_scoped3A_189 : memref<!tpu.dma_semaphore, #tpu.memory_space<semaphore_mem>>) src(%arg10 : memref<120x128xf32, #tpu.memory_space<vmem>>) dst(%dma_wait3A_201 : memref<10112x128xf32, #tpu.memory_space<vmem_shared>>)
        tpu.yield
      }) : () -> ()
      %add3A_164 = arith.constant 2 : i32
      %add3A_165 = arith.addi %add3A_155, %add3A_164 : i32
      %dma_wait3A_166 = arith.constant 0 : i32
      %dma_wait3A_167 = arith.constant 0 : i32
      %dma_wait3A_168 = tpu.memref_slice %arg3[%add3A, %add3A_165, %dma_wait3A_166, %dma_wait3A_167] : memref<32x86x2x120xi32, #tpu.memory_space<hbm>> -> memref<1x1x2x120xi32, #tpu.memory_space<hbm>>
      %dma_wait3A_169 = tpu.memref_squeeze %dma_wait3A_168 : memref<1x1x2x120xi32, #tpu.memory_space<hbm>> -> memref<2x120xi32, #tpu.memory_space<hbm>>
      %dma_wait3A_170 = arith.constant 0 : i32
      %dma_wait3A_171 = arith.constant 0 : i32
      %dma_wait3A_172 = tpu.memref_slice %arg3[%add3A, %add3A_165, %dma_wait3A_170, %dma_wait3A_171] : memref<32x86x2x120xi32, #tpu.memory_space<hbm>> -> memref<1x1x2x120xi32, #tpu.memory_space<hbm>>
      %dma_wait3A_173 = tpu.memref_squeeze %dma_wait3A_172 : memref<1x1x2x120xi32, #tpu.memory_space<hbm>> -> memref<2x120xi32, #tpu.memory_space<hbm>>
      tpu.wait_dma2 semaphore(%arg13 : memref<!tpu.dma_semaphore, #tpu.memory_space<semaphore_mem>>) src(%dma_wait3A_173 : memref<2x120xi32, #tpu.memory_space<hbm>>) dst(%arg6 : memref<2x120xi32, #tpu.memory_space<vmem>>)
      %dma_start3A_174 = arith.constant 0 : i32
      %dma_start3A_175 = arith.constant 0 : i32
      %dma_start3A_176 = tpu.memref_slice %arg6[%dma_start3A_174, %dma_start3A_175] : memref<2x120xi32, #tpu.memory_space<vmem>> -> memref<1x120xi32, #tpu.memory_space<vmem>>
      %dma_start3A_177 = tpu.memref_squeeze %dma_start3A_176 : memref<1x120xi32, #tpu.memory_space<vmem>> -> memref<120xi32, #tpu.memory_space<vmem>>
      %dma_start3A_178 = arith.constant 0 : i32
      %dma_start3A_179 = arith.constant 0 : i32
      %dma_start3A_180 = tpu.memref_slice %arg2[%dma_start3A_178, %dma_start3A_179] : memref<10000x128xf32, #tpu.memory_space<hbm>> -> memref<10000x128xf32, #tpu.memory_space<hbm>>
      tpu.enqueue_indirect_dma source(%dma_start3A_180 : memref<10000x128xf32, #tpu.memory_space<hbm>>) target(%arg9 : memref<120x128xf32, #tpu.memory_space<vmem>>) offsets(%dma_start3A_177 : memref<120xi32, #tpu.memory_space<vmem>>) semaphore(%arg16 : memref<!tpu.dma_semaphore, #tpu.memory_space<semaphore_mem>>)
      %add3A_181 = arith.constant 3 : i32
      %add3A_182 = arith.addi %add3A_155, %add3A_181 : i32
      %lt3A_183 = arith.constant 86 : i32
      %lt3A_184 = arith.cmpi slt, %add3A_182, %lt3A_183 : i32
      %convert_element_type3A_185 = arith.extui %lt3A_184 : i1 to i32
      %cond3A_186 = arith.constant 0 : i32
      %cond3A_187 = arith.cmpi ne, %convert_element_type3A_185, %cond3A_186 : i32
      scf.if %cond3A_187 {
        %add3A_189 = arith.constant 3 : i32
        %add3A_190 = arith.addi %add3A_155, %add3A_189 : i32
        %dma_start3A_191 = arith.constant 0 : i32
        %dma_start3A_192 = arith.constant 0 : i32
        %dma_start3A_193 = tpu.memref_slice %arg3[%add3A, %add3A_190, %dma_start3A_191, %dma_start3A_192] : memref<32x86x2x120xi32, #tpu.memory_space<hbm>> -> memref<1x1x2x120xi32, #tpu.memory_space<hbm>>
        %dma_start3A_194 = tpu.memref_squeeze %dma_start3A_193 : memref<1x1x2x120xi32, #tpu.memory_space<hbm>> -> memref<2x120xi32, #tpu.memory_space<hbm>>
        %dma_start3A_195 = arith.constant 0 : i32
        %dma_start3A_196 = arith.constant 0 : i32
        %dma_start3A_197 = tpu.memref_slice %arg3[%add3A, %add3A_190, %dma_start3A_195, %dma_start3A_196] : memref<32x86x2x120xi32, #tpu.memory_space<hbm>> -> memref<1x1x2x120xi32, #tpu.memory_space<hbm>>
        %dma_start3A_198 = tpu.memref_squeeze %dma_start3A_197 : memref<1x1x2x120xi32, #tpu.memory_space<hbm>> -> memref<2x120xi32, #tpu.memory_space<hbm>>
        tpu.enqueue_dma source(%dma_start3A_198 : memref<2x120xi32, #tpu.memory_space<hbm>>) target(%arg7 : memref<2x120xi32, #tpu.memory_space<vmem>>) target_semaphore(%arg14 : memref<!tpu.dma_semaphore, #tpu.memory_space<semaphore_mem>>)
      } else {
      }
      %scan3A_188 = arith.constant 0 : i32
      scf.yield %scan3A_188 : i32
    }
    %scan3A_67 = arith.constant 28 : i32
    %dma_wait3A_68 = arith.constant 0 : i32
    %dma_wait3A_69 = arith.constant 0 : i32
    %dma_wait3A_70 = tpu.memref_slice %arg5[%dma_wait3A_68, %dma_wait3A_69] : memref<2x120xi32, #tpu.memory_space<vmem>> -> memref<1x120xi32, #tpu.memory_space<vmem>>
    %dma_wait3A_71 = tpu.memref_squeeze %dma_wait3A_70 : memref<1x120xi32, #tpu.memory_space<vmem>> -> memref<120xi32, #tpu.memory_space<vmem>>
    %dma_wait3A_72 = arith.constant 0 : i32
    %dma_wait3A_73 = arith.constant 0 : i32
    %dma_wait3A_74 = tpu.memref_slice %arg2[%dma_wait3A_72, %dma_wait3A_73] : memref<10000x128xf32, #tpu.memory_space<hbm>> -> memref<10000x128xf32, #tpu.memory_space<hbm>>
    tpu.wait_indirect_dma semaphore(%arg15 : memref<!tpu.dma_semaphore, #tpu.memory_space<semaphore_mem>>) src(%dma_wait3A_74 : memref<10000x128xf32, #tpu.memory_space<hbm>>) dst(%arg8 : memref<120x128xf32, #tpu.memory_space<vmem>>)
    %run_scoped3A_75 = arith.constant 1 : i32
    "tpu.region"() ({
      %run_scoped3A_85 = tpu.sem_alloc : memref<!tpu.dma_semaphore, #tpu.memory_space<semaphore_mem>>
      %dma_start3A_86 = arith.constant 0 : i32
      %dma_start3A_87 = tpu.memref_slice %arg5[%run_scoped3A_75, %dma_start3A_86] : memref<2x120xi32, #tpu.memory_space<vmem>> -> memref<1x120xi32, #tpu.memory_space<vmem>>
      %dma_start3A_88 = tpu.memref_squeeze %dma_start3A_87 : memref<1x120xi32, #tpu.memory_space<vmem>> -> memref<120xi32, #tpu.memory_space<vmem>>
      %dma_start3A_89 = arith.constant 0 : i32
      %dma_start3A_90 = arith.constant 0 : i32
      %dma_start3A_91 = tpu.memref_slice %arg11[%dma_start3A_89, %dma_start3A_90] : memref<10112x128xf32, #tpu.memory_space<vmem_shared>> -> memref<10112x128xf32, #tpu.memory_space<vmem_shared>>
      tpu.enqueue_indirect_dma source(%arg8 : memref<120x128xf32, #tpu.memory_space<vmem>>) target(%dma_start3A_91 : memref<10112x128xf32, #tpu.memory_space<vmem_shared>>) offsets(%dma_start3A_88 : memref<120xi32, #tpu.memory_space<vmem>>) semaphore(%run_scoped3A_85 : memref<!tpu.dma_semaphore, #tpu.memory_space<semaphore_mem>>) {add = true}
      %dma_wait3A_92 = arith.constant 0 : i32
      %dma_wait3A_93 = tpu.memref_slice %arg5[%run_scoped3A_75, %dma_wait3A_92] : memref<2x120xi32, #tpu.memory_space<vmem>> -> memref<1x120xi32, #tpu.memory_space<vmem>>
      %dma_wait3A_94 = tpu.memref_squeeze %dma_wait3A_93 : memref<1x120xi32, #tpu.memory_space<vmem>> -> memref<120xi32, #tpu.memory_space<vmem>>
      %dma_wait3A_95 = arith.constant 0 : i32
      %dma_wait3A_96 = arith.constant 0 : i32
      %dma_wait3A_97 = tpu.memref_slice %arg11[%dma_wait3A_95, %dma_wait3A_96] : memref<10112x128xf32, #tpu.memory_space<vmem_shared>> -> memref<10112x128xf32, #tpu.memory_space<vmem_shared>>
      tpu.wait_indirect_dma semaphore(%run_scoped3A_85 : memref<!tpu.dma_semaphore, #tpu.memory_space<semaphore_mem>>) src(%arg8 : memref<120x128xf32, #tpu.memory_space<vmem>>) dst(%dma_wait3A_97 : memref<10112x128xf32, #tpu.memory_space<vmem_shared>>)
      tpu.yield
    }) : () -> ()
    %dma_wait3A_76 = arith.constant 0 : i32
    %dma_wait3A_77 = arith.constant 0 : i32
    %dma_wait3A_78 = tpu.memref_slice %arg6[%dma_wait3A_76, %dma_wait3A_77] : memref<2x120xi32, #tpu.memory_space<vmem>> -> memref<1x120xi32, #tpu.memory_space<vmem>>
    %dma_wait3A_79 = tpu.memref_squeeze %dma_wait3A_78 : memref<1x120xi32, #tpu.memory_space<vmem>> -> memref<120xi32, #tpu.memory_space<vmem>>
    %dma_wait3A_80 = arith.constant 0 : i32
    %dma_wait3A_81 = arith.constant 0 : i32
    %dma_wait3A_82 = tpu.memref_slice %arg2[%dma_wait3A_80, %dma_wait3A_81] : memref<10000x128xf32, #tpu.memory_space<hbm>> -> memref<10000x128xf32, #tpu.memory_space<hbm>>
    tpu.wait_indirect_dma semaphore(%arg16 : memref<!tpu.dma_semaphore, #tpu.memory_space<semaphore_mem>>) src(%dma_wait3A_82 : memref<10000x128xf32, #tpu.memory_space<hbm>>) dst(%arg9 : memref<120x128xf32, #tpu.memory_space<vmem>>)
    %run_scoped3A_83 = arith.constant 1 : i32
    "tpu.region"() ({
      %run_scoped3A_85 = tpu.sem_alloc : memref<!tpu.dma_semaphore, #tpu.memory_space<semaphore_mem>>
      %dma_start3A_86 = arith.constant 0 : i32
      %dma_start3A_87 = tpu.memref_slice %arg6[%run_scoped3A_83, %dma_start3A_86] : memref<2x120xi32, #tpu.memory_space<vmem>> -> memref<1x120xi32, #tpu.memory_space<vmem>>
      %dma_start3A_88 = tpu.memref_squeeze %dma_start3A_87 : memref<1x120xi32, #tpu.memory_space<vmem>> -> memref<120xi32, #tpu.memory_space<vmem>>
      %dma_start3A_89 = arith.constant 0 : i32
      %dma_start3A_90 = arith.constant 0 : i32
      %dma_start3A_91 = tpu.memref_slice %arg11[%dma_start3A_89, %dma_start3A_90] : memref<10112x128xf32, #tpu.memory_space<vmem_shared>> -> memref<10112x128xf32, #tpu.memory_space<vmem_shared>>
      tpu.enqueue_indirect_dma source(%arg9 : memref<120x128xf32, #tpu.memory_space<vmem>>) target(%dma_start3A_91 : memref<10112x128xf32, #tpu.memory_space<vmem_shared>>) offsets(%dma_start3A_88 : memref<120xi32, #tpu.memory_space<vmem>>) semaphore(%run_scoped3A_85 : memref<!tpu.dma_semaphore, #tpu.memory_space<semaphore_mem>>) {add = true}
      %dma_wait3A_92 = arith.constant 0 : i32
      %dma_wait3A_93 = tpu.memref_slice %arg6[%run_scoped3A_83, %dma_wait3A_92] : memref<2x120xi32, #tpu.memory_space<vmem>> -> memref<1x120xi32, #tpu.memory_space<vmem>>
      %dma_wait3A_94 = tpu.memref_squeeze %dma_wait3A_93 : memref<1x120xi32, #tpu.memory_space<vmem>> -> memref<120xi32, #tpu.memory_space<vmem>>
      %dma_wait3A_95 = arith.constant 0 : i32
      %dma_wait3A_96 = arith.constant 0 : i32
      %dma_wait3A_97 = tpu.memref_slice %arg11[%dma_wait3A_95, %dma_wait3A_96] : memref<10112x128xf32, #tpu.memory_space<vmem_shared>> -> memref<10112x128xf32, #tpu.memory_space<vmem_shared>>
      tpu.wait_indirect_dma semaphore(%run_scoped3A_85 : memref<!tpu.dma_semaphore, #tpu.memory_space<semaphore_mem>>) src(%arg9 : memref<120x128xf32, #tpu.memory_space<vmem>>) dst(%dma_wait3A_97 : memref<10112x128xf32, #tpu.memory_space<vmem_shared>>)
      tpu.yield
    }) : () -> ()
    %barrier3A_84 = arith.constant 0 : index
    tpu.barrier barrier_id(%barrier3A_84)
    "tpu.region"() ({
      %run_scoped3A_85 = tpu.sem_alloc : memref<!tpu.dma_semaphore, #tpu.memory_space<semaphore_mem>>
      %dma_start3A_86 = arith.constant 0 : i32
      %dma_start3A_87 = tpu.memref_slice %arg4[%arg0, %mul3A_26, %dma_start3A_86] : memref<2x10112x128xf32, #tpu.memory_space<hbm>> -> memref<1x632x128xf32, #tpu.memory_space<hbm>>
      %dma_start3A_88 = tpu.memref_squeeze %dma_start3A_87 : memref<1x632x128xf32, #tpu.memory_space<hbm>> -> memref<632x128xf32, #tpu.memory_space<hbm>>
      %dma_start3A_89 = arith.constant 0 : i32
      %dma_start3A_90 = tpu.memref_slice %arg11[%mul3A_26, %dma_start3A_89] : memref<10112x128xf32, #tpu.memory_space<vmem_shared>> -> memref<632x128xf32, #tpu.memory_space<vmem_shared>>
      tpu.enqueue_dma source(%dma_start3A_90 : memref<632x128xf32, #tpu.memory_space<vmem_shared>>) target(%dma_start3A_88 : memref<632x128xf32, #tpu.memory_space<hbm>>) target_semaphore(%run_scoped3A_85 : memref<!tpu.dma_semaphore, #tpu.memory_space<semaphore_mem>>)
      %dma_wait3A_91 = arith.constant 0 : i32
      %dma_wait3A_92 = tpu.memref_slice %arg4[%arg0, %mul3A_26, %dma_wait3A_91] : memref<2x10112x128xf32, #tpu.memory_space<hbm>> -> memref<1x632x128xf32, #tpu.memory_space<hbm>>
      %dma_wait3A_93 = tpu.memref_squeeze %dma_wait3A_92 : memref<1x632x128xf32, #tpu.memory_space<hbm>> -> memref<632x128xf32, #tpu.memory_space<hbm>>
      %dma_wait3A_94 = arith.constant 0 : i32
      %dma_wait3A_95 = tpu.memref_slice %arg11[%mul3A_26, %dma_wait3A_94] : memref<10112x128xf32, #tpu.memory_space<vmem_shared>> -> memref<632x128xf32, #tpu.memory_space<vmem_shared>>
      tpu.wait_dma2 semaphore(%run_scoped3A_85 : memref<!tpu.dma_semaphore, #tpu.memory_space<semaphore_mem>>) src(%dma_wait3A_95 : memref<632x128xf32, #tpu.memory_space<vmem_shared>>) dst(%dma_wait3A_93 : memref<632x128xf32, #tpu.memory_space<hbm>>)
      tpu.yield
    }) : () -> ()
    return
  }
}

module attributes {stable_mosaic.version = 14 : i64} {
  func.func @_tc_pre_body(%arg0: i32, %arg1: memref<1000x128xf32, #tpu.memory_space<vmem>>, %arg2: memref<128x128xf32, #tpu.memory_space<vmem>>, %arg3: memref<1x128xf32, #tpu.memory_space<vmem>>, %arg4: memref<1000x128xf32, #tpu.memory_space<vmem>>) attributes {dimension_semantics = [#tpu.dimension_semantics<arbitrary>], iteration_bounds = array<i64: 10>, scalar_prefetch = 0 : i64, scratch_operands = 0 : i64, tpu.core_type = #tpu.core_type<tc>, window_params = [{transform_indices = @transform_0, window_bounds = array<i64: 1000, 128>}, {pipeline_mode = #tpu.pipeline_mode<synchronous>, transform_indices = @transform_1, window_bounds = array<i64: 128, 128>}, {pipeline_mode = #tpu.pipeline_mode<synchronous>, transform_indices = @transform_2, window_bounds = array<i64: 1, 128>}, {transform_indices = @transform_3, window_bounds = array<i64: 1000, 128>}]} {
    %get3A = arith.constant 0 : index
    %get3A_0 = arith.constant 0 : index
    %get3A_1 = vector.load %arg1[%get3A, %get3A_0] : memref<1000x128xf32, #tpu.memory_space<vmem>>, vector<1000x128xf32>
    %get3A_2 = arith.constant 0 : index
    %get3A_3 = arith.constant 0 : index
    %get3A_4 = vector.load %arg2[%get3A_2, %get3A_3] : memref<128x128xf32, #tpu.memory_space<vmem>>, vector<128x128xf32>
    %dot_general3A = arith.constant dense<0.000000e+00> : vector<1000x128xf32>
    %dot_general3A_5 = tpu.matmul %get3A_1, %get3A_4, %dot_general3A {dimension_numbers = #tpu.dot_dimension_numbers<[1], [0], [0], [1], [0, 0, 1, 1], [], []>, precision = #tpu.contract_precision<fp32>, transpose_lhs_hint = false} : vector<1000x128xf32>, vector<128x128xf32>, vector<1000x128xf32> -> vector<1000x128xf32>
    %get3A_6 = arith.constant 0 : index
    %get3A_7 = arith.constant 0 : index
    %get3A_8 = vector.load %arg3[%get3A_6, %get3A_7] : memref<1x128xf32, #tpu.memory_space<vmem>>, vector<1x128xf32>
    %add3A = vector.broadcast %get3A_8 : vector<1x128xf32> to vector<1000x128xf32>
    %add3A_9 = arith.addf %dot_general3A_5, %add3A : vector<1000x128xf32>
    %swap3A = arith.constant 0 : index
    %swap3A_10 = arith.constant 0 : index
    %swap3A_11 = vector.load %arg4[%swap3A, %swap3A_10] : memref<1000x128xf32, #tpu.memory_space<vmem>>, vector<1000x128xf32>
    tpu.vector_store %arg4[%swap3A, %swap3A_10], %add3A_9 {strides = array<i32>} : memref<1000x128xf32, #tpu.memory_space<vmem>>, vector<1000x128xf32>,
    return
  }
  func.func @transform_0(%arg0: i32) -> (i32, i32) {
    %c0_i32 = arith.constant 0 : i32
    %c0_i32_0 = arith.constant 0 : i32
    return %arg0, %c0_i32 : i32, i32
  }
  func.func @transform_1(%arg0: i32) -> (i32, i32) {
    %c0_i32 = arith.constant 0 : i32
    %c0_i32_0 = arith.constant 0 : i32
    %c0_i32_1 = arith.constant 0 : i32
    return %c0_i32, %c0_i32_0 : i32, i32
  }
  func.func @transform_2(%arg0: i32) -> (i32, i32) {
    %c0_i32 = arith.constant 0 : i32
    %c0_i32_0 = arith.constant 0 : i32
    %c0_i32_1 = arith.constant 0 : i32
    return %c0_i32, %c0_i32_0 : i32, i32
  }
  func.func @transform_3(%arg0: i32) -> (i32, i32) {
    %c0_i32 = arith.constant 0 : i32
    %c0_i32_0 = arith.constant 0 : i32
    return %arg0, %c0_i32 : i32, i32
  }
}

module attributes {stable_mosaic.version = 14 : i64} {
  func.func @_tc1_body(%arg0: i32, %arg1: memref<1000x128xf32, #tpu.memory_space<vmem>>, %arg2: memref<1000x128xf32, #tpu.memory_space<vmem>>, %arg3: memref<1000x2xf32, #tpu.memory_space<vmem>>, %arg4: memref<1000x128xf32, #tpu.memory_space<vmem>>, %arg5: memref<128x128xf32, #tpu.memory_space<vmem>>, %arg6: memref<1000x128xf32, #tpu.memory_space<vmem>>) attributes {dimension_semantics = [#tpu.dimension_semantics<arbitrary>], iteration_bounds = array<i64: 10>, scalar_prefetch = 0 : i64, scratch_operands = 0 : i64, tpu.core_type = #tpu.core_type<tc>, window_params = [{transform_indices = @transform_0, window_bounds = array<i64: 1000, 128>}, {transform_indices = @transform_1, window_bounds = array<i64: 1000, 128>}, {transform_indices = @transform_2, window_bounds = array<i64: 1000, 2>}, {transform_indices = @transform_3, window_bounds = array<i64: 1000, 128>}, {pipeline_mode = #tpu.pipeline_mode<synchronous>, transform_indices = @transform_4, window_bounds = array<i64: 128, 128>}, {transform_indices = @transform_5, window_bounds = array<i64: 1000, 128>}]} {
    %get3A = arith.constant 0 : index
    %get3A_0 = arith.constant 0 : index
    %get3A_1 = vector.load %arg3[%get3A, %get3A_0] : memref<1000x2xf32, #tpu.memory_space<vmem>>, vector<1000x1xf32>
    %get3A_2 = arith.constant 0 : index
    %get3A_3 = arith.constant 1 : index
    %get3A_4 = vector.load %arg3[%get3A_2, %get3A_3] : memref<1000x2xf32, #tpu.memory_space<vmem>>, vector<1000x1xf32>
    %add3A = arith.addf %get3A_1, %get3A_4 : vector<1000x1xf32>
    %max3A = arith.constant 1.000000e+00 : f32
    %max3A_5 = vector.broadcast %max3A : f32 to vector<1000x1xf32>
    %max3A_6 = arith.maximumf %add3A, %max3A_5 : vector<1000x1xf32>
    %div3A = arith.constant 1.000000e+00 : f32
    %div3A_7 = vector.broadcast %div3A : f32 to vector<1000x1xf32>
    %div3A_8 = arith.divf %div3A_7, %max3A_6 : vector<1000x1xf32>
    %get3A_9 = arith.constant 0 : index
    %get3A_10 = arith.constant 0 : index
    %get3A_11 = vector.load %arg1[%get3A_9, %get3A_10] : memref<1000x128xf32, #tpu.memory_space<vmem>>, vector<1000x128xf32>
    %get3A_12 = arith.constant 0 : index
    %get3A_13 = arith.constant 0 : index
    %get3A_14 = vector.load %arg2[%get3A_12, %get3A_13] : memref<1000x128xf32, #tpu.memory_space<vmem>>, vector<1000x128xf32>
    %add3A_15 = arith.addf %get3A_11, %get3A_14 : vector<1000x128xf32>
    %mul3A = vector.broadcast %div3A_8 : vector<1000x1xf32> to vector<1000x128xf32>
    %mul3A_16 = arith.mulf %add3A_15, %mul3A : vector<1000x128xf32>
    %get3A_17 = arith.constant 0 : index
    %get3A_18 = arith.constant 0 : index
    %get3A_19 = vector.load %arg5[%get3A_17, %get3A_18] : memref<128x128xf32, #tpu.memory_space<vmem>>, vector<128x128xf32>
    %dot_general3A = arith.constant dense<0.000000e+00> : vector<1000x128xf32>
    %dot_general3A_20 = tpu.matmul %mul3A_16, %get3A_19, %dot_general3A {dimension_numbers = #tpu.dot_dimension_numbers<[1], [0], [0], [1], [0, 0, 1, 1], [], []>, precision = #tpu.contract_precision<fp32>, transpose_lhs_hint = false} : vector<1000x128xf32>, vector<128x128xf32>, vector<1000x128xf32> -> vector<1000x128xf32>
    %get3A_21 = arith.constant 0 : index
    %get3A_22 = arith.constant 0 : index
    %get3A_23 = vector.load %arg4[%get3A_21, %get3A_22] : memref<1000x128xf32, #tpu.memory_space<vmem>>, vector<1000x128xf32>
    %add3A_24 = arith.addf %dot_general3A_20, %get3A_23 : vector<1000x128xf32>
    %max3A_25 = arith.constant 0.000000e+00 : f32
    %max3A_26 = vector.broadcast %max3A_25 : f32 to vector<1000x128xf32>
    %max3A_27 = arith.maximumf %add3A_24, %max3A_26 : vector<1000x128xf32>
    %swap3A = arith.constant 0 : index
    %swap3A_28 = arith.constant 0 : index
    %swap3A_29 = vector.load %arg6[%swap3A, %swap3A_28] : memref<1000x128xf32, #tpu.memory_space<vmem>>, vector<1000x128xf32>
    tpu.vector_store %arg6[%swap3A, %swap3A_28], %max3A_27 {strides = array<i32>} : memref<1000x128xf32, #tpu.memory_space<vmem>>, vector<1000x128xf32>,
    return
  }
  func.func @transform_0(%arg0: i32) -> (i32, i32) {
    %c0_i32 = arith.constant 0 : i32
    %c0_i32_0 = arith.constant 0 : i32
    return %arg0, %c0_i32 : i32, i32
  }
  func.func @transform_1(%arg0: i32) -> (i32, i32) {
    %c0_i32 = arith.constant 0 : i32
    %c0_i32_0 = arith.constant 0 : i32
    return %arg0, %c0_i32 : i32, i32
  }
  func.func @transform_2(%arg0: i32) -> (i32, i32) {
    %c0_i32 = arith.constant 0 : i32
    %c0_i32_0 = arith.constant 0 : i32
    return %arg0, %c0_i32 : i32, i32
  }
  func.func @transform_3(%arg0: i32) -> (i32, i32) {
    %c0_i32 = arith.constant 0 : i32
    %c0_i32_0 = arith.constant 0 : i32
    return %arg0, %c0_i32 : i32, i32
  }
  func.func @transform_4(%arg0: i32) -> (i32, i32) {
    %c0_i32 = arith.constant 0 : i32
    %c0_i32_0 = arith.constant 0 : i32
    %c0_i32_1 = arith.constant 0 : i32
    return %c0_i32, %c0_i32_0 : i32, i32
  }
  func.func @transform_5(%arg0: i32) -> (i32, i32) {
    %c0_i32 = arith.constant 0 : i32
    %c0_i32_0 = arith.constant 0 : i32
    return %arg0, %c0_i32 : i32, i32
  }
}

module attributes {stable_mosaic.version = 14 : i64} {
  func.func @_tc2_body(%arg0: i32, %arg1: memref<1000x128xf32, #tpu.memory_space<vmem>>, %arg2: memref<1000x128xf32, #tpu.memory_space<vmem>>, %arg3: memref<1000x2xf32, #tpu.memory_space<vmem>>, %arg4: memref<1000x128xf32, #tpu.memory_space<vmem>>, %arg5: memref<128x128xf32, #tpu.memory_space<vmem>>, %arg6: memref<1000x128xf32, #tpu.memory_space<vmem>>) attributes {dimension_semantics = [#tpu.dimension_semantics<arbitrary>], iteration_bounds = array<i64: 10>, scalar_prefetch = 0 : i64, scratch_operands = 0 : i64, tpu.core_type = #tpu.core_type<tc>, window_params = [{transform_indices = @transform_0, window_bounds = array<i64: 1000, 128>}, {transform_indices = @transform_1, window_bounds = array<i64: 1000, 128>}, {transform_indices = @transform_2, window_bounds = array<i64: 1000, 2>}, {transform_indices = @transform_3, window_bounds = array<i64: 1000, 128>}, {pipeline_mode = #tpu.pipeline_mode<synchronous>, transform_indices = @transform_4, window_bounds = array<i64: 128, 128>}, {transform_indices = @transform_5, window_bounds = array<i64: 1000, 128>}]} {
    %get3A = arith.constant 0 : index
    %get3A_0 = arith.constant 0 : index
    %get3A_1 = vector.load %arg3[%get3A, %get3A_0] : memref<1000x2xf32, #tpu.memory_space<vmem>>, vector<1000x1xf32>
    %get3A_2 = arith.constant 0 : index
    %get3A_3 = arith.constant 1 : index
    %get3A_4 = vector.load %arg3[%get3A_2, %get3A_3] : memref<1000x2xf32, #tpu.memory_space<vmem>>, vector<1000x1xf32>
    %add3A = arith.addf %get3A_1, %get3A_4 : vector<1000x1xf32>
    %max3A = arith.constant 1.000000e+00 : f32
    %max3A_5 = vector.broadcast %max3A : f32 to vector<1000x1xf32>
    %max3A_6 = arith.maximumf %add3A, %max3A_5 : vector<1000x1xf32>
    %div3A = arith.constant 1.000000e+00 : f32
    %div3A_7 = vector.broadcast %div3A : f32 to vector<1000x1xf32>
    %div3A_8 = arith.divf %div3A_7, %max3A_6 : vector<1000x1xf32>
    %get3A_9 = arith.constant 0 : index
    %get3A_10 = arith.constant 0 : index
    %get3A_11 = vector.load %arg1[%get3A_9, %get3A_10] : memref<1000x128xf32, #tpu.memory_space<vmem>>, vector<1000x128xf32>
    %get3A_12 = arith.constant 0 : index
    %get3A_13 = arith.constant 0 : index
    %get3A_14 = vector.load %arg2[%get3A_12, %get3A_13] : memref<1000x128xf32, #tpu.memory_space<vmem>>, vector<1000x128xf32>
    %add3A_15 = arith.addf %get3A_11, %get3A_14 : vector<1000x128xf32>
    %mul3A = vector.broadcast %div3A_8 : vector<1000x1xf32> to vector<1000x128xf32>
    %mul3A_16 = arith.mulf %add3A_15, %mul3A : vector<1000x128xf32>
    %get3A_17 = arith.constant 0 : index
    %get3A_18 = arith.constant 0 : index
    %get3A_19 = vector.load %arg5[%get3A_17, %get3A_18] : memref<128x128xf32, #tpu.memory_space<vmem>>, vector<128x128xf32>
    %dot_general3A = arith.constant dense<0.000000e+00> : vector<1000x128xf32>
    %dot_general3A_20 = tpu.matmul %mul3A_16, %get3A_19, %dot_general3A {dimension_numbers = #tpu.dot_dimension_numbers<[1], [0], [0], [1], [0, 0, 1, 1], [], []>, precision = #tpu.contract_precision<fp32>, transpose_lhs_hint = false} : vector<1000x128xf32>, vector<128x128xf32>, vector<1000x128xf32> -> vector<1000x128xf32>
    %get3A_21 = arith.constant 0 : index
    %get3A_22 = arith.constant 0 : index
    %get3A_23 = vector.load %arg4[%get3A_21, %get3A_22] : memref<1000x128xf32, #tpu.memory_space<vmem>>, vector<1000x128xf32>
    %add3A_24 = arith.addf %dot_general3A_20, %get3A_23 : vector<1000x128xf32>
    %reduce_max3A = arith.constant dense<0xFF800000> : vector<1000xf32>
    %reduce_max3A_25 = vector.multi_reduction <maximumf>, %add3A_24, %reduce_max3A [1] : vector<1000x128xf32> to vector<1000xf32>
    %broadcast_in_dim3A = vector.shape_cast %reduce_max3A_25 : vector<1000xf32> to vector<1000x1xf32>
    %sub3A = vector.broadcast %broadcast_in_dim3A : vector<1000x1xf32> to vector<1000x128xf32>
    %sub3A_26 = arith.subf %add3A_24, %sub3A : vector<1000x128xf32>
    %exp3A = math.exp %sub3A_26 : vector<1000x128xf32>
    %reduce_sum3A = arith.constant dense<0.000000e+00> : vector<1000xf32>
    %reduce_sum3A_27 = vector.multi_reduction <add>, %exp3A, %reduce_sum3A [1] : vector<1000x128xf32> to vector<1000xf32>
    %broadcast_in_dim3A_28 = vector.shape_cast %reduce_sum3A_27 : vector<1000xf32> to vector<1000x1xf32>
    %log3A = math.log %broadcast_in_dim3A_28 : vector<1000x1xf32>
    %add3A_29 = arith.addf %log3A, %broadcast_in_dim3A : vector<1000x1xf32>
    %sub3A_30 = vector.broadcast %add3A_29 : vector<1000x1xf32> to vector<1000x128xf32>
    %sub3A_31 = arith.subf %add3A_24, %sub3A_30 : vector<1000x128xf32>
    %swap3A = arith.constant 0 : index
    %swap3A_32 = arith.constant 0 : index
    %swap3A_33 = vector.load %arg6[%swap3A, %swap3A_32] : memref<1000x128xf32, #tpu.memory_space<vmem>>, vector<1000x128xf32>
    tpu.vector_store %arg6[%swap3A, %swap3A_32], %sub3A_31 {strides = array<i32>} : memref<1000x128xf32, #tpu.memory_space<vmem>>, vector<1000x128xf32>,
    return
  }
  func.func @transform_0(%arg0: i32) -> (i32, i32) {
    %c0_i32 = arith.constant 0 : i32
    %c0_i32_0 = arith.constant 0 : i32
    return %arg0, %c0_i32 : i32, i32
  }
  func.func @transform_1(%arg0: i32) -> (i32, i32) {
    %c0_i32 = arith.constant 0 : i32
    %c0_i32_0 = arith.constant 0 : i32
    return %arg0, %c0_i32 : i32, i32
  }
  func.func @transform_2(%arg0: i32) -> (i32, i32) {
    %c0_i32 = arith.constant 0 : i32
    %c0_i32_0 = arith.constant 0 : i32
    return %arg0, %c0_i32 : i32, i32
  }
  func.func @transform_3(%arg0: i32) -> (i32, i32) {
    %c0_i32 = arith.constant 0 : i32
    %c0_i32_0 = arith.constant 0 : i32
    return %arg0, %c0_i32 : i32, i32
  }
  func.func @transform_4(%arg0: i32) -> (i32, i32) {
    %c0_i32 = arith.constant 0 : i32
    %c0_i32_0 = arith.constant 0 : i32
    %c0_i32_1 = arith.constant 0 : i32
    return %c0_i32, %c0_i32_0 : i32, i32
  }
  func.func @transform_5(%arg0: i32) -> (i32, i32) {
    %c0_i32 = arith.constant 0 : i32
    %c0_i32_0 = arith.constant 0 : i32
    return %arg0, %c0_i32 : i32, i32
  }
}

</mosaic_0001>

<sc_bundles>
// kernel: sage_sc_agg1.3.cloned.1.call-start
scs
__scs_entry_jumppad:
0x0: {  	(pc) =	sbr.rel $0x88, $3  }
0x1: {  	(tag) =	ssettag $0x0;
	lr =	simm.s32 $0x1  }
0x2: {  	[smem:$0x3F99] =	sst lr;
	_ =	strace $0xD0000000  }
0x3: {  	_ = 	snop  }
0x4: {  	_ = 	snop  }
0x5: {  	_ = 	snop  }
0x6: {  	_ = 	snop  }
0x7: {  	_ = 	snop  }
__scs_overlays_trampoline_lowered:
0x8: {  	[smem:$0x3FA8] =	sst s0  }
0x9: {  	[smem:$0x3FA9] =	sst s1  }
0xa: {  	[smem:$0x3FAA] =	sst s2  }
0xb: {  	[smem:$0x3FAB] =	sst s3  }
0xc: {  	[smem:$0x3FAC] =	sst s4  }
0xd: {  	[smem:$0x3FAD] =	sst s5  }
0xe: {  	[smem:$0x3FAE] =	sst s6  }
0xf: {  	[smem:$0x3FAF] =	sst s7  }
0x10: {  	[smem:$0x3FB0] =	sst s8  }
0x11: {  	[smem:$0x3FB1] =	sst s9;
	s0 =	simm.s32 @!p0 $0x0  }
0x12: {  	s1 =	sld [smem:$0x3F97];
	s0 =	simm.s32 @p0 $0x1  }
0x13: {  	[smem:$0x3FB2] =	sst s0;
	s0 =	simm.s32 @!p1 $0x0  }
0x14: {  	s2 =	sld [smem:$0x3F96];
	s0 =	simm.s32 @p1 $0x1  }
0x15: {  	[smem:$0x3FB3] =	sst s0;
	s0 =	simm.s32 @!p2 $0x0  }
0x16: {  	s3 =	sld [smem:$0x3FDB];
	s0 =	simm.s32 @p2 $0x1  }
0x17: {  	s4 =	simm.s32 $0x1BF5;
	[smem:$0x3FB5] =	sst s0  }
0x18: {  	s0 =	sld [smem:$0x3F98];
	_ =	swait.ge [sflag:s4], $0x0  }
0x19: {  	s7 =	sld [smem:$0x3F99]  }
0x1a: {  	s8 =	sadd.s32 $0xFFFFE003, lr  }
0x1b: {  	s9 =	sadd.s32 $0xFFFFFEF7, lr;
	s5 =	simm.s32 $0xFFFFFFFF;
	p2 =	slt.u32 s8, $0xFFFFF086  }
0x1c: {  	p1 =	slt.u32 s9, $0xF7A;
	s5 =	simm.s32 @!p2 $0x0  }
0x1d: {  	s5 =	simm.s32 @p1 $0x1;
	p0 =	seq.s32 s7, s2  }
0x1e: {  	s7 =	smul.u32 @!p0 $0xF7A, s2;
	p2 =	seq.s32 @!p0 s5, $0x0  }
0x1f: {  	s9 =	smul.u32 $0xF7A, s1;
	s8 =	simm.s32 @!p0 $0x1BF5;
	p2 =	por !p2, p0  }
0x20: {  	[sflag:s8] =	ssyncset.s32 @!p0 $0xFFFFF086;
	s6 =	sadd.s32 @!p0 s3, s7;
	s7 =	simm.s32 @!p0 $0x108  }
0x21: {  	s3 =	sadd.s32 s3, s9;
	s6 =	sadd.s32 @!p0 $0x88, s6;
	s7 =	simm.s32 @p2 $0x1082  }
0x22: {  	[simem:s7], [sflag:s8] =	dma.local @!p0 [hbm:s6], $0xF7A  }
0x23: {  	s9 =	sor.u32 $0xD0000000, s2;
	s6 =	simm.s32 $0x108;
	_ =	swait.ge @!p0 [sflag:s8], $0x0  }
0x24: {  	s3 =	sadd.s32 $0x88, s3;
	s6 =	simm.s32 @!p1 $0x1082;
	[sflag:s4] =	ssyncset.s32 $0xFFFFF086  }
0x25: {  	[simem:s6], [sflag:s4] =	dma.local [hbm:s3], $0xF7A  }
0x26: {  	[smem:$0x3F99] =	sst s1;
	(tag) =	ssettag s2;
	_ =	strace s9  }
0x27: {  	s1 =	sld [smem:$0x3FA9]  }
0x28: {  	s2 =	sld [smem:$0x3FAA]  }
0x29: {  	s4 =	sld [smem:$0x3FAC]  }
0x2a: {  	p0 =	seq.s32 s5, $0x0;
	s5 =	sld [smem:$0x3FAD]  }
0x2b: {  	s6 =	sld [smem:$0x3FAE]  }
0x2c: {  	s7 =	sld [smem:$0x3FAF]  }
0x2d: {  	s3 =	simm.s32 $0x108;
	s8 =	sld [smem:$0x3FB0]  }
0x2e: {  	s3 =	simm.s32 @!p0 $0x1082;
	s9 =	sld [smem:$0x3FB1]  }
0x2f: {  	lr =	sadd.s32 s0, s3;
	s0 =	sld [smem:$0x3FA8]  }
0x30: {  	s3 =	sld [smem:$0x3FAB]  }
0x31: {  	[smem:$0x3FB4] =	sst s10  }
0x32: {  	s10 =	sld [smem:$0x3FB2];
	_ =	sdelay $0x3  }
0x33: {  	p0 =	seq.s32 s10, $0x1;
	s10 =	sld [smem:$0x3FB4];
	_ =	sdelay $0x3  }
0x34: {  	[smem:$0x3FB4] =	sst s10  }
0x35: {  	s10 =	sld [smem:$0x3FB3];
	_ =	sdelay $0x3  }
0x36: {  	p1 =	seq.s32 s10, $0x1;
	s10 =	sld [smem:$0x3FB4];
	_ =	sdelay $0x3  }
0x37: {  	[smem:$0x3FB4] =	sst s10  }
0x38: {  	s10 =	sld [smem:$0x3FB5]  }
0x39: {  	_ = 	snop;
	(pc) =	sbr.ind lr, $3  }
0x3a: {  	_ = 	snop  }
0x3b: {  	_ = 	snop  }
0x3c: {  	p2 =	seq.s32 s10, $0x1;
	s10 =	sld [smem:$0x3FB4]  }
0x3d: {  	_ =	shalt  }
0x3e: {  	_ =	shalt  }
0x3f: {  	_ =	shalt  }
0x40: {  	_ =	shalt  }
0x41: {  	_ =	shalt  }
0x42: {  	_ =	shalt  }
0x43: {  	_ =	shalt  }
0x44: {  	_ =	shalt  }
0x45: {  	_ =	shalt  }
0x46: {  	_ =	shalt  }
0x47: {  	_ =	shalt  }
0x48: {  	_ =	shalt  }
0x49: {  	_ =	shalt  }
0x4a: {  	_ =	shalt  }
0x4b: {  	_ =	shalt  }
0x4c: {  	_ =	shalt  }
0x4d: {  	_ =	shalt  }
0x4e: {  	_ =	shalt  }
0x4f: {  	_ =	shalt  }
0x50: {  	_ =	shalt  }
0x51: {  	_ =	shalt  }
0x52: {  	_ =	shalt  }
0x53: {  	_ =	shalt  }
0x54: {  	_ =	shalt  }
0x55: {  	_ =	shalt  }
0x56: {  	_ =	shalt  }
0x57: {  	_ =	shalt  }
0x58: {  	_ =	shalt  }
0x59: {  	_ =	shalt  }
0x5a: {  	_ =	shalt  }
0x5b: {  	_ =	shalt  }
0x5c: {  	_ =	shalt  }
0x5d: {  	_ =	shalt  }
0x5e: {  	_ =	shalt  }
0x5f: {  	_ =	shalt  }
0x60: {  	_ =	shalt  }
0x61: {  	_ =	shalt  }
0x62: {  	_ =	shalt  }
0x63: {  	_ =	shalt  }
0x64: {  	_ =	shalt  }
0x65: {  	_ =	shalt  }
0x66: {  	_ =	shalt  }
0x67: {  	_ =	shalt  }
0x68: {  	_ =	shalt  }
0x69: {  	_ =	shalt  }
0x6a: {  	_ =	shalt  }
0x6b: {  	_ =	shalt  }
0x6c: {  	_ =	shalt  }
0x6d: {  	_ =	shalt  }
0x6e: {  	_ =	shalt  }
0x6f: {  	_ =	shalt  }
0x70: {  	_ =	shalt  }
0x71: {  	_ =	shalt  }
0x72: {  	_ =	shalt  }
0x73: {  	_ =	shalt  }
0x74: {  	_ =	shalt  }
0x75: {  	_ =	shalt  }
0x76: {  	_ =	shalt  }
0x77: {  	_ =	shalt  }
0x78: {  	_ =	shalt  }
0x79: {  	_ =	shalt  }
0x7a: {  	_ =	shalt  }
0x7b: {  	_ =	shalt  }
0x7c: {  	_ =	shalt  }
0x7d: {  	_ =	shalt  }
0x7e: {  	_ =	shalt  }
0x7f: {  	_ =	shalt  }
0x80: {  	_ =	shalt  }
0x81: {  	_ =	shalt  }
0x82: {  	_ =	shalt  }
0x83: {  	_ =	shalt  }
0x84: {  	_ =	shalt  }
0x85: {  	_ =	shalt  }
0x86: {  	_ =	shalt  }
0x87: {  	_ =	shalt  }
.Lfunc_end0:
.L_simem_size_0:
called_computation_lowered:
.L_overlay_start_0:
0x88: {  	s2 =	sld [smem:$0x3FD9]  }
0x89: {  	s3 =	sld [smem:$0x3FFE];
	_ =	sdelay $0x1  }
0x8a: {  	s1 =	srdreg.scid  }
0x8b: {  	s0 =	sand.u32 $0x1, s1  }
0x8c: {  	s17 =	sshll.u32 s0, $0xA;
	s2 =	sadd.s32 s3, s2  }
0x8d: {  	s2 =	sadd.s32 s2, s17  }
0x8e: {  	[smem:$0x3FC0] =	sst s2  }
0x8f: {  	_ = 	snop  }
0x90: {  	s2 =	sld [smem:$0x3FC9]  }
0x91: {  	s18 =	sld [smem:$0x3FD0];
	(tm) =	ssettm $0x1  }
0x92: {  	s4 =	sld [smem:$0x3FFB];
	_ =	sdelay $0x3  }
0x93: {  	_ =	strace s4  }
0x94: {  	s4 =	sld [smem:$0x3FFC];
	_ =	sdelay $0x3  }
0x95: {  	_ =	strace s4  }
0x96: {  	s4 =	sld [smem:$0x3FFD];
	_ =	sdelay $0x3  }
0x97: {  	_ =	strace s4  }
0x98: {  	_ =	strace $0x8FFFFFFF  }
0x99: {  	s19 =	sld [smem:$0x3FDB];
	_ =	sdelay $0x1  }
0x9a: {  	s5 =	simm.s32 $_scs_section_size  }
0x9b: {  	s6 =	simm.s32 $_size__tile_overlayer_lowered;
	s7 =	simm.s32 $_tile_overlayer_lowered  }
0x9c: {  	s22 =	simm.s32 $0x1BFF;
	s21 =	sshll.u32 s7, $0x1;
	s4 =	sadd.s32 s5, s19  }
0x9d: {  	s8 =	simm.s32 $0x0;
	s20 =	sshll.u32 s6, $0x1;
	s6 =	sadd.s32 s21, s4  }
0x9e: {  	[timem:s8], [sflag:s22] =	dma.local [hbm:s6], s20  }
0x9f: {  	_ =	swait.ge [sflag:s22], s20  }
0xa0: {  	s5 =	ssub.s32 $0x0, s20;
	[sflag:s22] =	ssyncset.done $0x0  }
0xa1: {  	[sflag:s22] =	ssyncadd.s32 s5;
	_ =	sdelay $0x1  }
0xa2: {  	s23 =	simm.s32 $0x1B8B  }
0xa3: {  	_ =	swait.ge [sflag:s23], $0x1  }
0xa4: {  	[sflag:s23] =	ssyncset.done $0x0  }
0xa5: {  	s25 =	simm.s32 $0x1B8E;
	s24 =	sld [smem:$0x3FFE];
	[sflag:s23] =	ssyncadd.s32 $0xFFFFFFFF  }
0xa6: {  	s26 =	simm.s32 $execute0_lowered;
	[smem:$0x3FD2] =	sst s25  }
0xa7: {  	s6 =	sshll.u32 s26, $0x1;
	_ =	strace $0x80000046;
	[dreg:$0x1] =	wrdreg $0xFFFFFFFF  }
0xa8: {  	s28 =	simm.s32 $_size_execute0_lowered;
	s4 =	sadd.s32 s4, s6;
	[dreg:$0x0] =	wrdreg $0x0  }
0xa9: {  	s6 =	sshll.u32 s28, $0x1;
	[dreg:$0x2] =	wrdreg s4  }
0xaa: {  	[dreg:$0x3] =	wrdreg s6  }
0xab: {  	[dreg:$0x4] =	wrdreg $0xC0  }
0xac: {  	_ =	task [dreg:s8], $0x5FFFF  }
0xad: {  	[dreg:$0x1] =	wrdreg $0xFFFFFFFF  }
0xae: {  	[dreg:$0x0] =	wrdreg $0x60  }
0xaf: {  	[dreg:$0x2] =	wrdreg s2  }
0xb0: {  	[dreg:$0x3] =	wrdreg s24  }
0xb1: {  	[dreg:$0x4] =	wrdreg s18  }
0xb2: {  	[dreg:$0x5] =	wrdreg $0xB8000  }
0xb3: {  	[dreg:$0x6] =	wrdreg $0x1F4000  }
0xb4: {  	[dreg:$0x7] =	wrdreg $0x9  }
0xb5: {  	_ =	task.clear_ibuf [dreg:s8], $0x8FFFF;
	_ =	strace $0x90000046  }
0xb6: {  	s29 =	simm.s32 $0x9;
	_ =	strace $0x80000048  }
0xb7: {  	_ =	swait.ge [sflag:s29], $0x1  }
0xb8: {  	[sflag:s29] =	ssyncadd.s32 $0xFFFFFFFF  }
0xb9: {  	_ =	strace $0x90000048  }
0xba: {  	_ =	sfence  }
0xbb: {  	s30 =	sld [smem:$0x0];
	_ =	sdelay $0x2  }
0xbc: {  	s31 =	sshll.u32 s1, $0xD;
	s1 =	sshrl.u32 s1, $0x2  }
0xbd: {  	s3 =	sand.u32 $0x4000, s31;
	s1 =	sadd.s32 s1, s30  }
0xbe: {  	s0 =	sor.u32 s3, s0;
	s1 =	sshll.u32 s1, $0x11  }
0xbf: {  	s0 =	sor.u32 s1, s0  }
0xc0: {  	s0 =	sadd.s32 $0x8F2B, s0  }
0xc1: {  	[sflag:s0] =	ssyncadd.remote.s32 $0x1  }
0xc2: {  	_ =	sfence.sel $0xFFFF  }
0xc3: {  	[dreg:$0x0] =	wrdreg $0xFFFFFFFF;
	(pc) =	sbr.abs _section_cstart, $3  }
0xc4: {  	[dreg:$0x1] =	wrdreg $0xFFFFFFFF  }
0xc5: {  	_ =	task.clear_ibuf [dreg:s8], $0x2FFFF;
	_ =	strace $0x9FFFFFFF  }
0xc6: {  	(tm) =	ssettm $0x7FFFFFFF  }
0xc7: {  	_ =	shalt  }
tec
execute0_lowered:
.L_overlay_start_1:
0x0: {  	(tag) =	ssettag $0x1  }
0x1: {  	s1 =	rddreg [dreg:$0x0]  }
0x2: {  	s0 =	rddreg [dreg:$0x1]  }
0x3: {  	s4 =	rddreg [dreg:$0x2]  }
0x4: {  	s2 =	rddreg [dreg:$0x3];
	s13 =	stileid.u32  }
0x5: {  	s3 =	rddreg [dreg:$0x4];
	s9 =	smul.u32 $0x13C00, s13  }
0x6: {  	s5 =	srdreg.scid;
	s29 =	simm.s32 $0x7;
	s12 =	smul.u32 $0x4F000, s13  }
0x7: {  	s30 =	simm.s32 $0x100;
	s31 =	simm.s32 $0x200;
	s19 =	smul.u32 $0x280, s13  }
0x8: {  	s7 =	sand.u32 $0x1, s5;
	s5 =	simm.s32 $0x0;
	s24 =	smul.u32 $0x5600, s13  }
0x9: {  	s6 =	sadd.s32 $0x2C00, s0;
	s8 =	smul.u32 $0x13C000, s7;
	[smem:$0x7FF] =	sst s5  }
0xa: {  	s10 =	sshll.u32 s7, $0x4;
	s16 =	ssub.s32 $0x2, s7;
	s21 =	smul.u32 $0x56000, s7  }
0xb: {  	s7 =	smul.u32 $0x2800, s7;
	_ =	strace $0x80000047;
	s10 =	sor.u32 s13, s10  }
0xc: {  	s11 =	sshrl.u32 s16, $0x1;
	s18 =	sshrl.u32 s12, $0x2;
	s15 =	sadd.s32 s19, s3  }
0xd: {  	s12 =	simm.s32 $0x4;
	s8 =	sadd.s32 s9, s8;
	s10 =	smul.u32 $0x5600, s10  }
0xe: {  	s9 =	sadd.s32 s18, s2;
	s18 =	sadd.s32 $0x100, s15;
	s7 =	sadd.s32 s19, s7  }
0xf: {  	s8 =	sshrl.u32 s8, $0x3;
	s23 =	sadd.s32 $0x3C00, s9;
	[dreg:$0x10] =	wrdreg s18  }
0x10: {  	s25 =	sadd.s32 $0x7800, s9;
	s26 =	sadd.s32 $0xB400, s9;
	[dreg:$0xa] =	wrdreg s23  }
0x11: {  	s28 =	sadd.s32 $0xF000, s9;
	s13 =	sadd.s32 $0x12C00, s9;
	[dreg:$0xb] =	wrdreg s25  }
0x12: {  	s7 =	sshrl.u32 s7, $0x3;
	s18 =	simm.s32 $0x5;
	[dreg:$0xc] =	wrdreg s26  }
0x13: {  	s0 =	sadd.s32 s8, s0;
	s8 =	ssub.s32 s16, s11;
	[dreg:$0xd] =	wrdreg s28  }
0x14: {  	s17 =	sshrl.u32 s10, $0x3;
	s11 =	sadd.s32 s24, s21;
	[dreg:$0xe] =	wrdreg s13  }
0x15: {  	s16 =	sadd.s32 $0x80, s15;
	s4 =	sadd.s32 s4, s7;
	s13 =	simm.s32 $0x80  }
0x16: {  	s14 =	sadd.s32 s6, s17;
	[dreg:$0xf] =	wrdreg s16;
	s17 =	sadd.s32 $0x500, s11  }
0x17: {  	[dreg:$0x12] =	wrdreg s4;
	s21 =	sadd.s32 $0x400, s11;
	s0 =	sadd.s32 $0x18400, s0  }
0x18: {  	s24 =	smax.u32 s8, $0x1;
	s25 =	sadd.s32 $0x300, s11;
	[dreg:$0x14] =	wrdreg s0  }
0x19: {  	s4 =	simm.s32 $0xB780;
	s8 =	simm.s32 $0x78;
	[dreg:$0x15] =	wrdreg s24  }
0x1a: {  	s11 =	simm.s32 $0x3F00;
	s16 =	simm.s32 $0x3;
	[dreg:$0x16] =	wrdreg s25  }
0x1b: {  	s20 =	sadd.s32 $0x20, s14;
	s22 =	sadd.s32 $0x40, s14;
	[dreg:$0x7] =	wrdreg s14  }
0x1c: {  	s19 =	sshrl.u32 s17, $0x3;
	s23 =	sshrl.u32 s21, $0x3;
	[dreg:$0x8] =	wrdreg s20  }
0x1d: {  	s26 =	sadd.s32 $0xA80, s14;
	s28 =	sadd.s32 $0xAA0, s14;
	[dreg:$0x9] =	wrdreg s22  }
0x1e: {  	s0 =	simm.s32 $0x300;
	s14 =	simm.s32 $0xB700;
	[dreg:$0x17] =	wrdreg s26  }
0x1f: {  	s17 =	simm.s32 $0x7B00;
	s20 =	sadd.s32 $0x180, s15;
	[dreg:$0x18] =	wrdreg s28  }
0x20: {  	s21 =	simm.s32 $0x6;
	s10 =	sadd.s32 s19, s6;
	[dreg:$0x11] =	wrdreg s20  }
0x21: {  	s22 =	sadd.s32 $0x200, s15;
	s24 =	sadd.s32 s23, s6;
	[dreg:$0x6] =	wrdreg s10  }
0x22: {  	s19 =	simm.s32 $0x180;
	s23 =	simm.s32 $0x0;
	[dreg:$0x13] =	wrdreg s22  }
0x23: {  	v0 =	vimm.f32 $1.000000000e+00;
	v1 =	vimm.f32 $0.0e+00;
	s10 =	simm.s32 $0x2;
	s20 =	simm.s32 $0x1;
	s22 =	simm.s32 $0x280  }
.LBB2_1:
0x24: {  	s7 =	rddreg [dreg:$0x7]  }
0x25: {  	[tilespmem:s5], [sflag:$0x7] =	stream.linear.gather [hbm4b:s7+s5], $0x100, $0x38;
	[tilespmem:$0x1F680] =	vst v63  }
0x26: {  	_ =	swait.ge [sflag:s29], $0x100  }
0x27: {  	[sflag:s29] =	ssyncset.done $0x0  }
0x28: {  	s26 =	rddreg [dreg:$0x8];
	[sflag:s29] =	ssyncadd.s32 $0xFFFFFF00  }
0x29: {  	[tilespmem:s30], [sflag:$0x2] =	stream.linear.gather [hbm4b:s26+s5], $0x100, $0x38;
	[tilespmem:$0x1F680] =	vst v63  }
0x2a: {  	s28 =	rddreg [dreg:$0x9]  }
0x2b: {  	[tilespmem:s31], [sflag:$0x3] =	stream.linear.gather [hbm4b:s28+s5], $0x100, $0x38;
	[tilespmem:$0x1F680] =	vst v63  }
0x2c: {  	[tilespmem:$0xB700] =	vst v0  }
0x2d: {  	[tilespmem:$0xB780] =	vst v1  }
0x2e: {  	[tilespmem:$0xB710] =	vst v0  }
0x2f: {  	[tilespmem:$0xB790] =	vst v1  }
0x30: {  	[tilespmem:$0xB720] =	vst v0  }
0x31: {  	[tilespmem:$0xB7A0] =	vst v1  }
0x32: {  	[tilespmem:$0xB730] =	vst v0  }
0x33: {  	[tilespmem:$0xB7B0] =	vst v1  }
0x34: {  	[tilespmem:$0xB740] =	vst v0  }
0x35: {  	[tilespmem:$0xB7C0] =	vst v1  }
0x36: {  	[tilespmem:$0xB750] =	vst v0  }
0x37: {  	[tilespmem:$0xB7D0] =	vst v1  }
0x38: {  	[tilespmem:$0xB760] =	vst v0  }
0x39: {  	[tilespmem:$0xB7E0] =	vst v1  }
0x3a: {  	[tilespmem:$0xB770] =	vst v0  }
0x3b: {  	s7 =	simm.s32 $0x0;
	s26 =	simm.s32 $0x200;
	[tilespmem:$0xB7F0] =	vst v1  }
.LBB2_2:
0x3c: {  	p0 =	sne.s32 s26, $0xEE00;
	[tilespmem:s7+$0x370] =	vst v1  }
0x3d: {  	[tilespmem:s7+$0x300] =	vst v1  }
0x3e: {  	[tilespmem:s7+$0x310] =	vst v1  }
.Ltmp0:
0x3f: {  	[tilespmem:s7+$0x320] =	vst v1;
	(pc) =	sbr.rel @p0 .LBB2_2-.Ltmp0, $4  }
0x40: {  	[tilespmem:s7+$0x330] =	vst v1  }
0x41: {  	[tilespmem:s7+$0x340] =	vst v1  }
0x42: {  	[tilespmem:s7+$0x350] =	vst v1  }
0x43: {  	[tilespmem:s7+$0x360] =	vst v1;
	s7 =	sshra.s32 s26, $0x2;
	s26 =	sadd.s32 $0x200, s26  }
0x44: {  	[tilespmem:s7+$0x370] =	vst v1  }
0x45: {  	[tilespmem:s7+$0x300] =	vst v1  }
0x46: {  	[tilespmem:s7+$0x310] =	vst v1  }
0x47: {  	[tilespmem:s7+$0x320] =	vst v1  }
0x48: {  	[tilespmem:s7+$0x330] =	vst v1  }
0x49: {  	[tilespmem:s7+$0x340] =	vst v1  }
0x4a: {  	[tilespmem:s7+$0x350] =	vst v1  }
0x4b: {  	[tilespmem:s7+$0x360] =	vst v1  }
0x4c: {  	[spmem:s9] =	stream.linear.scatter [tilespmem:s0], [sflag:$0x7], $0x3C00, $0x38;
	[tilespmem:$0x1F680] =	vst v63  }
0x4d: {  	_ =	swait.ge [sflag:s29], $0x3C00  }
0x4e: {  	[sflag:s29] =	ssyncset.done $0x0  }
0x4f: {  	s26 =	rddreg [dreg:$0xa];
	[sflag:s29] =	ssyncadd.s32 $0xFFFFC400  }
0x50: {  	[spmem:s26] =	stream.linear.scatter [tilespmem:s0], [sflag:$0x7], $0x3C00, $0x38;
	[tilespmem:$0x1F680] =	vst v63  }
0x51: {  	_ =	swait.ge [sflag:s29], $0x3C00  }
0x52: {  	[sflag:s29] =	ssyncset.done $0x0  }
0x53: {  	s25 =	rddreg [dreg:$0xb];
	[sflag:s29] =	ssyncadd.s32 $0xFFFFC400  }
0x54: {  	[spmem:s25] =	stream.linear.scatter [tilespmem:s0], [sflag:$0x7], $0x3C00, $0x38;
	[tilespmem:$0x1F680] =	vst v63  }
0x55: {  	_ =	swait.ge [sflag:s29], $0x3C00  }
0x56: {  	[sflag:s29] =	ssyncset.done $0x0  }
0x57: {  	s26 =	rddreg [dreg:$0xc];
	[sflag:s29] =	ssyncadd.s32 $0xFFFFC400  }
0x58: {  	[spmem:s26] =	stream.linear.scatter [tilespmem:s0], [sflag:$0x7], $0x3C00, $0x38;
	[tilespmem:$0x1F680] =	vst v63  }
0x59: {  	_ =	swait.ge [sflag:s29], $0x3C00  }
0x5a: {  	[sflag:s29] =	ssyncset.done $0x0  }
0x5b: {  	s25 =	rddreg [dreg:$0xd];
	[sflag:s29] =	ssyncadd.s32 $0xFFFFC400  }
0x5c: {  	[spmem:s25] =	stream.linear.scatter [tilespmem:s0], [sflag:$0x7], $0x3C00, $0x38;
	[tilespmem:$0x1F680] =	vst v63  }
0x5d: {  	_ =	swait.ge [sflag:s29], $0x3C00  }
0x5e: {  	[sflag:s29] =	ssyncset.done $0x0  }
0x5f: {  	s26 =	rddreg [dreg:$0xe];
	[sflag:s29] =	ssyncadd.s32 $0xFFFFC400  }
0x60: {  	[spmem:s26] =	stream.linear.scatter [tilespmem:s0], [sflag:$0x7], $0x1000, $0x38;
	[tilespmem:$0x1F680] =	vst v63  }
0x61: {  	_ =	swait.ge [sflag:s29], $0x1000  }
0x62: {  	[sflag:s29] =	ssyncset.done $0x0  }
0x63: {  	[sflag:s29] =	ssyncadd.s32 $0xFFFFF000  }
0x64: {  	[spmem:s15] =	stream.linear.scatter [tilespmem:s4], [sflag:$0x7], $0x80, $0x38;
	[tilespmem:$0x1F680] =	vst v63  }
0x65: {  	_ =	swait.ge [sflag:s29], $0x80  }
0x66: {  	[sflag:s29] =	ssyncset.done $0x0  }
0x67: {  	s25 =	rddreg [dreg:$0xf];
	[sflag:s29] =	ssyncadd.s32 $0xFFFFFF80  }
0x68: {  	[spmem:s25] =	stream.linear.scatter [tilespmem:s4], [sflag:$0x7], $0x80, $0x38;
	[tilespmem:$0x1F680] =	vst v63  }
0x69: {  	_ =	swait.ge [sflag:s29], $0x80  }
0x6a: {  	[sflag:s29] =	ssyncset.done $0x0  }
0x6b: {  	s26 =	rddreg [dreg:$0x10];
	[sflag:s29] =	ssyncadd.s32 $0xFFFFFF80  }
0x6c: {  	[spmem:s26] =	stream.linear.scatter [tilespmem:s4], [sflag:$0x7], $0x80, $0x38;
	[tilespmem:$0x1F680] =	vst v63  }
0x6d: {  	_ =	swait.ge [sflag:s29], $0x80  }
0x6e: {  	[sflag:s29] =	ssyncset.done $0x0  }
0x6f: {  	s25 =	rddreg [dreg:$0x11];
	[sflag:s29] =	ssyncadd.s32 $0xFFFFFF80  }
0x70: {  	[spmem:s25] =	stream.linear.scatter [tilespmem:s4], [sflag:$0x7], $0x80, $0x38;
	[tilespmem:$0x1F680] =	vst v63  }
0x71: {  	_ =	swait.ge [sflag:s29], $0x80  }
0x72: {  	[sflag:s29] =	ssyncset.done $0x0  }
0x73: {  	s26 =	rddreg [dreg:$0x13];
	[sflag:s29] =	ssyncadd.s32 $0xFFFFFF80  }
0x74: {  	[spmem:s26] =	stream.linear.scatter [tilespmem:s4], [sflag:$0x7], $0x80, $0x38;
	[tilespmem:$0x1F680] =	vst v63  }
0x75: {  	_ =	swait.ge [sflag:s29], $0x80  }
0x76: {  	[sflag:s29] =	ssyncset.done $0x0  }
0x77: {  	s25 =	simm.s32 $0x0;
	[sflag:s29] =	ssyncadd.s32 $0xFFFFFF80  }
0x78: {  	[tilespmem:s0], [sflag:$0x4] =	stream.indirect.gather [hbm4b:s1+s8], $0x80, s25, s8, $0xb8;
	[tilespmem:$0x1F680] =	vst v63  }
0x79: {  	_ =	swait.ge [sflag:s10], $0x100  }
0x7a: {  	[sflag:s10] =	ssyncset.done $0x0  }
0x7b: {  	[sflag:s10] =	ssyncadd.s32 $0xFFFFFF00  }
0x7c: {  	[tilespmem:s11], [sflag:$0x5] =	stream.indirect.gather [hbm4b:s1+s8], $0x80, s30, s8, $0xb8;
	[tilespmem:$0x1F680] =	vst v63  }
0x7d: {  	[bflag:$0x0] =	sbarrier.arrive $0xFFFF  }
0x7e: {  	_ =	swait.ge [sflag:s12], $0x3C00  }
0x7f: {  	[sflag:s12] =	ssyncset.done $0x0  }
0x80: {  	[sflag:s12] =	ssyncadd.s32 $0xFFFFC400  }
0x81: {  	[spmem:s2] =	stream.indirect.scatter.add.f32 [tilespmem:s0], [sflag:$0x7], $0x80, s13, s8, $0xb8;
	[tilespmem:$0x1F680] =	vst v63  }
0x82: {  	_ =	swait.ge [sflag:s29], $0x3C00  }
0x83: {  	[sflag:s29] =	ssyncset.done $0x0  }
0x84: {  	[sflag:s29] =	ssyncadd.s32 $0xFFFFC400  }
0x85: {  	[spmem:s3] =	stream.indirect.scatter.add.f32 [tilespmem:s14], [sflag:$0x7], $0x1, s13, s8, $0xb8;
	[tilespmem:$0x1F680] =	vst v63  }
0x86: {  	_ =	swait.ge [sflag:s29], $0x78  }
0x87: {  	[sflag:s29] =	ssyncset.done $0x0  }
0x88: {  	[sflag:s29] =	ssyncadd.s32 $0xFFFFFF88  }
0x89: {  	_ =	swait.ge [sflag:s16], $0x100  }
0x8a: {  	[sflag:s16] =	ssyncset.done $0x0;
	s25 =	rddreg [dreg:$0x16]  }
0x8b: {  	[sflag:s16] =	ssyncadd.s32 $0xFFFFFF00;
	s26 =	sshrl.u32 s25, $0x3  }
0x8c: {  	[tilespmem:s17], [sflag:$0x6] =	stream.indirect.gather [hbm4b:s1+s8], $0x80, s31, s8, $0xb8;
	[tilespmem:$0x1F680] =	vst v63  }
0x8d: {  	s7 =	sadd.s32 s6, s26  }
0x8e: {  	[tilespmem:s5], [sflag:$0x1] =	stream.linear.gather [hbm4b:s7+s5], $0x100, $0x38;
	[tilespmem:$0x1F680] =	vst v63  }
0x8f: {  	_ =	swait.ge [sflag:s18], $0x3C00  }
0x90: {  	[sflag:s18] =	ssyncset.done $0x0  }
0x91: {  	[sflag:s18] =	ssyncadd.s32 $0xFFFFC400  }
0x92: {  	[spmem:s2] =	stream.indirect.scatter.add.f32 [tilespmem:s11], [sflag:$0x7], $0x80, s19, s8, $0xb8;
	[tilespmem:$0x1F680] =	vst v63  }
0x93: {  	_ =	swait.ge [sflag:s29], $0x3C00  }
0x94: {  	[sflag:s29] =	ssyncset.done $0x0  }
0x95: {  	[sflag:s29] =	ssyncadd.s32 $0xFFFFC400  }
0x96: {  	[spmem:s3] =	stream.indirect.scatter.add.f32 [tilespmem:s14], [sflag:$0x7], $0x1, s19, s8, $0xb8;
	[tilespmem:$0x1F680] =	vst v63  }
0x97: {  	_ =	swait.ge [sflag:s29], $0x78  }
0x98: {  	[sflag:s29] =	ssyncset.done $0x0  }
0x99: {  	[sflag:s29] =	ssyncadd.s32 $0xFFFFFF88  }
0x9a: {  	_ =	swait.ge [sflag:s20], $0x100  }
0x9b: {  	[sflag:s20] =	ssyncset.done $0x0  }
0x9c: {  	[sflag:s20] =	ssyncadd.s32 $0xFFFFFF00  }
0x9d: {  	[tilespmem:s0], [sflag:$0x4] =	stream.indirect.gather [hbm4b:s1+s8], $0x80, s5, s8, $0xb8;
	[tilespmem:$0x1F680] =	vst v63  }
0x9e: {  	s26 =	sadd.s32 $0x0, s24  }
0x9f: {  	[tilespmem:s30], [sflag:$0x2] =	stream.linear.gather [hbm4b:s26+s5], $0x100, $0x38;
	[tilespmem:$0x1F680] =	vst v63  }
0xa0: {  	_ =	swait.ge [sflag:s21], $0x3C00  }
0xa1: {  	[sflag:s21] =	ssyncset.done $0x0  }
0xa2: {  	[sflag:s21] =	ssyncadd.s32 $0xFFFFC400  }
0xa3: {  	[spmem:s2] =	stream.indirect.scatter.add.f32 [tilespmem:s17], [sflag:$0x7], $0x80, s22, s8, $0xb8;
	[tilespmem:$0x1F680] =	vst v63  }
0xa4: {  	_ =	swait.ge [sflag:s29], $0x3C00  }
0xa5: {  	[sflag:s29] =	ssyncset.done $0x0  }
0xa6: {  	[sflag:s29] =	ssyncadd.s32 $0xFFFFC400  }
0xa7: {  	[spmem:s3] =	stream.indirect.scatter.add.f32 [tilespmem:s14], [sflag:$0x7], $0x1, s22, s8, $0xb8;
	[tilespmem:$0x1F680] =	vst v63  }
0xa8: {  	_ =	swait.ge [sflag:s29], $0x78  }
0xa9: {  	[sflag:s29] =	ssyncset.done $0x0  }
0xaa: {  	[sflag:s29] =	ssyncadd.s32 $0xFFFFFF88  }
0xab: {  	_ =	swait.ge [sflag:s10], $0x100  }
0xac: {  	s28 =	sadd.s32 $0x300, s25;
	[sflag:s10] =	ssyncset.done $0x0;
	s7 =	rddreg [dreg:$0x6]  }
0xad: {  	s26 =	simm.s32 $0x60;
	[sflag:s10] =	ssyncadd.s32 $0xFFFFFF00;
	s7 =	sadd.s32 $0x0, s7  }
0xae: {  	[tilespmem:s11], [sflag:$0x5] =	stream.indirect.gather [hbm4b:s1+s8], $0x80, s30, s8, $0xb8;
	[tilespmem:$0x1F680] =	vst v63  }
.LBB2_4:
0xaf: {  	[tilespmem:s31], [sflag:$0x3] =	stream.linear.gather [hbm4b:s7+s5], $0x100, $0x38;
	[tilespmem:$0x1F680] =	vst v63  }
0xb0: {  	_ =	swait.ge [sflag:s12], $0x3C00  }
0xb1: {  	[sflag:s12] =	ssyncset.done $0x0  }
0xb2: {  	[sflag:s12] =	ssyncadd.s32 $0xFFFFC400  }
0xb3: {  	[spmem:s2] =	stream.indirect.scatter.add.f32 [tilespmem:s0], [sflag:$0x7], $0x80, s13, s8, $0xb8;
	[tilespmem:$0x1F680] =	vst v63  }
0xb4: {  	_ =	swait.ge [sflag:s29], $0x3C00  }
0xb5: {  	[sflag:s29] =	ssyncset.done $0x0  }
0xb6: {  	[sflag:s29] =	ssyncadd.s32 $0xFFFFC400  }
0xb7: {  	[spmem:s3] =	stream.indirect.scatter.add.f32 [tilespmem:s14], [sflag:$0x7], $0x1, s13, s8, $0xb8;
	[tilespmem:$0x1F680] =	vst v63  }
0xb8: {  	_ =	swait.ge [sflag:s29], $0x78  }
0xb9: {  	[sflag:s29] =	ssyncset.done $0x0  }
0xba: {  	[sflag:s29] =	ssyncadd.s32 $0xFFFFFF88  }
0xbb: {  	_ =	swait.ge [sflag:s16], $0x100  }
0xbc: {  	[sflag:s16] =	ssyncset.done $0x0  }
0xbd: {  	s25 =	sshrl.u32 s28, $0x3;
	[sflag:s16] =	ssyncadd.s32 $0xFFFFFF00  }
0xbe: {  	[tilespmem:s17], [sflag:$0x6] =	stream.indirect.gather [hbm4b:s1+s8], $0x80, s31, s8, $0xb8;
	[tilespmem:$0x1F680] =	vst v63  }
0xbf: {  	s25 =	sadd.s32 s6, s25  }
0xc0: {  	[tilespmem:s5], [sflag:$0x1] =	stream.linear.gather [hbm4b:s25+s5], $0x100, $0x38;
	[tilespmem:$0x1F680] =	vst v63  }
0xc1: {  	_ =	swait.ge [sflag:s18], $0x3C00  }
0xc2: {  	[sflag:s18] =	ssyncset.done $0x0  }
0xc3: {  	[sflag:s18] =	ssyncadd.s32 $0xFFFFC400  }
0xc4: {  	[spmem:s2] =	stream.indirect.scatter.add.f32 [tilespmem:s11], [sflag:$0x7], $0x80, s19, s8, $0xb8;
	[tilespmem:$0x1F680] =	vst v63  }
0xc5: {  	_ =	swait.ge [sflag:s29], $0x3C00  }
0xc6: {  	[sflag:s29] =	ssyncset.done $0x0  }
0xc7: {  	[sflag:s29] =	ssyncadd.s32 $0xFFFFC400  }
0xc8: {  	[spmem:s3] =	stream.indirect.scatter.add.f32 [tilespmem:s14], [sflag:$0x7], $0x1, s19, s8, $0xb8;
	[tilespmem:$0x1F680] =	vst v63  }
0xc9: {  	_ =	swait.ge [sflag:s29], $0x78  }
0xca: {  	[sflag:s29] =	ssyncset.done $0x0  }
0xcb: {  	[sflag:s29] =	ssyncadd.s32 $0xFFFFFF88  }
0xcc: {  	_ =	swait.ge [sflag:s20], $0x100  }
0xcd: {  	[sflag:s20] =	ssyncset.done $0x0  }
0xce: {  	s7 =	smov.u32 s26;
	[sflag:s20] =	ssyncadd.s32 $0xFFFFFF00  }
0xcf: {  	[tilespmem:s0], [sflag:$0x4] =	stream.indirect.gather [hbm4b:s1+s8], $0x80, s5, s8, $0xb8;
	[tilespmem:$0x1F680] =	vst v63  }
0xd0: {  	s25 =	sadd.s32 s7, s24  }
0xd1: {  	[tilespmem:s30], [sflag:$0x2] =	stream.linear.gather [hbm4b:s25+s5], $0x100, $0x38;
	[tilespmem:$0x1F680] =	vst v63  }
0xd2: {  	_ =	swait.ge [sflag:s21], $0x3C00  }
0xd3: {  	[sflag:s21] =	ssyncset.done $0x0  }
0xd4: {  	[sflag:s21] =	ssyncadd.s32 $0xFFFFC400  }
0xd5: {  	[spmem:s2] =	stream.indirect.scatter.add.f32 [tilespmem:s17], [sflag:$0x7], $0x80, s22, s8, $0xb8;
	[tilespmem:$0x1F680] =	vst v63  }
0xd6: {  	_ =	swait.ge [sflag:s29], $0x3C00  }
0xd7: {  	[sflag:s29] =	ssyncset.done $0x0  }
0xd8: {  	[sflag:s29] =	ssyncadd.s32 $0xFFFFC400  }
0xd9: {  	[spmem:s3] =	stream.indirect.scatter.add.f32 [tilespmem:s14], [sflag:$0x7], $0x1, s22, s8, $0xb8;
	[tilespmem:$0x1F680] =	vst v63  }
0xda: {  	_ =	swait.ge [sflag:s29], $0x78  }
0xdb: {  	p0 =	sne.s32 s26, $0x9C0;
	[sflag:s29] =	ssyncset.done $0x0  }
.Ltmp1:
0xdc: {  	[sflag:s29] =	ssyncadd.s32 $0xFFFFFF88;
	(pc) =	sbr.rel @p0 .LBB2_4-.Ltmp1, $4  }
0xdd: {  	_ =	swait.ge [sflag:s10], $0x100  }
0xde: {  	s26 =	sadd.s32 $0x60, s26;
	[sflag:s10] =	ssyncset.done $0x0;
	s25 =	rddreg [dreg:$0x6]  }
0xdf: {  	s28 =	sadd.s32 $0x300, s28;
	[sflag:s10] =	ssyncadd.s32 $0xFFFFFF00;
	s7 =	sadd.s32 s7, s25  }
0xe0: {  	[tilespmem:s11], [sflag:$0x5] =	stream.indirect.gather [hbm4b:s1+s8], $0x80, s30, s8, $0xb8;
	[tilespmem:$0x1F680] =	vst v63  }
0xe1: {  	[tilespmem:s31], [sflag:$0x3] =	stream.linear.gather [hbm4b:s7+s5], $0x100, $0x38;
	[tilespmem:$0x1F680] =	vst v63  }
0xe2: {  	_ =	swait.ge [sflag:s12], $0x3C00  }
0xe3: {  	[sflag:s12] =	ssyncset.done $0x0  }
0xe4: {  	[sflag:s12] =	ssyncadd.s32 $0xFFFFC400  }
0xe5: {  	[spmem:s2] =	stream.indirect.scatter.add.f32 [tilespmem:s0], [sflag:$0x7], $0x80, s13, s8, $0xb8;
	[tilespmem:$0x1F680] =	vst v63  }
0xe6: {  	_ =	swait.ge [sflag:s29], $0x3C00  }
0xe7: {  	[sflag:s29] =	ssyncset.done $0x0  }
0xe8: {  	[sflag:s29] =	ssyncadd.s32 $0xFFFFC400  }
0xe9: {  	[spmem:s3] =	stream.indirect.scatter.add.f32 [tilespmem:s14], [sflag:$0x7], $0x1, s13, s8, $0xb8;
	[tilespmem:$0x1F680] =	vst v63  }
0xea: {  	_ =	swait.ge [sflag:s29], $0x78  }
0xeb: {  	[sflag:s29] =	ssyncset.done $0x0  }
0xec: {  	[sflag:s29] =	ssyncadd.s32 $0xFFFFFF88  }
0xed: {  	_ =	swait.ge [sflag:s16], $0x100  }
0xee: {  	[sflag:s16] =	ssyncset.done $0x0  }
0xef: {  	[sflag:s16] =	ssyncadd.s32 $0xFFFFFF00  }
0xf0: {  	[tilespmem:s17], [sflag:$0x6] =	stream.indirect.gather [hbm4b:s1+s8], $0x80, s31, s8, $0xb8;
	[tilespmem:$0x1F680] =	vst v63  }
0xf1: {  	s26 =	rddreg [dreg:$0x17]  }
0xf2: {  	[tilespmem:s5], [sflag:$0x1] =	stream.linear.gather [hbm4b:s26+s5], $0x100, $0x38;
	[tilespmem:$0x1F680] =	vst v63  }
0xf3: {  	_ =	swait.ge [sflag:s18], $0x3C00  }
0xf4: {  	[sflag:s18] =	ssyncset.done $0x0  }
0xf5: {  	[sflag:s18] =	ssyncadd.s32 $0xFFFFC400  }
0xf6: {  	[spmem:s2] =	stream.indirect.scatter.add.f32 [tilespmem:s11], [sflag:$0x7], $0x80, s19, s8, $0xb8;
	[tilespmem:$0x1F680] =	vst v63  }
0xf7: {  	_ =	swait.ge [sflag:s29], $0x3C00  }
0xf8: {  	[sflag:s29] =	ssyncset.done $0x0  }
0xf9: {  	[sflag:s29] =	ssyncadd.s32 $0xFFFFC400  }
0xfa: {  	[spmem:s3] =	stream.indirect.scatter.add.f32 [tilespmem:s14], [sflag:$0x7], $0x1, s19, s8, $0xb8;
	[tilespmem:$0x1F680] =	vst v63  }
0xfb: {  	_ =	swait.ge [sflag:s29], $0x78  }
0xfc: {  	[sflag:s29] =	ssyncset.done $0x0  }
0xfd: {  	[sflag:s29] =	ssyncadd.s32 $0xFFFFFF88  }
0xfe: {  	_ =	swait.ge [sflag:s20], $0x100  }
0xff: {  	[sflag:s20] =	ssyncset.done $0x0  }
0x100: {  	[sflag:s20] =	ssyncadd.s32 $0xFFFFFF00  }
0x101: {  	[tilespmem:s0], [sflag:$0x4] =	stream.indirect.gather [hbm4b:s1+s8], $0x80, s5, s8, $0xb8;
	[tilespmem:$0x1F680] =	vst v63  }
0x102: {  	s28 =	rddreg [dreg:$0x18]  }
0x103: {  	[tilespmem:s30], [sflag:$0x2] =	stream.linear.gather [hbm4b:s28+s5], $0x100, $0x38;
	[tilespmem:$0x1F680] =	vst v63  }
0x104: {  	_ =	swait.ge [sflag:s21], $0x3C00  }
0x105: {  	[sflag:s21] =	ssyncset.done $0x0  }
0x106: {  	[sflag:s21] =	ssyncadd.s32 $0xFFFFC400  }
0x107: {  	[spmem:s2] =	stream.indirect.scatter.add.f32 [tilespmem:s17], [sflag:$0x7], $0x80, s22, s8, $0xb8;
	[tilespmem:$0x1F680] =	vst v63  }
0x108: {  	_ =	swait.ge [sflag:s29], $0x3C00  }
0x109: {  	[sflag:s29] =	ssyncset.done $0x0  }
0x10a: {  	[sflag:s29] =	ssyncadd.s32 $0xFFFFC400  }
0x10b: {  	[spmem:s3] =	stream.indirect.scatter.add.f32 [tilespmem:s14], [sflag:$0x7], $0x1, s22, s8, $0xb8;
	[tilespmem:$0x1F680] =	vst v63  }
0x10c: {  	_ =	swait.ge [sflag:s29], $0x78  }
0x10d: {  	[sflag:s29] =	ssyncset.done $0x0  }
0x10e: {  	[sflag:s29] =	ssyncadd.s32 $0xFFFFFF88  }
0x10f: {  	_ =	swait.ge [sflag:s10], $0x100  }
0x110: {  	[sflag:s10] =	ssyncset.done $0x0  }
0x111: {  	[sflag:s10] =	ssyncadd.s32 $0xFFFFFF00  }
0x112: {  	[tilespmem:s11], [sflag:$0x5] =	stream.indirect.gather [hbm4b:s1+s8], $0x80, s30, s8, $0xb8;
	[tilespmem:$0x1F680] =	vst v63  }
0x113: {  	_ =	swait.ge [sflag:s12], $0x3C00  }
0x114: {  	[sflag:s12] =	ssyncset.done $0x0  }
0x115: {  	[sflag:s12] =	ssyncadd.s32 $0xFFFFC400  }
0x116: {  	[spmem:s2] =	stream.indirect.scatter.add.f32 [tilespmem:s0], [sflag:$0x7], $0x80, s13, s8, $0xb8;
	[tilespmem:$0x1F680] =	vst v63  }
0x117: {  	_ =	swait.ge [sflag:s29], $0x3C00  }
0x118: {  	[sflag:s29] =	ssyncset.done $0x0  }
0x119: {  	[sflag:s29] =	ssyncadd.s32 $0xFFFFC400  }
0x11a: {  	[spmem:s3] =	stream.indirect.scatter.add.f32 [tilespmem:s14], [sflag:$0x7], $0x1, s13, s8, $0xb8;
	[tilespmem:$0x1F680] =	vst v63  }
0x11b: {  	_ =	swait.ge [sflag:s29], $0x78  }
0x11c: {  	[sflag:s29] =	ssyncset.done $0x0  }
0x11d: {  	[sflag:s29] =	ssyncadd.s32 $0xFFFFFF88  }
0x11e: {  	_ =	swait.ge [sflag:s18], $0x3C00  }
0x11f: {  	[sflag:s18] =	ssyncset.done $0x0  }
0x120: {  	[sflag:s18] =	ssyncadd.s32 $0xFFFFC400  }
0x121: {  	[spmem:s2] =	stream.indirect.scatter.add.f32 [tilespmem:s11], [sflag:$0x7], $0x80, s19, s8, $0xb8;
	[tilespmem:$0x1F680] =	vst v63  }
0x122: {  	_ =	swait.ge [sflag:s29], $0x3C00  }
0x123: {  	[sflag:s29] =	ssyncset.done $0x0  }
0x124: {  	[sflag:s29] =	ssyncadd.s32 $0xFFFFC400  }
0x125: {  	[spmem:s3] =	stream.indirect.scatter.add.f32 [tilespmem:s14], [sflag:$0x7], $0x1, s19, s8, $0xb8;
	[tilespmem:$0x1F680] =	vst v63  }
0x126: {  	_ =	swait.ge [sflag:s29], $0x78  }
0x127: {  	[sflag:s29] =	ssyncset.done $0x0  }
0x128: {  	s25 =	stileid.u32;
	[sflag:s29] =	ssyncadd.s32 $0xFFFFFF88  }
0x129: {  	s7 =	sshll.u32 s25, $0x6;
	[bflag:$0x0] =	sbarrier.arrive $0xFFFF  }
0x12a: {  	s25 =	sshrl.u32 s9, $0x3;
	s7 =	sor.u32 $0x1C07, s7;
	s26 =	rddreg [dreg:$0x14]  }
0x12b: {  	[hbm:s26], [sflag:s7] =	dma.local [spmem:s25], $0x2780  }
0x12c: {  	_ =	swait.ge [sflag:s29], $0x2780  }
0x12d: {  	[sflag:s29] =	ssyncset.done $0x0  }
0x12e: {  	s26 =	sshrl.u32 s15, $0x3;
	s28 =	rddreg [dreg:$0x12];
	[sflag:s29] =	ssyncadd.s32 $0xFFFFD880  }
0x12f: {  	[hbm:s28], [sflag:s7] =	dma.local [spmem:s26], $0x50  }
0x130: {  	_ =	swait.ge [sflag:s29], $0x50  }
0x131: {  	s23 =	sadd.s32 $0x1, s23;
	s28 =	rddreg [dreg:$0x15]  }
0x132: {  	p0 =	sne.s32 s23, s28  }
.Ltmp2:
0x133: {  	_ = 	snop;
	(pc) =	sbr.rel @p0 .LBB2_1-.Ltmp2, $3  }
0x134: {  	_ =	sdelay $0x1  }
0x135: {  	[sflag:s29] =	ssyncset.done $0x0  }
0x136: {  	[sflag:s29] =	ssyncadd.s32 $0xFFFFFFB0  }
0x137: {  	_ =	sfence.sel $0x180000  }
0x138: {  	[bflag:$0x0] =	sbarrier.arrive $0xFFFF  }
0x139: {  	_ =	strace $0x90000047  }
0x13a: {  	s0 =	stileid.u32;
	[bflag:$0x2] =	sbarrier.arrive $0xFFFF  }
0x13b: {  	p0 =	sne.s32 s0, $0x0;
	s0 =	rddreg [dreg:$0x5]  }
0x13c: {  	s0 =	sadd.s32 @!p0 $0x100000, s0  }
0x13d: {  	[sflag:s0] =	ssyncadd.tile.s32 @!p0 $0x1;
	_ =	shalt  }
.Lfunc_end2:
_tile_overlayer_lowered:
.L_overlay_start_2:
0x13e: {  	(tag) =	ssettag $0x2  }
0x13f: {  	s0 =	rddreg [dreg:$0x0];
	s2 =	stileid.u32  }
0x140: {  	s1 =	rddreg [dreg:$0x1];
	p0 =	sne.s32 s2, $0x0  }
0x141: {  	s3 =	rddreg [dreg:$0x2];
	[bflag:$0x3] =	sbarrier.arrive $0xFFFF;
	s2 =	simm.s32 @!p0 $0x1C07  }
0x142: {  	[timem:s3], [sflag:s2] =	dma.local @!p0 [hbm:s0], s1  }
0x143: {  	s0 =	simm.s32 @!p0 $0x7  }
0x144: {  	_ =	swait.ge @!p0 [sflag:s0], s1  }
0x145: {  	s1 =	ssub.s32 @!p0 $0x0, s1;
	[sflag:s0] =	ssyncset.done @!p0 $0x0  }
0x146: {  	[sflag:s0] =	ssyncadd.s32 @!p0 s1  }
0x147: {  	[bflag:$0x3] =	sbarrier.arrive $0xFFFF  }
0x148: {  	_ =	shalt  }

// kernel: sage_sc_agg3.3.cloned.1.call-start
scs
__scs_entry_jumppad:
0x0: {  	(pc) =	sbr.rel $0x88, $3  }
0x1: {  	(tag) =	ssettag $0x0;
	lr =	simm.s32 $0x1  }
0x2: {  	[smem:$0x3F99] =	sst lr;
	_ =	strace $0xD0000000  }
0x3: {  	_ = 	snop  }
0x4: {  	_ = 	snop  }
0x5: {  	_ = 	snop  }
0x6: {  	_ = 	snop  }
0x7: {  	_ = 	snop  }
__scs_overlays_trampoline_lowered:
0x8: {  	[smem:$0x3FA8] =	sst s0  }
0x9: {  	[smem:$0x3FA9] =	sst s1  }
0xa: {  	[smem:$0x3FAA] =	sst s2  }
0xb: {  	[smem:$0x3FAB] =	sst s3  }
0xc: {  	[smem:$0x3FAC] =	sst s4  }
0xd: {  	[smem:$0x3FAD] =	sst s5  }
0xe: {  	[smem:$0x3FAE] =	sst s6  }
0xf: {  	[smem:$0x3FAF] =	sst s7  }
0x10: {  	[smem:$0x3FB0] =	sst s8  }
0x11: {  	[smem:$0x3FB1] =	sst s9;
	s0 =	simm.s32 @!p0 $0x0  }
0x12: {  	s1 =	sld [smem:$0x3F97];
	s0 =	simm.s32 @p0 $0x1  }
0x13: {  	[smem:$0x3FB2] =	sst s0;
	s0 =	simm.s32 @!p1 $0x0  }
0x14: {  	s2 =	sld [smem:$0x3F96];
	s0 =	simm.s32 @p1 $0x1  }
0x15: {  	[smem:$0x3FB3] =	sst s0;
	s0 =	simm.s32 @!p2 $0x0  }
0x16: {  	s3 =	sld [smem:$0x3FDB];
	s0 =	simm.s32 @p2 $0x1  }
0x17: {  	s4 =	simm.s32 $0x1BF5;
	[smem:$0x3FB5] =	sst s0  }
0x18: {  	s0 =	sld [smem:$0x3F98];
	_ =	swait.ge [sflag:s4], $0x0  }
0x19: {  	s7 =	sld [smem:$0x3F99]  }
0x1a: {  	s8 =	sadd.s32 $0xFFFFE003, lr  }
0x1b: {  	s9 =	sadd.s32 $0xFFFFFEF7, lr;
	s5 =	simm.s32 $0xFFFFFFFF;
	p2 =	slt.u32 s8, $0xFFFFF086  }
0x1c: {  	p1 =	slt.u32 s9, $0xF7A;
	s5 =	simm.s32 @!p2 $0x0  }
0x1d: {  	s5 =	simm.s32 @p1 $0x1;
	p0 =	seq.s32 s7, s2  }
0x1e: {  	s7 =	smul.u32 @!p0 $0xF7A, s2;
	p2 =	seq.s32 @!p0 s5, $0x0  }
0x1f: {  	s9 =	smul.u32 $0xF7A, s1;
	s8 =	simm.s32 @!p0 $0x1BF5;
	p2 =	por !p2, p0  }
0x20: {  	[sflag:s8] =	ssyncset.s32 @!p0 $0xFFFFF086;
	s6 =	sadd.s32 @!p0 s3, s7;
	s7 =	simm.s32 @!p0 $0x108  }
0x21: {  	s3 =	sadd.s32 s3, s9;
	s6 =	sadd.s32 @!p0 $0x88, s6;
	s7 =	simm.s32 @p2 $0x1082  }
0x22: {  	[simem:s7], [sflag:s8] =	dma.local @!p0 [hbm:s6], $0xF7A  }
0x23: {  	s9 =	sor.u32 $0xD0000000, s2;
	s6 =	simm.s32 $0x108;
	_ =	swait.ge @!p0 [sflag:s8], $0x0  }
0x24: {  	s3 =	sadd.s32 $0x88, s3;
	s6 =	simm.s32 @!p1 $0x1082;
	[sflag:s4] =	ssyncset.s32 $0xFFFFF086  }
0x25: {  	[simem:s6], [sflag:s4] =	dma.local [hbm:s3], $0xF7A  }
0x26: {  	[smem:$0x3F99] =	sst s1;
	(tag) =	ssettag s2;
	_ =	strace s9  }
0x27: {  	s1 =	sld [smem:$0x3FA9]  }
0x28: {  	s2 =	sld [smem:$0x3FAA]  }
0x29: {  	s4 =	sld [smem:$0x3FAC]  }
0x2a: {  	p0 =	seq.s32 s5, $0x0;
	s5 =	sld [smem:$0x3FAD]  }
0x2b: {  	s6 =	sld [smem:$0x3FAE]  }
0x2c: {  	s7 =	sld [smem:$0x3FAF]  }
0x2d: {  	s3 =	simm.s32 $0x108;
	s8 =	sld [smem:$0x3FB0]  }
0x2e: {  	s3 =	simm.s32 @!p0 $0x1082;
	s9 =	sld [smem:$0x3FB1]  }
0x2f: {  	lr =	sadd.s32 s0, s3;
	s0 =	sld [smem:$0x3FA8]  }
0x30: {  	s3 =	sld [smem:$0x3FAB]  }
0x31: {  	[smem:$0x3FB4] =	sst s10  }
0x32: {  	s10 =	sld [smem:$0x3FB2];
	_ =	sdelay $0x3  }
0x33: {  	p0 =	seq.s32 s10, $0x1;
	s10 =	sld [smem:$0x3FB4];
	_ =	sdelay $0x3  }
0x34: {  	[smem:$0x3FB4] =	sst s10  }
0x35: {  	s10 =	sld [smem:$0x3FB3];
	_ =	sdelay $0x3  }
0x36: {  	p1 =	seq.s32 s10, $0x1;
	s10 =	sld [smem:$0x3FB4];
	_ =	sdelay $0x3  }
0x37: {  	[smem:$0x3FB4] =	sst s10  }
0x38: {  	s10 =	sld [smem:$0x3FB5]  }
0x39: {  	_ = 	snop;
	(pc) =	sbr.ind lr, $3  }
0x3a: {  	_ = 	snop  }
0x3b: {  	_ = 	snop  }
0x3c: {  	p2 =	seq.s32 s10, $0x1;
	s10 =	sld [smem:$0x3FB4]  }
0x3d: {  	_ =	shalt  }
0x3e: {  	_ =	shalt  }
0x3f: {  	_ =	shalt  }
0x40: {  	_ =	shalt  }
0x41: {  	_ =	shalt  }
0x42: {  	_ =	shalt  }
0x43: {  	_ =	shalt  }
0x44: {  	_ =	shalt  }
0x45: {  	_ =	shalt  }
0x46: {  	_ =	shalt  }
0x47: {  	_ =	shalt  }
0x48: {  	_ =	shalt  }
0x49: {  	_ =	shalt  }
0x4a: {  	_ =	shalt  }
0x4b: {  	_ =	shalt  }
0x4c: {  	_ =	shalt  }
0x4d: {  	_ =	shalt  }
0x4e: {  	_ =	shalt  }
0x4f: {  	_ =	shalt  }
0x50: {  	_ =	shalt  }
0x51: {  	_ =	shalt  }
0x52: {  	_ =	shalt  }
0x53: {  	_ =	shalt  }
0x54: {  	_ =	shalt  }
0x55: {  	_ =	shalt  }
0x56: {  	_ =	shalt  }
0x57: {  	_ =	shalt  }
0x58: {  	_ =	shalt  }
0x59: {  	_ =	shalt  }
0x5a: {  	_ =	shalt  }
0x5b: {  	_ =	shalt  }
0x5c: {  	_ =	shalt  }
0x5d: {  	_ =	shalt  }
0x5e: {  	_ =	shalt  }
0x5f: {  	_ =	shalt  }
0x60: {  	_ =	shalt  }
0x61: {  	_ =	shalt  }
0x62: {  	_ =	shalt  }
0x63: {  	_ =	shalt  }
0x64: {  	_ =	shalt  }
0x65: {  	_ =	shalt  }
0x66: {  	_ =	shalt  }
0x67: {  	_ =	shalt  }
0x68: {  	_ =	shalt  }
0x69: {  	_ =	shalt  }
0x6a: {  	_ =	shalt  }
0x6b: {  	_ =	shalt  }
0x6c: {  	_ =	shalt  }
0x6d: {  	_ =	shalt  }
0x6e: {  	_ =	shalt  }
0x6f: {  	_ =	shalt  }
0x70: {  	_ =	shalt  }
0x71: {  	_ =	shalt  }
0x72: {  	_ =	shalt  }
0x73: {  	_ =	shalt  }
0x74: {  	_ =	shalt  }
0x75: {  	_ =	shalt  }
0x76: {  	_ =	shalt  }
0x77: {  	_ =	shalt  }
0x78: {  	_ =	shalt  }
0x79: {  	_ =	shalt  }
0x7a: {  	_ =	shalt  }
0x7b: {  	_ =	shalt  }
0x7c: {  	_ =	shalt  }
0x7d: {  	_ =	shalt  }
0x7e: {  	_ =	shalt  }
0x7f: {  	_ =	shalt  }
0x80: {  	_ =	shalt  }
0x81: {  	_ =	shalt  }
0x82: {  	_ =	shalt  }
0x83: {  	_ =	shalt  }
0x84: {  	_ =	shalt  }
0x85: {  	_ =	shalt  }
0x86: {  	_ =	shalt  }
0x87: {  	_ =	shalt  }
.Lfunc_end0:
.L_simem_size_0:
called_computation.1_lowered:
.L_overlay_start_0:
0x88: {  	s2 =	sld [smem:$0x3FD9]  }
0x89: {  	s3 =	sld [smem:$0x3FFE];
	_ =	sdelay $0x1  }
0x8a: {  	s1 =	srdreg.scid  }
0x8b: {  	s0 =	sand.u32 $0x1, s1  }
0x8c: {  	s17 =	sshll.u32 s0, $0xA;
	s2 =	sadd.s32 s3, s2  }
0x8d: {  	s2 =	sadd.s32 s2, s17  }
0x8e: {  	[smem:$0x3FC0] =	sst s2  }
0x8f: {  	_ = 	snop  }
0x90: {  	s2 =	sld [smem:$0x3FD0];
	(tm) =	ssettm $0x1  }
0x91: {  	s18 =	sld [smem:$0x3FFB];
	_ =	sdelay $0x3  }
0x92: {  	_ =	strace s18  }
0x93: {  	s3 =	sld [smem:$0x3FFC];
	_ =	sdelay $0x3  }
0x94: {  	_ =	strace s3  }
0x95: {  	s3 =	sld [smem:$0x3FFD];
	_ =	sdelay $0x3  }
0x96: {  	_ =	strace s3  }
0x97: {  	_ =	strace $0x8FFFFFFF  }
0x98: {  	s19 =	sld [smem:$0x3FDB];
	_ =	sdelay $0x1  }
0x99: {  	s4 =	simm.s32 $_scs_section_size  }
0x9a: {  	s5 =	simm.s32 $_size__tile_overlayer_lowered;
	s6 =	simm.s32 $_tile_overlayer_lowered  }
0x9b: {  	s22 =	simm.s32 $0x1BFF;
	s21 =	sshll.u32 s6, $0x1;
	s3 =	sadd.s32 s4, s19  }
0x9c: {  	s7 =	simm.s32 $0x0;
	s20 =	sshll.u32 s5, $0x1;
	s5 =	sadd.s32 s21, s3  }
0x9d: {  	[timem:s7], [sflag:s22] =	dma.local [hbm:s5], s20  }
0x9e: {  	_ =	swait.ge [sflag:s22], s20  }
0x9f: {  	s4 =	ssub.s32 $0x0, s20;
	[sflag:s22] =	ssyncset.done $0x0  }
0xa0: {  	[sflag:s22] =	ssyncadd.s32 s4;
	_ =	sdelay $0x1  }
0xa1: {  	s23 =	simm.s32 $0x1B8B  }
0xa2: {  	_ =	swait.ge [sflag:s23], $0x1  }
0xa3: {  	[sflag:s23] =	ssyncset.done $0x0  }
0xa4: {  	s25 =	simm.s32 $0x1B8E;
	s24 =	sld [smem:$0x3FFE];
	[sflag:s23] =	ssyncadd.s32 $0xFFFFFFFF  }
0xa5: {  	s26 =	simm.s32 $execute0_lowered;
	[smem:$0x3FD2] =	sst s25  }
0xa6: {  	s5 =	sshll.u32 s26, $0x1;
	_ =	strace $0x80000049;
	[dreg:$0x1] =	wrdreg $0xFFFFFFFF  }
0xa7: {  	s28 =	simm.s32 $_size_execute0_lowered;
	s3 =	sadd.s32 s3, s5;
	[dreg:$0x0] =	wrdreg $0x0  }
0xa8: {  	s5 =	sshll.u32 s28, $0x1;
	[dreg:$0x2] =	wrdreg s3  }
0xa9: {  	[dreg:$0x3] =	wrdreg s5  }
0xaa: {  	[dreg:$0x4] =	wrdreg $0xC0  }
0xab: {  	_ =	task [dreg:s7], $0x5FFFF  }
0xac: {  	[dreg:$0x1] =	wrdreg $0xFFFFFFFF  }
0xad: {  	[dreg:$0x0] =	wrdreg $0x60  }
0xae: {  	[dreg:$0x2] =	wrdreg s2  }
0xaf: {  	[dreg:$0x3] =	wrdreg s24  }
0xb0: {  	[dreg:$0x4] =	wrdreg $0xB7000  }
0xb1: {  	[dreg:$0x5] =	wrdreg $0x9  }
0xb2: {  	_ =	task.clear_ibuf [dreg:s7], $0x6FFFF;
	_ =	strace $0x90000049  }
0xb3: {  	s29 =	simm.s32 $0x9;
	_ =	strace $0x8000004B  }
0xb4: {  	_ =	swait.ge [sflag:s29], $0x1  }
0xb5: {  	[sflag:s29] =	ssyncadd.s32 $0xFFFFFFFF  }
0xb6: {  	_ =	strace $0x9000004B  }
0xb7: {  	_ =	sfence  }
0xb8: {  	s30 =	sld [smem:$0x0];
	_ =	sdelay $0x2  }
0xb9: {  	s31 =	sshll.u32 s1, $0xD;
	s1 =	sshrl.u32 s1, $0x2  }
0xba: {  	s3 =	sand.u32 $0x4000, s31;
	s1 =	sadd.s32 s1, s30  }
0xbb: {  	s0 =	sor.u32 s3, s0;
	s1 =	sshll.u32 s1, $0x11  }
0xbc: {  	s0 =	sor.u32 s1, s0  }
0xbd: {  	s0 =	sadd.s32 $0x8F2B, s0  }
0xbe: {  	[sflag:s0] =	ssyncadd.remote.s32 $0x1  }
0xbf: {  	_ =	sfence.sel $0xFFFF  }
0xc0: {  	[dreg:$0x0] =	wrdreg $0xFFFFFFFF;
	(pc) =	sbr.abs _section_cstart, $3  }
0xc1: {  	[dreg:$0x1] =	wrdreg $0xFFFFFFFF  }
0xc2: {  	_ =	task.clear_ibuf [dreg:s7], $0x2FFFF;
	_ =	strace $0x9FFFFFFF  }
0xc3: {  	(tm) =	ssettm $0x7FFFFFFF  }
tec
execute0_lowered:
.L_overlay_start_1:
0x0: {  	(tag) =	ssettag $0x1  }
0x1: {  	s1 =	rddreg [dreg:$0x0]  }
0x2: {  	s0 =	rddreg [dreg:$0x1]  }
0x3: {  	s2 =	rddreg [dreg:$0x2]  }
0x4: {  	s3 =	srdreg.scid;
	s11 =	stileid.u32  }
0x5: {  	s4 =	simm.s32 $0x0;
	s28 =	simm.s32 $0x2;
	s7 =	smul.u32 $0x13C00, s11  }
0x6: {  	s29 =	simm.s32 $0x3F00;
	s30 =	simm.s32 $0x4;
	s9 =	smul.u32 $0x4F000, s11  }
0x7: {  	s31 =	simm.s32 $0x80;
	s3 =	sand.u32 $0x1, s3;
	s18 =	smul.u32 $0x5600, s11  }
0x8: {  	[smem:$0x7FF] =	sst s4;
	s6 =	smul.u32 $0x13C000, s3;
	s5 =	sshll.u32 s3, $0x4  }
0x9: {  	_ =	strace $0x8000004A;
	s12 =	ssub.s32 $0x2, s3;
	s3 =	smul.u32 $0x56000, s3  }
0xa: {  	s8 =	sor.u32 s11, s5;
	s5 =	sadd.s32 $0x2C00, s0;
	s13 =	sshrl.u32 s12, $0x1  }
0xb: {  	s14 =	sshrl.u32 s9, $0x2;
	s9 =	simm.s32 $0x180;
	s11 =	simm.s32 $0x6  }
0xc: {  	s6 =	sadd.s32 s7, s6;
	s10 =	smul.u32 $0x5600, s8;
	s8 =	sadd.s32 s14, s2  }
0xd: {  	s23 =	sadd.s32 s18, s3;
	s6 =	sshrl.u32 s6, $0x3;
	s17 =	sadd.s32 $0x3C00, s8  }
0xe: {  	s19 =	sadd.s32 $0x7800, s8;
	s20 =	sadd.s32 $0xB400, s8;
	[dreg:$0x6] =	wrdreg s17  }
0xf: {  	s21 =	sadd.s32 $0xF000, s8;
	s22 =	sadd.s32 $0x12C00, s8;
	[dreg:$0x7] =	wrdreg s19  }
0x10: {  	s25 =	sadd.s32 $0x500, s23;
	s0 =	sadd.s32 s6, s0;
	[dreg:$0x8] =	wrdreg s20  }
0x11: {  	s7 =	sshrl.u32 s10, $0x3;
	s10 =	ssub.s32 s12, s13;
	[dreg:$0x9] =	wrdreg s21  }
0x12: {  	[dreg:$0xa] =	wrdreg s22;
	s3 =	sshrl.u32 s25, $0x3;
	s21 =	sadd.s32 $0x300, s23  }
0x13: {  	s22 =	simm.s32 $0x7;
	s25 =	simm.s32 $0x300;
	s12 =	simm.s32 $0x280  }
0x14: {  	s13 =	simm.s32 $0x0;
	s6 =	sadd.s32 s5, s7;
	s0 =	sadd.s32 $0x40400, s0  }
0x15: {  	s24 =	smax.u32 s10, $0x1;
	s7 =	sadd.s32 $0x400, s23;
	s19 =	sadd.s32 s3, s5  }
0x16: {  	s23 =	simm.s32 $0x100;
	s3 =	simm.s32 $0x7B00;
	[dreg:$0xb] =	wrdreg s0  }
0x17: {  	s10 =	simm.s32 $0x1;
	s15 =	sadd.s32 $0x20, s6;
	[dreg:$0xc] =	wrdreg s24  }
0x18: {  	s16 =	sadd.s32 $0x40, s6;
	s26 =	sadd.s32 $0xA80, s6;
	[dreg:$0x4] =	wrdreg s15  }
0x19: {  	s7 =	sshrl.u32 s7, $0x3;
	s18 =	sadd.s32 $0xAA0, s6;
	[dreg:$0x5] =	wrdreg s16  }
0x1a: {  	s24 =	simm.s32 $0x200;
	s0 =	simm.s32 $0x3;
	[dreg:$0xd] =	wrdreg s26  }
0x1b: {  	v0 =	vimm.f32 $0.0e+00;
	s20 =	sadd.s32 s7, s5;
	s26 =	simm.s32 $0x78;
	s7 =	simm.s32 $0x5  }
.LBB2_1:
0x1c: {  	[tilespmem:s4], [sflag:$0x7] =	stream.linear.gather [hbm4b:s6+s4], $0x100, $0x38;
	[tilespmem:$0x1F300] =	vst v63  }
0x1d: {  	_ =	swait.ge [sflag:s22], $0x100  }
0x1e: {  	[sflag:s22] =	ssyncset.done $0x0  }
0x1f: {  	s14 =	rddreg [dreg:$0x4];
	[sflag:s22] =	ssyncadd.s32 $0xFFFFFF00  }
0x20: {  	[tilespmem:s23], [sflag:$0x2] =	stream.linear.gather [hbm4b:s14+s4], $0x100, $0x38;
	[tilespmem:$0x1F300] =	vst v63  }
0x21: {  	s15 =	simm.s32 $0x200;
	s17 =	rddreg [dreg:$0x5];
	s14 =	simm.s32 $0x0  }
0x22: {  	[tilespmem:s24], [sflag:$0x3] =	stream.linear.gather [hbm4b:s17+s4], $0x100, $0x38;
	[tilespmem:$0x1F300] =	vst v63  }
.LBB2_2:
0x23: {  	p0 =	sne.s32 s15, $0xEE00;
	[tilespmem:s14+$0x370] =	vst v0  }
0x24: {  	[tilespmem:s14+$0x300] =	vst v0  }
0x25: {  	[tilespmem:s14+$0x310] =	vst v0  }
.Ltmp0:
0x26: {  	[tilespmem:s14+$0x320] =	vst v0;
	(pc) =	sbr.rel @p0 .LBB2_2-.Ltmp0, $4  }
0x27: {  	[tilespmem:s14+$0x330] =	vst v0  }
0x28: {  	[tilespmem:s14+$0x340] =	vst v0  }
0x29: {  	[tilespmem:s14+$0x350] =	vst v0  }
0x2a: {  	[tilespmem:s14+$0x360] =	vst v0;
	s14 =	sshra.s32 s15, $0x2;
	s15 =	sadd.s32 $0x200, s15  }
0x2b: {  	[tilespmem:s14+$0x370] =	vst v0  }
0x2c: {  	[tilespmem:s14+$0x300] =	vst v0  }
0x2d: {  	[tilespmem:s14+$0x310] =	vst v0  }
0x2e: {  	[tilespmem:s14+$0x320] =	vst v0  }
0x2f: {  	[tilespmem:s14+$0x330] =	vst v0  }
0x30: {  	[tilespmem:s14+$0x340] =	vst v0  }
0x31: {  	[tilespmem:s14+$0x350] =	vst v0  }
0x32: {  	[tilespmem:s14+$0x360] =	vst v0  }
0x33: {  	[spmem:s8] =	stream.linear.scatter [tilespmem:s25], [sflag:$0x7], $0x3C00, $0x38;
	[tilespmem:$0x1F300] =	vst v63  }
0x34: {  	_ =	swait.ge [sflag:s22], $0x3C00  }
0x35: {  	[sflag:s22] =	ssyncset.done $0x0  }
0x36: {  	s16 =	rddreg [dreg:$0x6];
	[sflag:s22] =	ssyncadd.s32 $0xFFFFC400  }
0x37: {  	[spmem:s16] =	stream.linear.scatter [tilespmem:s25], [sflag:$0x7], $0x3C00, $0x38;
	[tilespmem:$0x1F300] =	vst v63  }
0x38: {  	_ =	swait.ge [sflag:s22], $0x3C00  }
0x39: {  	[sflag:s22] =	ssyncset.done $0x0  }
0x3a: {  	s17 =	rddreg [dreg:$0x7];
	[sflag:s22] =	ssyncadd.s32 $0xFFFFC400  }
0x3b: {  	[spmem:s17] =	stream.linear.scatter [tilespmem:s25], [sflag:$0x7], $0x3C00, $0x38;
	[tilespmem:$0x1F300] =	vst v63  }
0x3c: {  	_ =	swait.ge [sflag:s22], $0x3C00  }
0x3d: {  	[sflag:s22] =	ssyncset.done $0x0  }
0x3e: {  	s15 =	rddreg [dreg:$0x8];
	[sflag:s22] =	ssyncadd.s32 $0xFFFFC400  }
0x3f: {  	[spmem:s15] =	stream.linear.scatter [tilespmem:s25], [sflag:$0x7], $0x3C00, $0x38;
	[tilespmem:$0x1F300] =	vst v63  }
0x40: {  	_ =	swait.ge [sflag:s22], $0x3C00  }
0x41: {  	[sflag:s22] =	ssyncset.done $0x0  }
0x42: {  	s16 =	rddreg [dreg:$0x9];
	[sflag:s22] =	ssyncadd.s32 $0xFFFFC400  }
0x43: {  	[spmem:s16] =	stream.linear.scatter [tilespmem:s25], [sflag:$0x7], $0x3C00, $0x38;
	[tilespmem:$0x1F300] =	vst v63  }
0x44: {  	_ =	swait.ge [sflag:s22], $0x3C00  }
0x45: {  	[sflag:s22] =	ssyncset.done $0x0  }
0x46: {  	s17 =	rddreg [dreg:$0xa];
	[sflag:s22] =	ssyncadd.s32 $0xFFFFC400  }
0x47: {  	[spmem:s17] =	stream.linear.scatter [tilespmem:s25], [sflag:$0x7], $0x1000, $0x38;
	[tilespmem:$0x1F300] =	vst v63  }
0x48: {  	_ =	swait.ge [sflag:s22], $0x1000  }
0x49: {  	[sflag:s22] =	ssyncset.done $0x0  }
0x4a: {  	s15 =	simm.s32 $0x0;
	[sflag:s22] =	ssyncadd.s32 $0xFFFFF000  }
0x4b: {  	[tilespmem:s25], [sflag:$0x4] =	stream.indirect.gather [hbm4b:s1+s26], $0x80, s15, s26, $0xb8;
	[tilespmem:$0x1F300] =	vst v63  }
0x4c: {  	_ =	swait.ge [sflag:s28], $0x100  }
0x4d: {  	[sflag:s28] =	ssyncset.done $0x0  }
0x4e: {  	[sflag:s28] =	ssyncadd.s32 $0xFFFFFF00  }
0x4f: {  	[tilespmem:s29], [sflag:$0x5] =	stream.indirect.gather [hbm4b:s1+s26], $0x80, s23, s26, $0xb8;
	[tilespmem:$0x1F300] =	vst v63  }
0x50: {  	[bflag:$0x0] =	sbarrier.arrive $0xFFFF  }
0x51: {  	_ =	swait.ge [sflag:s30], $0x3C00  }
0x52: {  	[sflag:s30] =	ssyncset.done $0x0  }
0x53: {  	[sflag:s30] =	ssyncadd.s32 $0xFFFFC400  }
0x54: {  	[spmem:s2] =	stream.indirect.scatter.add.f32 [tilespmem:s25], [sflag:$0x7], $0x80, s31, s26, $0xb8;
	[tilespmem:$0x1F300] =	vst v63  }
0x55: {  	_ =	swait.ge [sflag:s22], $0x3C00  }
0x56: {  	[sflag:s22] =	ssyncset.done $0x0  }
0x57: {  	[sflag:s22] =	ssyncadd.s32 $0xFFFFC400  }
0x58: {  	_ =	swait.ge [sflag:s0], $0x100  }
0x59: {  	[sflag:s0] =	ssyncset.done $0x0  }
0x5a: {  	s16 =	sshrl.u32 s21, $0x3;
	[sflag:s0] =	ssyncadd.s32 $0xFFFFFF00  }
0x5b: {  	[tilespmem:s3], [sflag:$0x6] =	stream.indirect.gather [hbm4b:s1+s26], $0x80, s24, s26, $0xb8;
	[tilespmem:$0x1F300] =	vst v63  }
0x5c: {  	s14 =	sadd.s32 s5, s16  }
0x5d: {  	[tilespmem:s4], [sflag:$0x1] =	stream.linear.gather [hbm4b:s14+s4], $0x100, $0x38;
	[tilespmem:$0x1F300] =	vst v63  }
0x5e: {  	_ =	swait.ge [sflag:s7], $0x3C00  }
0x5f: {  	[sflag:s7] =	ssyncset.done $0x0  }
0x60: {  	[sflag:s7] =	ssyncadd.s32 $0xFFFFC400  }
0x61: {  	[spmem:s2] =	stream.indirect.scatter.add.f32 [tilespmem:s29], [sflag:$0x7], $0x80, s9, s26, $0xb8;
	[tilespmem:$0x1F300] =	vst v63  }
0x62: {  	_ =	swait.ge [sflag:s22], $0x3C00  }
0x63: {  	[sflag:s22] =	ssyncset.done $0x0  }
0x64: {  	[sflag:s22] =	ssyncadd.s32 $0xFFFFC400  }
0x65: {  	_ =	swait.ge [sflag:s10], $0x100  }
0x66: {  	[sflag:s10] =	ssyncset.done $0x0  }
0x67: {  	[sflag:s10] =	ssyncadd.s32 $0xFFFFFF00  }
0x68: {  	[tilespmem:s25], [sflag:$0x4] =	stream.indirect.gather [hbm4b:s1+s26], $0x80, s4, s26, $0xb8;
	[tilespmem:$0x1F300] =	vst v63  }
0x69: {  	s17 =	sadd.s32 $0x0, s20  }
0x6a: {  	[tilespmem:s23], [sflag:$0x2] =	stream.linear.gather [hbm4b:s17+s4], $0x100, $0x38;
	[tilespmem:$0x1F300] =	vst v63  }
0x6b: {  	_ =	swait.ge [sflag:s11], $0x3C00  }
0x6c: {  	[sflag:s11] =	ssyncset.done $0x0  }
0x6d: {  	[sflag:s11] =	ssyncadd.s32 $0xFFFFC400  }
0x6e: {  	[spmem:s2] =	stream.indirect.scatter.add.f32 [tilespmem:s3], [sflag:$0x7], $0x80, s12, s26, $0xb8;
	[tilespmem:$0x1F300] =	vst v63  }
0x6f: {  	_ =	swait.ge [sflag:s22], $0x3C00  }
0x70: {  	[sflag:s22] =	ssyncset.done $0x0  }
0x71: {  	[sflag:s22] =	ssyncadd.s32 $0xFFFFC400  }
0x72: {  	_ =	swait.ge [sflag:s28], $0x100  }
0x73: {  	s16 =	sadd.s32 $0x0, s19;
	[sflag:s28] =	ssyncset.done $0x0  }
0x74: {  	s15 =	sadd.s32 $0x300, s21;
	s14 =	simm.s32 $0x60;
	[sflag:s28] =	ssyncadd.s32 $0xFFFFFF00  }
0x75: {  	[tilespmem:s29], [sflag:$0x5] =	stream.indirect.gather [hbm4b:s1+s26], $0x80, s23, s26, $0xb8;
	[tilespmem:$0x1F300] =	vst v63  }
.LBB2_4:
0x76: {  	[tilespmem:s24], [sflag:$0x3] =	stream.linear.gather [hbm4b:s16+s4], $0x100, $0x38;
	[tilespmem:$0x1F300] =	vst v63  }
0x77: {  	s16 =	smov.u32 s14  }
0x78: {  	p0 =	sne.s32 s14, $0x9C0;
	s14 =	sadd.s32 $0x60, s14;
	_ =	swait.ge [sflag:s30], $0x3C00  }
0x79: {  	[sflag:s30] =	ssyncset.done $0x0  }
0x7a: {  	[sflag:s30] =	ssyncadd.s32 $0xFFFFC400  }
0x7b: {  	[spmem:s2] =	stream.indirect.scatter.add.f32 [tilespmem:s25], [sflag:$0x7], $0x80, s31, s26, $0xb8;
	[tilespmem:$0x1F300] =	vst v63  }
0x7c: {  	_ =	swait.ge [sflag:s22], $0x3C00  }
0x7d: {  	[sflag:s22] =	ssyncset.done $0x0  }
0x7e: {  	[sflag:s22] =	ssyncadd.s32 $0xFFFFC400  }
0x7f: {  	_ =	swait.ge [sflag:s0], $0x100  }
0x80: {  	[sflag:s0] =	ssyncset.done $0x0  }
0x81: {  	s17 =	sshrl.u32 s15, $0x3;
	[sflag:s0] =	ssyncadd.s32 $0xFFFFFF00  }
0x82: {  	[tilespmem:s3], [sflag:$0x6] =	stream.indirect.gather [hbm4b:s1+s26], $0x80, s24, s26, $0xb8;
	[tilespmem:$0x1F300] =	vst v63  }
0x83: {  	s17 =	sadd.s32 s5, s17  }
0x84: {  	[tilespmem:s4], [sflag:$0x1] =	stream.linear.gather [hbm4b:s17+s4], $0x100, $0x38;
	[tilespmem:$0x1F300] =	vst v63  }
0x85: {  	_ =	swait.ge [sflag:s7], $0x3C00  }
0x86: {  	[sflag:s7] =	ssyncset.done $0x0  }
0x87: {  	[sflag:s7] =	ssyncadd.s32 $0xFFFFC400  }
0x88: {  	[spmem:s2] =	stream.indirect.scatter.add.f32 [tilespmem:s29], [sflag:$0x7], $0x80, s9, s26, $0xb8;
	[tilespmem:$0x1F300] =	vst v63  }
0x89: {  	_ =	swait.ge [sflag:s22], $0x3C00  }
0x8a: {  	[sflag:s22] =	ssyncset.done $0x0  }
0x8b: {  	[sflag:s22] =	ssyncadd.s32 $0xFFFFC400  }
0x8c: {  	_ =	swait.ge [sflag:s10], $0x100  }
0x8d: {  	[sflag:s10] =	ssyncset.done $0x0  }
0x8e: {  	[sflag:s10] =	ssyncadd.s32 $0xFFFFFF00  }
0x8f: {  	[tilespmem:s25], [sflag:$0x4] =	stream.indirect.gather [hbm4b:s1+s26], $0x80, s4, s26, $0xb8;
	[tilespmem:$0x1F300] =	vst v63  }
0x90: {  	s17 =	sadd.s32 s16, s20  }
0x91: {  	[tilespmem:s23], [sflag:$0x2] =	stream.linear.gather [hbm4b:s17+s4], $0x100, $0x38;
	[tilespmem:$0x1F300] =	vst v63  }
0x92: {  	_ =	swait.ge [sflag:s11], $0x3C00  }
0x93: {  	[sflag:s11] =	ssyncset.done $0x0  }
0x94: {  	[sflag:s11] =	ssyncadd.s32 $0xFFFFC400  }
0x95: {  	[spmem:s2] =	stream.indirect.scatter.add.f32 [tilespmem:s3], [sflag:$0x7], $0x80, s12, s26, $0xb8;
	[tilespmem:$0x1F300] =	vst v63  }
0x96: {  	_ =	swait.ge [sflag:s22], $0x3C00  }
0x97: {  	[sflag:s22] =	ssyncset.done $0x0  }
0x98: {  	[sflag:s22] =	ssyncadd.s32 $0xFFFFC400  }
.Ltmp1:
0x99: {  	_ =	swait.ge [sflag:s28], $0x100;
	(pc) =	sbr.rel @p0 .LBB2_4-.Ltmp1, $4  }
0x9a: {  	[sflag:s28] =	ssyncset.done $0x0  }
0x9b: {  	[sflag:s28] =	ssyncadd.s32 $0xFFFFFF00  }
0x9c: {  	[tilespmem:s29], [sflag:$0x5] =	stream.indirect.gather [hbm4b:s1+s26], $0x80, s23, s26, $0xb8;
	[tilespmem:$0x1F300] =	vst v63  }
0x9d: {  	s15 =	sadd.s32 $0x300, s15;
	s16 =	sadd.s32 s16, s19  }
0x9e: {  	[tilespmem:s24], [sflag:$0x3] =	stream.linear.gather [hbm4b:s16+s4], $0x100, $0x38;
	[tilespmem:$0x1F300] =	vst v63  }
0x9f: {  	_ =	swait.ge [sflag:s30], $0x3C00  }
0xa0: {  	[sflag:s30] =	ssyncset.done $0x0  }
0xa1: {  	[sflag:s30] =	ssyncadd.s32 $0xFFFFC400  }
0xa2: {  	[spmem:s2] =	stream.indirect.scatter.add.f32 [tilespmem:s25], [sflag:$0x7], $0x80, s31, s26, $0xb8;
	[tilespmem:$0x1F300] =	vst v63  }
0xa3: {  	_ =	swait.ge [sflag:s22], $0x3C00  }
0xa4: {  	[sflag:s22] =	ssyncset.done $0x0  }
0xa5: {  	[sflag:s22] =	ssyncadd.s32 $0xFFFFC400  }
0xa6: {  	_ =	swait.ge [sflag:s0], $0x100  }
0xa7: {  	[sflag:s0] =	ssyncset.done $0x0  }
0xa8: {  	[sflag:s0] =	ssyncadd.s32 $0xFFFFFF00  }
0xa9: {  	[tilespmem:s3], [sflag:$0x6] =	stream.indirect.gather [hbm4b:s1+s26], $0x80, s24, s26, $0xb8;
	[tilespmem:$0x1F300] =	vst v63  }
0xaa: {  	s14 =	rddreg [dreg:$0xd]  }
0xab: {  	[tilespmem:s4], [sflag:$0x1] =	stream.linear.gather [hbm4b:s14+s4], $0x100, $0x38;
	[tilespmem:$0x1F300] =	vst v63  }
0xac: {  	_ =	swait.ge [sflag:s7], $0x3C00  }
0xad: {  	[sflag:s7] =	ssyncset.done $0x0  }
0xae: {  	[sflag:s7] =	ssyncadd.s32 $0xFFFFC400  }
0xaf: {  	[spmem:s2] =	stream.indirect.scatter.add.f32 [tilespmem:s29], [sflag:$0x7], $0x80, s9, s26, $0xb8;
	[tilespmem:$0x1F300] =	vst v63  }
0xb0: {  	_ =	swait.ge [sflag:s22], $0x3C00  }
0xb1: {  	[sflag:s22] =	ssyncset.done $0x0  }
0xb2: {  	[sflag:s22] =	ssyncadd.s32 $0xFFFFC400  }
0xb3: {  	_ =	swait.ge [sflag:s10], $0x100  }
0xb4: {  	[sflag:s10] =	ssyncset.done $0x0  }
0xb5: {  	[sflag:s10] =	ssyncadd.s32 $0xFFFFFF00  }
0xb6: {  	[tilespmem:s25], [sflag:$0x4] =	stream.indirect.gather [hbm4b:s1+s26], $0x80, s4, s26, $0xb8;
	[tilespmem:$0x1F300] =	vst v63  }
0xb7: {  	_ = 	snop  }
0xb8: {  	[tilespmem:s23], [sflag:$0x2] =	stream.linear.gather [hbm4b:s18+s4], $0x100, $0x38;
	[tilespmem:$0x1F300] =	vst v63  }
0xb9: {  	_ =	swait.ge [sflag:s11], $0x3C00  }
0xba: {  	[sflag:s11] =	ssyncset.done $0x0  }
0xbb: {  	[sflag:s11] =	ssyncadd.s32 $0xFFFFC400  }
0xbc: {  	[spmem:s2] =	stream.indirect.scatter.add.f32 [tilespmem:s3], [sflag:$0x7], $0x80, s12, s26, $0xb8;
	[tilespmem:$0x1F300] =	vst v63  }
0xbd: {  	_ =	swait.ge [sflag:s22], $0x3C00  }
0xbe: {  	[sflag:s22] =	ssyncset.done $0x0  }
0xbf: {  	[sflag:s22] =	ssyncadd.s32 $0xFFFFC400  }
0xc0: {  	_ =	swait.ge [sflag:s28], $0x100  }
0xc1: {  	[sflag:s28] =	ssyncset.done $0x0  }
0xc2: {  	[sflag:s28] =	ssyncadd.s32 $0xFFFFFF00  }
0xc3: {  	[tilespmem:s29], [sflag:$0x5] =	stream.indirect.gather [hbm4b:s1+s26], $0x80, s23, s26, $0xb8;
	[tilespmem:$0x1F300] =	vst v63  }
0xc4: {  	_ =	swait.ge [sflag:s30], $0x3C00  }
0xc5: {  	[sflag:s30] =	ssyncset.done $0x0  }
0xc6: {  	[sflag:s30] =	ssyncadd.s32 $0xFFFFC400  }
0xc7: {  	[spmem:s2] =	stream.indirect.scatter.add.f32 [tilespmem:s25], [sflag:$0x7], $0x80, s31, s26, $0xb8;
	[tilespmem:$0x1F300] =	vst v63  }
0xc8: {  	_ =	swait.ge [sflag:s22], $0x3C00  }
0xc9: {  	[sflag:s22] =	ssyncset.done $0x0  }
0xca: {  	[sflag:s22] =	ssyncadd.s32 $0xFFFFC400  }
0xcb: {  	_ =	swait.ge [sflag:s7], $0x3C00  }
0xcc: {  	[sflag:s7] =	ssyncset.done $0x0  }
0xcd: {  	[sflag:s7] =	ssyncadd.s32 $0xFFFFC400  }
0xce: {  	[spmem:s2] =	stream.indirect.scatter.add.f32 [tilespmem:s29], [sflag:$0x7], $0x80, s9, s26, $0xb8;
	[tilespmem:$0x1F300] =	vst v63  }
0xcf: {  	_ =	swait.ge [sflag:s22], $0x3C00  }
0xd0: {  	[sflag:s22] =	ssyncset.done $0x0  }
0xd1: {  	s16 =	stileid.u32;
	[sflag:s22] =	ssyncadd.s32 $0xFFFFC400  }
0xd2: {  	s14 =	sshll.u32 s16, $0x6;
	[bflag:$0x0] =	sbarrier.arrive $0xFFFF  }
0xd3: {  	s15 =	sshrl.u32 s8, $0x3;
	s14 =	sor.u32 $0x1C07, s14;
	s17 =	rddreg [dreg:$0xb]  }
0xd4: {  	[hbm:s17], [sflag:s14] =	dma.local [spmem:s15], $0x2780  }
0xd5: {  	_ =	swait.ge [sflag:s22], $0x2780  }
0xd6: {  	s13 =	sadd.s32 $0x1, s13;
	s17 =	rddreg [dreg:$0xc]  }
0xd7: {  	p0 =	sne.s32 s13, s17  }
.Ltmp2:
0xd8: {  	_ = 	snop;
	(pc) =	sbr.rel @p0 .LBB2_1-.Ltmp2, $3  }
0xd9: {  	_ =	sdelay $0x1  }
0xda: {  	[sflag:s22] =	ssyncset.done $0x0  }
0xdb: {  	[sflag:s22] =	ssyncadd.s32 $0xFFFFD880  }
0xdc: {  	_ =	sfence.sel $0x180000  }
0xdd: {  	[bflag:$0x0] =	sbarrier.arrive $0xFFFF  }
0xde: {  	_ =	strace $0x9000004A  }
0xdf: {  	s0 =	stileid.u32;
	[bflag:$0x2] =	sbarrier.arrive $0xFFFF  }
0xe0: {  	p0 =	sne.s32 s0, $0x0;
	s0 =	rddreg [dreg:$0x3]  }
0xe1: {  	s0 =	sadd.s32 @!p0 $0x100000, s0  }
0xe2: {  	[sflag:s0] =	ssyncadd.tile.s32 @!p0 $0x1;
	_ =	shalt  }
.Lfunc_end2:
_tile_overlayer_lowered:
.L_overlay_start_2:
0xe3: {  	(tag) =	ssettag $0x2  }
0xe4: {  	s0 =	rddreg [dreg:$0x0];
	s2 =	stileid.u32  }
0xe5: {  	s1 =	rddreg [dreg:$0x1];
	p0 =	sne.s32 s2, $0x0  }
0xe6: {  	s3 =	rddreg [dreg:$0x2];
	[bflag:$0x3] =	sbarrier.arrive $0xFFFF;
	s2 =	simm.s32 @!p0 $0x1C07  }
0xe7: {  	[timem:s3], [sflag:s2] =	dma.local @!p0 [hbm:s0], s1  }
0xe8: {  	s0 =	simm.s32 @!p0 $0x7  }
0xe9: {  	_ =	swait.ge @!p0 [sflag:s0], s1  }
0xea: {  	s1 =	ssub.s32 @!p0 $0x0, s1;
	[sflag:s0] =	ssyncset.done @!p0 $0x0  }
0xeb: {  	[sflag:s0] =	ssyncadd.s32 @!p0 s1  }
0xec: {  	[bflag:$0x3] =	sbarrier.arrive $0xFFFF  }
0xed: {  	_ =	shalt  }

</sc_bundles>
